<compile_context>
chip_gen: v7x
topology: tpu7x:2x2x1
jax: 0.10.2.dev20260603
libtpu: 0.0.44.dev20260713+nightly
codegen_flags: <defaults>
</compile_context>

<pallas_src>
import functools

import jax
import jax.numpy as jnp
from jax import lax
from jax.experimental import pallas as pl
from jax.experimental.pallas import tpu as pltpu
from jax.experimental.pallas import tpu_sc as plsc

N = 10000
E = 320000
DF = 128
FH = 64
NH1 = 8
NPAIR = 4
ROW1 = 2 * FH
AGG1 = ROW1 + 16
NLAB = 40
ROW2 = 48
B = 80
LANES = 16
NT = 16
NP = 10240
NSL = NP // NT


def _t1_body(x_ref, w_ref, asrc_ref, adst_ref, h1_ref, es_ref, ed_ref):
    xb = x_ref[...]
    hb = jnp.dot(xb, w_ref[...], preferred_element_type=jnp.float32)
    bn = hb.shape[0]
    h1_ref[...] = hb.reshape(bn, NPAIR, ROW1).transpose(1, 0, 2)
    h3 = hb.reshape(bn, NH1, FH)
    es = jnp.sum(h3 * asrc_ref[...][None], axis=2)
    ed = jnp.sum(h3 * adst_ref[...][None], axis=2)
    es_ref[...] = es.reshape(bn, NPAIR, 2).transpose(1, 0, 2)
    ed_ref[...] = ed.reshape(bn, NPAIR, 2).transpose(1, 0, 2)


B0 = 400


def _sc0_body(es_ref, ed_ref, src_ref, dst_ref, ex_out,
              es_v, ed_v, srcb, dstb, exb):
    c = lax.axis_index("c")
    s = lax.axis_index("s")
    iota = lax.broadcasted_iota(jnp.int32, (LANES,), 0)
    for p in range(2):
        k = 2 * p + c
        pltpu.sync_copy(es_ref.at[pl.ds(k * (2 * N), 2 * N)], es_v)
        pltpu.sync_copy(ed_ref.at[pl.ds(k * (2 * N), 2 * N)], ed_v)
        ebase = s * (E // NT)

        @pl.loop(0, E // NT // B0)
        def _chunk(i):
            off = ebase + i * B0
            pltpu.sync_copy(src_ref.at[pl.ds(off, B0)], srcb)
            pltpu.sync_copy(dst_ref.at[pl.ds(off, B0)], dstb)

            @pl.loop(0, B0 // LANES)
            def _g(g):
                sl = pl.ds(g * LANES, LANES)
                s2 = srcb[sl] * 2
                d2 = dstb[sl] * 2
                r2 = (iota + g * LANES) * 2
                for h in range(2):
                    t = (plsc.load_gather(es_v, [s2 + h]) +
                         plsc.load_gather(ed_v, [d2 + h]))
                    t = jnp.where(t > 0, t, t * 0.2)
                    plsc.store_scatter(exb, [r2 + h], jnp.exp(t))

            pltpu.sync_copy(
                exb, ex_out.at[pl.ds(k * (2 * E) + 2 * off, 2 * B0)])


def _sc1_body(h1_ref, ex_ref, src_ref, dst_ref, agg_out,
              srcb, dstb, gidx, exv, rows, scaled, zrows, agg_sh, sem):
    c = lax.axis_index("c")
    s = lax.axis_index("s")
    zero16 = jnp.zeros((LANES,), jnp.float32)
    iota = lax.broadcasted_iota(jnp.int32, (LANES,), 0)

    @pl.loop(0, B)
    def _z(j):
        for v in range(AGG1 // LANES):
            zrows[j, pl.ds(v * LANES, LANES)] = zero16

    for p in range(2):
        k = 2 * p + c
        base = s * NSL
        for t in range(NSL // B):
            pltpu.sync_copy(zrows, agg_sh.at[pl.ds(base + t * B, B)])
        plsc.subcore_barrier()

        ebase = s * (E // NT)
        koff = k * N

        @pl.loop(0, E // NT // B)
        def _chunk(i):
            off = ebase + i * B
            pltpu.sync_copy(src_ref.at[pl.ds(off, B)], srcb)
            pltpu.sync_copy(dst_ref.at[pl.ds(off, B)], dstb)

            @pl.loop(0, B // LANES)
            def _gi(g):
                sl = pl.ds(g * LANES, LANES)
                gidx[sl] = srcb[sl] + koff

            cp = pltpu.async_copy(h1_ref.at[gidx], rows, sem)
            pltpu.sync_copy(
                ex_ref.at[pl.ds(k * (2 * E) + 2 * off, 2 * B)], exv)
            cp.wait()

            @pl.loop(0, B)
            def _mul(j):
                eb0 = plsc.load_gather(
                    exv, [jnp.full((LANES,), 2 * j, jnp.int32)])
                eb1 = plsc.load_gather(
                    exv, [jnp.full((LANES,), 2 * j + 1, jnp.int32)])
                for v in range(ROW1 // LANES):
                    sl = pl.ds(v * LANES, LANES)
                    eb = eb0 if v < 4 else eb1
                    scaled[j, sl] = rows[j, sl] * eb
                mix = jnp.where(iota == 0, eb0,
                                jnp.where(iota == 1, eb1, 0.0))
                scaled[j, pl.ds(ROW1, LANES)] = mix

            pltpu.sync_copy(scaled, agg_sh.at[dstb], add=True)

        plsc.subcore_barrier()
        obase = k * NP + s * NSL
        for t in range(NSL // B):
            pltpu.sync_copy(agg_sh.at[pl.ds(base + t * B, B)],
                            agg_out.at[pl.ds(obase + t * B, B)])
        plsc.subcore_barrier()


def _t2_body(agg_ref, w_ref, a2s_ref, a2d_ref, h2e_ref, es2_ref, ed2_ref):
    blk = agg_ref[...]
    bn = blk.shape[1]
    parts = []
    for kk in range(NPAIR):
        for j in range(2):
            m = blk[kk, :, FH * j:FH * (j + 1)]
            sj = blk[kk, :, ROW1 + j:ROW1 + j + 1]
            sj = jnp.where(sj == 0.0, 1.0, sj)
            hp = m / sj
            parts.append(jnp.where(hp > 0, hp, jnp.exp(hp) - 1.0))
    hact = jnp.concatenate(parts, axis=1)
    h2 = jnp.dot(hact, w_ref[...], preferred_element_type=jnp.float32)
    h2e_ref[...] = jnp.concatenate(
        [h2, jnp.ones((bn, 1), jnp.float32),
         jnp.zeros((bn, ROW2 - NLAB - 1), jnp.float32)], axis=1)
    es2_ref[...] = jnp.dot(h2, a2s_ref[...].T,
                           preferred_element_type=jnp.float32)
    ed2_ref[...] = jnp.dot(h2, a2d_ref[...].T,
                           preferred_element_type=jnp.float32)


def _sc2_body(h2_ref, es_ref, ed_ref, src_ref, dst_ref, agg_out,
              es_v, ed_v, srcb, dstb, exv, rows, scaled, zrows, agg_sh,
              sem):
    c = lax.axis_index("c")
    s = lax.axis_index("s")
    zero16 = jnp.zeros((LANES,), jnp.float32)

    @pl.loop(0, B)
    def _z(j):
        for v in range(ROW2 // LANES):
            zrows[j, pl.ds(v * LANES, LANES)] = zero16
            scaled[j, pl.ds(v * LANES, LANES)] = zero16

    pltpu.sync_copy(es_ref, es_v)
    pltpu.sync_copy(ed_ref, ed_v)
    base = s * NSL
    for t in range(NSL // B):
        pltpu.sync_copy(zrows, agg_sh.at[pl.ds(base + t * B, B)])
    plsc.subcore_barrier()

    ebase = c * (E // 2) + s * (E // 32)

    @pl.loop(0, E // 32 // B)
    def _chunk(i):
        off = ebase + i * B
        pltpu.sync_copy(src_ref.at[pl.ds(off, B)], srcb)
        pltpu.sync_copy(dst_ref.at[pl.ds(off, B)], dstb)
        cp = pltpu.async_copy(h2_ref.at[srcb], rows, sem)

        @pl.loop(0, B // LANES)
        def _ex(g):
            sl = pl.ds(g * LANES, LANES)
            t = (plsc.load_gather(es_v, [srcb[sl]]) +
                 plsc.load_gather(ed_v, [dstb[sl]]))
            t = jnp.where(t > 0, t, t * 0.2)
            exv[sl] = jnp.exp(t)

        cp.wait()

        @pl.loop(0, B)
        def _mul(j):
            eb = plsc.load_gather(exv, [jnp.full((LANES,), j, jnp.int32)])
            for v in range(ROW2 // LANES):
                sl = pl.ds(v * LANES, LANES)
                scaled[j, sl] = rows[j, sl] * eb

        pltpu.sync_copy(scaled, agg_sh.at[dstb], add=True)

    plsc.subcore_barrier()
    obase = c * NP + s * NSL
    for t in range(NSL // B):
        pltpu.sync_copy(agg_sh.at[pl.ds(base + t * B, B)],
                        agg_out.at[pl.ds(obase + t * B, B)])


def _t3_body(p_ref, out_ref):
    blk = p_ref[...]
    m = blk[0] + blk[1]
    sc = m[:, NLAB:NLAB + 1]
    sc = jnp.where(sc == 0.0, 1.0, sc)
    logits = m[:, 0:NLAB] / sc
    mx = jnp.max(logits, axis=1, keepdims=True)
    e = jnp.exp(logits - mx)
    out_ref[...] = e / jnp.sum(e, axis=1, keepdims=True)


_MESH = plsc.VectorSubcoreMesh(core_axis_name="c", subcore_axis_name="s")

_SC_PARAMS = pltpu.CompilerParams(needs_layout_passes=False,
                                  use_tc_tiling_on_sc=False)

_sc0 = functools.partial(
    pl.kernel,
    out_type=jax.ShapeDtypeStruct((NPAIR * 2 * E,), jnp.float32),
    mesh=_MESH,
    compiler_params=_SC_PARAMS,
    scratch_types=[
        pltpu.VMEM((2 * N,), jnp.float32),
        pltpu.VMEM((2 * N,), jnp.float32),
        pltpu.VMEM((B0,), jnp.int32),
        pltpu.VMEM((B0,), jnp.int32),
        pltpu.VMEM((2 * B0,), jnp.float32),
    ],
)(_sc0_body)

_sc1 = functools.partial(
    pl.kernel,
    out_type=jax.ShapeDtypeStruct((NPAIR * NP, AGG1), jnp.float32),
    mesh=_MESH,
    compiler_params=_SC_PARAMS,
    scratch_types=[
        pltpu.VMEM((B,), jnp.int32),
        pltpu.VMEM((B,), jnp.int32),
        pltpu.VMEM((B,), jnp.int32),
        pltpu.VMEM((2 * B,), jnp.float32),
        pltpu.VMEM((B, ROW1), jnp.float32),
        pltpu.VMEM((B, AGG1), jnp.float32),
        pltpu.VMEM((B, AGG1), jnp.float32),
        pltpu.VMEM_SHARED((NP, AGG1), jnp.float32),
        pltpu.SemaphoreType.DMA,
    ],
)(_sc1_body)

_sc2 = functools.partial(
    pl.kernel,
    out_type=jax.ShapeDtypeStruct((2 * NP, ROW2), jnp.float32),
    mesh=_MESH,
    compiler_params=_SC_PARAMS,
    scratch_types=[
        pltpu.VMEM((NP,), jnp.float32),
        pltpu.VMEM((NP,), jnp.float32),
        pltpu.VMEM((B,), jnp.int32),
        pltpu.VMEM((B,), jnp.int32),
        pltpu.VMEM((B,), jnp.float32),
        pltpu.VMEM((B, ROW2), jnp.float32),
        pltpu.VMEM((B, ROW2), jnp.float32),
        pltpu.VMEM((B, ROW2), jnp.float32),
        pltpu.VMEM_SHARED((NP, ROW2), jnp.float32),
        pltpu.SemaphoreType.DMA,
    ],
)(_sc2_body)


def kernel(x, edge_index, W1, a1_src, a1_dst, W2, a2_src, a2_dst):
    src = edge_index[0]
    dst = edge_index[1]
    W1cat = jnp.transpose(W1, (1, 0, 2)).reshape(DF, NH1 * FH)
    W2cat = W2.reshape(NH1 * FH, NLAB)
    bn = 400
    g = N // bn

    h1p, es1, ed1 = pl.pallas_call(
        _t1_body,
        out_shape=[jax.ShapeDtypeStruct((NPAIR, N, ROW1), jnp.float32),
                   jax.ShapeDtypeStruct((NPAIR, N, 2), jnp.float32),
                   jax.ShapeDtypeStruct((NPAIR, N, 2), jnp.float32)],
        grid=(g,),
        in_specs=[pl.BlockSpec((bn, DF), lambda i: (i, 0)),
                  pl.BlockSpec((DF, NH1 * FH), lambda i: (0, 0)),
                  pl.BlockSpec((NH1, FH), lambda i: (0, 0)),
                  pl.BlockSpec((NH1, FH), lambda i: (0, 0))],
        out_specs=[pl.BlockSpec((NPAIR, bn, ROW1), lambda i: (0, i, 0)),
                   pl.BlockSpec((NPAIR, bn, 2), lambda i: (0, i, 0)),
                   pl.BlockSpec((NPAIR, bn, 2), lambda i: (0, i, 0))],
    )(x, W1cat, a1_src, a1_dst)

    ex1 = _sc0(es1.reshape(NPAIR * N * 2), ed1.reshape(NPAIR * N * 2),
               src, dst)
    agg1 = _sc1(h1p.reshape(NPAIR * N, ROW1), ex1, src, dst)

    bn2 = 512
    g2 = NP // bn2
    h2e, es2, ed2 = pl.pallas_call(
        _t2_body,
        out_shape=[jax.ShapeDtypeStruct((NP, ROW2), jnp.float32),
                   jax.ShapeDtypeStruct((NP, 1), jnp.float32),
                   jax.ShapeDtypeStruct((NP, 1), jnp.float32)],
        grid=(g2,),
        in_specs=[pl.BlockSpec((NPAIR, bn2, AGG1), lambda i: (0, i, 0)),
                  pl.BlockSpec((NH1 * FH, NLAB), lambda i: (0, 0)),
                  pl.BlockSpec((1, NLAB), lambda i: (0, 0)),
                  pl.BlockSpec((1, NLAB), lambda i: (0, 0))],
        out_specs=[pl.BlockSpec((bn2, ROW2), lambda i: (i, 0)),
                   pl.BlockSpec((bn2, 1), lambda i: (i, 0)),
                   pl.BlockSpec((bn2, 1), lambda i: (i, 0))],
    )(agg1.reshape(NPAIR, NP, AGG1), W2cat, a2_src, a2_dst)

    agg2 = _sc2(h2e, es2.reshape(NP), ed2.reshape(NP), src, dst)

    out = pl.pallas_call(
        _t3_body,
        out_shape=jax.ShapeDtypeStruct((N, NLAB), jnp.float32),
        grid=(g,),
        in_specs=[pl.BlockSpec((2, bn, ROW2), lambda i: (0, i, 0))],
        out_specs=pl.BlockSpec((bn, NLAB), lambda i: (i, 0)),
    )(agg2.reshape(2, NP, ROW2))
    return out

# --- scband reference (transcript-rebuilt; emitter-appended) ---
"""Pipeline reference for scband-gat-90898687853271 (READ-ONLY COPY).

The authoritative reference and input builder live on the scoring server;
editing this copy changes nothing except your own understanding.
"""

import jax, jax.numpy as jnp
import numpy as np

N_NODES = 10000
N_EDGES = 320000
D_FEAT = 128
NHIDDEN = 64
NHEADS = [8, 1]
NLABELS = 40


def setup_inputs(seed: int = 0) -> dict:
    key = jax.random.key(seed)
    ks = jax.random.split(key, 8)
    x = jax.random.normal(ks[0], (N_NODES, D_FEAT), dtype=jnp.float32)
    edge_index = jax.random.randint(ks[1], (2, N_EDGES), 0, N_NODES, dtype=jnp.int32)
    d_in2 = NHEADS[0] * NHIDDEN
    W1 = jax.random.normal(ks[2], (NHEADS[0], D_FEAT, NHIDDEN), dtype=jnp.float32) / np.sqrt(D_FEAT)
    a1_src = jax.random.normal(ks[3], (NHEADS[0], NHIDDEN), dtype=jnp.float32) * 0.1
    a1_dst = jax.random.normal(ks[4], (NHEADS[0], NHIDDEN), dtype=jnp.float32) * 0.1
    W2 = jax.random.normal(ks[5], (NHEADS[1], d_in2, NLABELS), dtype=jnp.float32) / np.sqrt(d_in2)
    a2_src = jax.random.normal(ks[6], (NHEADS[1], NLABELS), dtype=jnp.float32) * 0.1
    a2_dst = jax.random.normal(ks[7], (NHEADS[1], NLABELS), dtype=jnp.float32) * 0.1
    return {"x": x, "edge_index": edge_index, "W1": W1, "a1_src": a1_src,
            "a1_dst": a1_dst, "W2": W2, "a2_src": a2_src, "a2_dst": a2_dst}


def _gat_layer(x, edge_index, W, a_src, a_dst, reduction):
    src = edge_index[0]
    dst = edge_index[1]
    N = x.shape[0]
    # per-head linear projection: [H, N, F]
    h = jnp.einsum('nd,hdf->hnf', x, W)
    e_src = jnp.einsum('hnf,hf->hn', h, a_src)
    e_dst = jnp.einsum('hnf,hf->hn', h, a_dst)
    # per-edge attention logits (gather): [H, E]
    e = jax.nn.leaky_relu(e_src[:, src] + e_dst[:, dst], negative_slope=0.2)

    def seg_softmax(e_h):
        m = jax.ops.segment_max(e_h, dst, num_segments=N)
        m = jax.lax.stop_gradient(jnp.where(jnp.isfinite(m), m, 0.0))
        ex = jnp.exp(e_h - m[dst])
        s = jax.ops.segment_sum(ex, dst, num_segments=N)
        return ex / (s[dst] + 1e-16)

    alpha = jax.vmap(seg_softmax)(e)  # [H, E]
    msgs = h[:, src, :] * alpha[:, :, None]  # [H, E, F]
    agg = jax.vmap(lambda mm: jax.ops.segment_sum(mm, dst, num_segments=N))(msgs)  # [H, N, F]
    if reduction:
        return jnp.mean(agg, axis=0)
    return jnp.transpose(agg, (1, 0, 2)).reshape(N, -1)


def reference(x, edge_index, W1, a1_src, a1_dst, W2, a2_src, a2_dst):
    # eval mode: feature/coef dropout disabled (drop_rate = 0)
    h = jax.nn.elu(_gat_layer(x, edge_index, W1, a1_src, a1_dst, reduction=False))
    logits = _gat_layer(h, edge_index, W2, a2_src, a2_dst, reduction=True)
    out = jax.nn.softmax(logits, axis=-1)
    return jnp.squeeze(out)

if __name__ == "__main__":
    import jax
    _d = setup_inputs()
    print(jax.jit(kernel)(*tuple(_d.values())))

</pallas_src>

<mosaic_0001>
#map = affine_map<(d0, d1) -> (0)>
module attributes {stable_mosaic.version = 14 : i64} {
  func.func @_sc0_body(%arg0: i32, %arg1: i32, %arg2: memref<80000xf32, #tpu.memory_space<hbm>>, %arg3: memref<80000xf32, #tpu.memory_space<hbm>>, %arg4: memref<320000xi32, #tpu.memory_space<hbm>>, %arg5: memref<320000xi32, #tpu.memory_space<hbm>>, %arg6: memref<2560000xf32, #tpu.memory_space<hbm>>, %arg7: memref<20000xf32, #tpu.memory_space<vmem>>, %arg8: memref<20000xf32, #tpu.memory_space<vmem>>, %arg9: memref<400xi32, #tpu.memory_space<vmem>>, %arg10: memref<400xi32, #tpu.memory_space<vmem>>, %arg11: memref<800xf32, #tpu.memory_space<vmem>>) attributes {dimension_semantics = [#tpu.dimension_semantics<core_parallel>, #tpu.dimension_semantics<subcore_parallel>], iteration_bounds = array<i64: 2, 16>, scalar_prefetch = 0 : i64, scratch_operands = 5 : i64, tpu.core_type = #tpu.core_type<sc_vector_subcore>, window_params = [{transform_indices = #map}, {transform_indices = #map}, {transform_indices = #map}, {transform_indices = #map}, {transform_indices = #map}]} {
    %iota3A = tpu.iota {dimensions = array<i32: 0>} : vector<16xi32>
    %add3A = arith.constant 0 : i32
    %add3A_0 = arith.addi %add3A, %arg0 : i32
    %mul3A = arith.constant 20000 : i32
    %mul3A_1 = arith.muli %add3A_0, %mul3A : i32
    "tpu.region"() ({
      %run_scoped3A = tpu.sem_alloc : memref<!tpu.dma_semaphore, #tpu.memory_space<semaphore_mem>>
      %dma_start3A = tpu.memref_slice %arg2[%mul3A_1] : memref<80000xf32, #tpu.memory_space<hbm>> -> memref<20000xf32, #tpu.memory_space<hbm>>
      %dma_start3A_23 = tpu.memref_slice %arg2[%mul3A_1] : memref<80000xf32, #tpu.memory_space<hbm>> -> memref<20000xf32, #tpu.memory_space<hbm>>
      tpu.enqueue_dma source(%dma_start3A_23 : memref<20000xf32, #tpu.memory_space<hbm>>) target(%arg7 : memref<20000xf32, #tpu.memory_space<vmem>>) target_semaphore(%run_scoped3A : memref<!tpu.dma_semaphore, #tpu.memory_space<semaphore_mem>>)
      %dma_wait3A = tpu.memref_slice %arg2[%mul3A_1] : memref<80000xf32, #tpu.memory_space<hbm>> -> memref<20000xf32, #tpu.memory_space<hbm>>
      %dma_wait3A_24 = tpu.memref_slice %arg2[%mul3A_1] : memref<80000xf32, #tpu.memory_space<hbm>> -> memref<20000xf32, #tpu.memory_space<hbm>>
      tpu.wait_dma2 semaphore(%run_scoped3A : memref<!tpu.dma_semaphore, #tpu.memory_space<semaphore_mem>>) src(%dma_wait3A_24 : memref<20000xf32, #tpu.memory_space<hbm>>) dst(%arg7 : memref<20000xf32, #tpu.memory_space<vmem>>)
      tpu.yield
    }) : () -> ()
    %mul3A_2 = arith.constant 20000 : i32
    %mul3A_3 = arith.muli %add3A_0, %mul3A_2 : i32
    "tpu.region"() ({
      %run_scoped3A = tpu.sem_alloc : memref<!tpu.dma_semaphore, #tpu.memory_space<semaphore_mem>>
      %dma_start3A = tpu.memref_slice %arg3[%mul3A_3] : memref<80000xf32, #tpu.memory_space<hbm>> -> memref<20000xf32, #tpu.memory_space<hbm>>
      %dma_start3A_23 = tpu.memref_slice %arg3[%mul3A_3] : memref<80000xf32, #tpu.memory_space<hbm>> -> memref<20000xf32, #tpu.memory_space<hbm>>
      tpu.enqueue_dma source(%dma_start3A_23 : memref<20000xf32, #tpu.memory_space<hbm>>) target(%arg8 : memref<20000xf32, #tpu.memory_space<vmem>>) target_semaphore(%run_scoped3A : memref<!tpu.dma_semaphore, #tpu.memory_space<semaphore_mem>>)
      %dma_wait3A = tpu.memref_slice %arg3[%mul3A_3] : memref<80000xf32, #tpu.memory_space<hbm>> -> memref<20000xf32, #tpu.memory_space<hbm>>
      %dma_wait3A_24 = tpu.memref_slice %arg3[%mul3A_3] : memref<80000xf32, #tpu.memory_space<hbm>> -> memref<20000xf32, #tpu.memory_space<hbm>>
      tpu.wait_dma2 semaphore(%run_scoped3A : memref<!tpu.dma_semaphore, #tpu.memory_space<semaphore_mem>>) src(%dma_wait3A_24 : memref<20000xf32, #tpu.memory_space<hbm>>) dst(%arg8 : memref<20000xf32, #tpu.memory_space<vmem>>)
      tpu.yield
    }) : () -> ()
    %mul3A_4 = arith.constant 20000 : i32
    %mul3A_5 = arith.muli %arg1, %mul3A_4 : i32
    %scan3A = arith.constant 0 : i32
    %scan3A_6 = arith.constant 50 : i32
    %scan3A_7 = arith.addi %scan3A, %scan3A_6 : i32
    %scan3A_8 = arith.constant 1 : i32
    scf.for %scan3A_23 = %scan3A to %scan3A_7 step %scan3A_8  : i32 {
      %mul3A_24 = arith.constant 1 : i32
      %mul3A_25 = arith.muli %scan3A_23, %mul3A_24 : i32
      %add3A_26 = arith.constant 0 : i32
      %add3A_27 = arith.addi %add3A_26, %mul3A_25 : i32
      %mul3A_28 = arith.constant 400 : i32
      %mul3A_29 = arith.muli %add3A_27, %mul3A_28 : i32
      %add3A_30 = arith.addi %mul3A_5, %mul3A_29 : i32
      "tpu.region"() ({
        %run_scoped3A = tpu.sem_alloc : memref<!tpu.dma_semaphore, #tpu.memory_space<semaphore_mem>>
        %dma_start3A = tpu.memref_slice %arg4[%add3A_30] : memref<320000xi32, #tpu.memory_space<hbm>> -> memref<400xi32, #tpu.memory_space<hbm>>
        %dma_start3A_41 = tpu.memref_slice %arg4[%add3A_30] : memref<320000xi32, #tpu.memory_space<hbm>> -> memref<400xi32, #tpu.memory_space<hbm>>
        tpu.enqueue_dma source(%dma_start3A_41 : memref<400xi32, #tpu.memory_space<hbm>>) target(%arg9 : memref<400xi32, #tpu.memory_space<vmem>>) target_semaphore(%run_scoped3A : memref<!tpu.dma_semaphore, #tpu.memory_space<semaphore_mem>>)
        %dma_wait3A = tpu.memref_slice %arg4[%add3A_30] : memref<320000xi32, #tpu.memory_space<hbm>> -> memref<400xi32, #tpu.memory_space<hbm>>
        %dma_wait3A_42 = tpu.memref_slice %arg4[%add3A_30] : memref<320000xi32, #tpu.memory_space<hbm>> -> memref<400xi32, #tpu.memory_space<hbm>>
        tpu.wait_dma2 semaphore(%run_scoped3A : memref<!tpu.dma_semaphore, #tpu.memory_space<semaphore_mem>>) src(%dma_wait3A_42 : memref<400xi32, #tpu.memory_space<hbm>>) dst(%arg9 : memref<400xi32, #tpu.memory_space<vmem>>)
        tpu.yield
      }) : () -> ()
      "tpu.region"() ({
        %run_scoped3A = tpu.sem_alloc : memref<!tpu.dma_semaphore, #tpu.memory_space<semaphore_mem>>
        %dma_start3A = tpu.memref_slice %arg5[%add3A_30] : memref<320000xi32, #tpu.memory_space<hbm>> -> memref<400xi32, #tpu.memory_space<hbm>>
        %dma_start3A_41 = tpu.memref_slice %arg5[%add3A_30] : memref<320000xi32, #tpu.memory_space<hbm>> -> memref<400xi32, #tpu.memory_space<hbm>>
        tpu.enqueue_dma source(%dma_start3A_41 : memref<400xi32, #tpu.memory_space<hbm>>) target(%arg10 : memref<400xi32, #tpu.memory_space<vmem>>) target_semaphore(%run_scoped3A : memref<!tpu.dma_semaphore, #tpu.memory_space<semaphore_mem>>)
        %dma_wait3A = tpu.memref_slice %arg5[%add3A_30] : memref<320000xi32, #tpu.memory_space<hbm>> -> memref<400xi32, #tpu.memory_space<hbm>>
        %dma_wait3A_42 = tpu.memref_slice %arg5[%add3A_30] : memref<320000xi32, #tpu.memory_space<hbm>> -> memref<400xi32, #tpu.memory_space<hbm>>
        tpu.wait_dma2 semaphore(%run_scoped3A : memref<!tpu.dma_semaphore, #tpu.memory_space<semaphore_mem>>) src(%dma_wait3A_42 : memref<400xi32, #tpu.memory_space<hbm>>) dst(%arg10 : memref<400xi32, #tpu.memory_space<vmem>>)
        tpu.yield
      }) : () -> ()
      %scan3A_31 = arith.constant 0 : i32
      %scan3A_32 = arith.constant 25 : i32
      %scan3A_33 = arith.addi %scan3A_31, %scan3A_32 : i32
      %scan3A_34 = arith.constant 1 : i32
      scf.for %scan3A_41 = %scan3A_31 to %scan3A_33 step %scan3A_34  : i32 {
        %mul3A_42 = arith.constant 1 : i32
        %mul3A_43 = arith.muli %scan3A_41, %mul3A_42 : i32
        %add3A_44 = arith.constant 0 : i32
        %add3A_45 = arith.addi %add3A_44, %mul3A_43 : i32
        %mul3A_46 = arith.constant 16 : i32
        %mul3A_47 = arith.muli %add3A_45, %mul3A_46 : i32
        %get3A = arith.index_cast %mul3A_47 : i32 to index
        %get3A_48 = tpu.vector_load %arg9[%get3A] {strides = array<i32>} : memref<400xi32, #tpu.memory_space<vmem>>, vector<16xi32>,
        %mul3A_49 = arith.constant 2 : i32
        %mul3A_50 = vector.broadcast %mul3A_49 : i32 to vector<16xi32>
        %mul3A_51 = arith.muli %get3A_48, %mul3A_50 : vector<16xi32>
        %get3A_52 = arith.index_cast %mul3A_47 : i32 to index
        %get3A_53 = tpu.vector_load %arg10[%get3A_52] {strides = array<i32>} : memref<400xi32, #tpu.memory_space<vmem>>, vector<16xi32>,
        %mul3A_54 = arith.constant 2 : i32
        %mul3A_55 = vector.broadcast %mul3A_54 : i32 to vector<16xi32>
        %mul3A_56 = arith.muli %get3A_53, %mul3A_55 : vector<16xi32>
        %mul3A_57 = arith.constant 16 : i32
        %mul3A_58 = arith.muli %add3A_45, %mul3A_57 : i32
        %add3A_59 = vector.broadcast %mul3A_58 : i32 to vector<16xi32>
        %add3A_60 = arith.addi %iota3A, %add3A_59 : vector<16xi32>
        %mul3A_61 = arith.constant 2 : i32
        %mul3A_62 = vector.broadcast %mul3A_61 : i32 to vector<16xi32>
        %mul3A_63 = arith.muli %add3A_60, %mul3A_62 : vector<16xi32>
        %add3A_64 = arith.constant 0 : i32
        %add3A_65 = vector.broadcast %add3A_64 : i32 to vector<16xi32>
        %add3A_66 = arith.addi %mul3A_51, %add3A_65 : vector<16xi32>
        %gather3A = tpu.vector_load_idx %arg7[%add3A_66] : memref<20000xf32, #tpu.memory_space<vmem>>[vector<16xi32>], vector<16xf32>,
        %add3A_67 = arith.constant 0 : i32
        %add3A_68 = vector.broadcast %add3A_67 : i32 to vector<16xi32>
        %add3A_69 = arith.addi %mul3A_56, %add3A_68 : vector<16xi32>
        %gather3A_70 = tpu.vector_load_idx %arg8[%add3A_69] : memref<20000xf32, #tpu.memory_space<vmem>>[vector<16xi32>], vector<16xf32>,
        %add3A_71 = arith.addf %gather3A, %gather3A_70 : vector<16xf32>
        %gt3A = arith.constant 0.000000e+00 : f32
        %gt3A_72 = vector.broadcast %gt3A : f32 to vector<16xf32>
        %gt3A_73 = arith.cmpf ogt, %add3A_71, %gt3A_72 : vector<16xf32>
        %mul3A_74 = arith.constant 2.000000e-01 : f32
        %mul3A_75 = vector.broadcast %mul3A_74 : f32 to vector<16xf32>
        %mul3A_76 = arith.mulf %add3A_71, %mul3A_75 : vector<16xf32>
        %select_n3A = arith.select %gt3A_73, %add3A_71, %mul3A_76 : vector<16xi1>, vector<16xf32>
        %add3A_77 = arith.constant 0 : i32
        %add3A_78 = vector.broadcast %add3A_77 : i32 to vector<16xi32>
        %add3A_79 = arith.addi %mul3A_63, %add3A_78 : vector<16xi32>
        %exp3A = math.exp %select_n3A : vector<16xf32>
        tpu.vector_store_idx %arg11[%add3A_79], %exp3A : memref<800xf32, #tpu.memory_space<vmem>>[vector<16xi32>], vector<16xf32>,
        %add3A_80 = arith.constant 1 : i32
        %add3A_81 = vector.broadcast %add3A_80 : i32 to vector<16xi32>
        %add3A_82 = arith.addi %mul3A_51, %add3A_81 : vector<16xi32>
        %gather3A_83 = tpu.vector_load_idx %arg7[%add3A_82] : memref<20000xf32, #tpu.memory_space<vmem>>[vector<16xi32>], vector<16xf32>,
        %add3A_84 = arith.constant 1 : i32
        %add3A_85 = vector.broadcast %add3A_84 : i32 to vector<16xi32>
        %add3A_86 = arith.addi %mul3A_56, %add3A_85 : vector<16xi32>
        %gather3A_87 = tpu.vector_load_idx %arg8[%add3A_86] : memref<20000xf32, #tpu.memory_space<vmem>>[vector<16xi32>], vector<16xf32>,
        %add3A_88 = arith.addf %gather3A_83, %gather3A_87 : vector<16xf32>
        %gt3A_89 = arith.constant 0.000000e+00 : f32
        %gt3A_90 = vector.broadcast %gt3A_89 : f32 to vector<16xf32>
        %gt3A_91 = arith.cmpf ogt, %add3A_88, %gt3A_90 : vector<16xf32>
        %mul3A_92 = arith.constant 2.000000e-01 : f32
        %mul3A_93 = vector.broadcast %mul3A_92 : f32 to vector<16xf32>
        %mul3A_94 = arith.mulf %add3A_88, %mul3A_93 : vector<16xf32>
        %select_n3A_95 = arith.select %gt3A_91, %add3A_88, %mul3A_94 : vector<16xi1>, vector<16xf32>
        %add3A_96 = arith.constant 1 : i32
        %add3A_97 = vector.broadcast %add3A_96 : i32 to vector<16xi32>
        %add3A_98 = arith.addi %mul3A_63, %add3A_97 : vector<16xi32>
        %exp3A_99 = math.exp %select_n3A_95 : vector<16xf32>
        tpu.vector_store_idx %arg11[%add3A_98], %exp3A_99 : memref<800xf32, #tpu.memory_space<vmem>>[vector<16xi32>], vector<16xf32>,
      }
      %scan3A_35 = arith.constant 25 : i32
      %mul3A_36 = arith.constant 640000 : i32
      %mul3A_37 = arith.muli %add3A_0, %mul3A_36 : i32
      %mul3A_38 = arith.constant 2 : i32
      %mul3A_39 = arith.muli %mul3A_38, %add3A_30 : i32
      %add3A_40 = arith.addi %mul3A_37, %mul3A_39 : i32
      "tpu.region"() ({
        %run_scoped3A = tpu.sem_alloc : memref<!tpu.dma_semaphore, #tpu.memory_space<semaphore_mem>>
        %dma_start3A = tpu.memref_slice %arg6[%add3A_40] : memref<2560000xf32, #tpu.memory_space<hbm>> -> memref<800xf32, #tpu.memory_space<hbm>>
        %dma_start3A_41 = tpu.memref_slice %arg6[%add3A_40] : memref<2560000xf32, #tpu.memory_space<hbm>> -> memref<800xf32, #tpu.memory_space<hbm>>
        tpu.enqueue_dma source(%arg11 : memref<800xf32, #tpu.memory_space<vmem>>) target(%dma_start3A_41 : memref<800xf32, #tpu.memory_space<hbm>>) target_semaphore(%run_scoped3A : memref<!tpu.dma_semaphore, #tpu.memory_space<semaphore_mem>>)
        %dma_wait3A = tpu.memref_slice %arg6[%add3A_40] : memref<2560000xf32, #tpu.memory_space<hbm>> -> memref<800xf32, #tpu.memory_space<hbm>>
        %dma_wait3A_42 = tpu.memref_slice %arg6[%add3A_40] : memref<2560000xf32, #tpu.memory_space<hbm>> -> memref<800xf32, #tpu.memory_space<hbm>>
        tpu.wait_dma2 semaphore(%run_scoped3A : memref<!tpu.dma_semaphore, #tpu.memory_space<semaphore_mem>>) src(%arg11 : memref<800xf32, #tpu.memory_space<vmem>>) dst(%dma_wait3A_42 : memref<800xf32, #tpu.memory_space<hbm>>)
        tpu.yield
      }) : () -> ()
    }
    %scan3A_9 = arith.constant 50 : i32
    %add3A_10 = arith.constant 2 : i32
    %add3A_11 = arith.addi %add3A_10, %arg0 : i32
    %mul3A_12 = arith.constant 20000 : i32
    %mul3A_13 = arith.muli %add3A_11, %mul3A_12 : i32
    "tpu.region"() ({
      %run_scoped3A = tpu.sem_alloc : memref<!tpu.dma_semaphore, #tpu.memory_space<semaphore_mem>>
      %dma_start3A = tpu.memref_slice %arg2[%mul3A_13] : memref<80000xf32, #tpu.memory_space<hbm>> -> memref<20000xf32, #tpu.memory_space<hbm>>
      %dma_start3A_23 = tpu.memref_slice %arg2[%mul3A_13] : memref<80000xf32, #tpu.memory_space<hbm>> -> memref<20000xf32, #tpu.memory_space<hbm>>
      tpu.enqueue_dma source(%dma_start3A_23 : memref<20000xf32, #tpu.memory_space<hbm>>) target(%arg7 : memref<20000xf32, #tpu.memory_space<vmem>>) target_semaphore(%run_scoped3A : memref<!tpu.dma_semaphore, #tpu.memory_space<semaphore_mem>>)
      %dma_wait3A = tpu.memref_slice %arg2[%mul3A_13] : memref<80000xf32, #tpu.memory_space<hbm>> -> memref<20000xf32, #tpu.memory_space<hbm>>
      %dma_wait3A_24 = tpu.memref_slice %arg2[%mul3A_13] : memref<80000xf32, #tpu.memory_space<hbm>> -> memref<20000xf32, #tpu.memory_space<hbm>>
      tpu.wait_dma2 semaphore(%run_scoped3A : memref<!tpu.dma_semaphore, #tpu.memory_space<semaphore_mem>>) src(%dma_wait3A_24 : memref<20000xf32, #tpu.memory_space<hbm>>) dst(%arg7 : memref<20000xf32, #tpu.memory_space<vmem>>)
      tpu.yield
    }) : () -> ()
    %mul3A_14 = arith.constant 20000 : i32
    %mul3A_15 = arith.muli %add3A_11, %mul3A_14 : i32
    "tpu.region"() ({
      %run_scoped3A = tpu.sem_alloc : memref<!tpu.dma_semaphore, #tpu.memory_space<semaphore_mem>>
      %dma_start3A = tpu.memref_slice %arg3[%mul3A_15] : memref<80000xf32, #tpu.memory_space<hbm>> -> memref<20000xf32, #tpu.memory_space<hbm>>
      %dma_start3A_23 = tpu.memref_slice %arg3[%mul3A_15] : memref<80000xf32, #tpu.memory_space<hbm>> -> memref<20000xf32, #tpu.memory_space<hbm>>
      tpu.enqueue_dma source(%dma_start3A_23 : memref<20000xf32, #tpu.memory_space<hbm>>) target(%arg8 : memref<20000xf32, #tpu.memory_space<vmem>>) target_semaphore(%run_scoped3A : memref<!tpu.dma_semaphore, #tpu.memory_space<semaphore_mem>>)
      %dma_wait3A = tpu.memref_slice %arg3[%mul3A_15] : memref<80000xf32, #tpu.memory_space<hbm>> -> memref<20000xf32, #tpu.memory_space<hbm>>
      %dma_wait3A_24 = tpu.memref_slice %arg3[%mul3A_15] : memref<80000xf32, #tpu.memory_space<hbm>> -> memref<20000xf32, #tpu.memory_space<hbm>>
      tpu.wait_dma2 semaphore(%run_scoped3A : memref<!tpu.dma_semaphore, #tpu.memory_space<semaphore_mem>>) src(%dma_wait3A_24 : memref<20000xf32, #tpu.memory_space<hbm>>) dst(%arg8 : memref<20000xf32, #tpu.memory_space<vmem>>)
      tpu.yield
    }) : () -> ()
    %mul3A_16 = arith.constant 20000 : i32
    %mul3A_17 = arith.muli %arg1, %mul3A_16 : i32
    %scan3A_18 = arith.constant 0 : i32
    %scan3A_19 = arith.constant 50 : i32
    %scan3A_20 = arith.addi %scan3A_18, %scan3A_19 : i32
    %scan3A_21 = arith.constant 1 : i32
    scf.for %scan3A_23 = %scan3A_18 to %scan3A_20 step %scan3A_21  : i32 {
      %mul3A_24 = arith.constant 1 : i32
      %mul3A_25 = arith.muli %scan3A_23, %mul3A_24 : i32
      %add3A_26 = arith.constant 0 : i32
      %add3A_27 = arith.addi %add3A_26, %mul3A_25 : i32
      %mul3A_28 = arith.constant 400 : i32
      %mul3A_29 = arith.muli %add3A_27, %mul3A_28 : i32
      %add3A_30 = arith.addi %mul3A_17, %mul3A_29 : i32
      "tpu.region"() ({
        %run_scoped3A = tpu.sem_alloc : memref<!tpu.dma_semaphore, #tpu.memory_space<semaphore_mem>>
        %dma_start3A = tpu.memref_slice %arg4[%add3A_30] : memref<320000xi32, #tpu.memory_space<hbm>> -> memref<400xi32, #tpu.memory_space<hbm>>
        %dma_start3A_41 = tpu.memref_slice %arg4[%add3A_30] : memref<320000xi32, #tpu.memory_space<hbm>> -> memref<400xi32, #tpu.memory_space<hbm>>
        tpu.enqueue_dma source(%dma_start3A_41 : memref<400xi32, #tpu.memory_space<hbm>>) target(%arg9 : memref<400xi32, #tpu.memory_space<vmem>>) target_semaphore(%run_scoped3A : memref<!tpu.dma_semaphore, #tpu.memory_space<semaphore_mem>>)
        %dma_wait3A = tpu.memref_slice %arg4[%add3A_30] : memref<320000xi32, #tpu.memory_space<hbm>> -> memref<400xi32, #tpu.memory_space<hbm>>
        %dma_wait3A_42 = tpu.memref_slice %arg4[%add3A_30] : memref<320000xi32, #tpu.memory_space<hbm>> -> memref<400xi32, #tpu.memory_space<hbm>>
        tpu.wait_dma2 semaphore(%run_scoped3A : memref<!tpu.dma_semaphore, #tpu.memory_space<semaphore_mem>>) src(%dma_wait3A_42 : memref<400xi32, #tpu.memory_space<hbm>>) dst(%arg9 : memref<400xi32, #tpu.memory_space<vmem>>)
        tpu.yield
      }) : () -> ()
      "tpu.region"() ({
        %run_scoped3A = tpu.sem_alloc : memref<!tpu.dma_semaphore, #tpu.memory_space<semaphore_mem>>
        %dma_start3A = tpu.memref_slice %arg5[%add3A_30] : memref<320000xi32, #tpu.memory_space<hbm>> -> memref<400xi32, #tpu.memory_space<hbm>>
        %dma_start3A_41 = tpu.memref_slice %arg5[%add3A_30] : memref<320000xi32, #tpu.memory_space<hbm>> -> memref<400xi32, #tpu.memory_space<hbm>>
        tpu.enqueue_dma source(%dma_start3A_41 : memref<400xi32, #tpu.memory_space<hbm>>) target(%arg10 : memref<400xi32, #tpu.memory_space<vmem>>) target_semaphore(%run_scoped3A : memref<!tpu.dma_semaphore, #tpu.memory_space<semaphore_mem>>)
        %dma_wait3A = tpu.memref_slice %arg5[%add3A_30] : memref<320000xi32, #tpu.memory_space<hbm>> -> memref<400xi32, #tpu.memory_space<hbm>>
        %dma_wait3A_42 = tpu.memref_slice %arg5[%add3A_30] : memref<320000xi32, #tpu.memory_space<hbm>> -> memref<400xi32, #tpu.memory_space<hbm>>
        tpu.wait_dma2 semaphore(%run_scoped3A : memref<!tpu.dma_semaphore, #tpu.memory_space<semaphore_mem>>) src(%dma_wait3A_42 : memref<400xi32, #tpu.memory_space<hbm>>) dst(%arg10 : memref<400xi32, #tpu.memory_space<vmem>>)
        tpu.yield
      }) : () -> ()
      %scan3A_31 = arith.constant 0 : i32
      %scan3A_32 = arith.constant 25 : i32
      %scan3A_33 = arith.addi %scan3A_31, %scan3A_32 : i32
      %scan3A_34 = arith.constant 1 : i32
      scf.for %scan3A_41 = %scan3A_31 to %scan3A_33 step %scan3A_34  : i32 {
        %mul3A_42 = arith.constant 1 : i32
        %mul3A_43 = arith.muli %scan3A_41, %mul3A_42 : i32
        %add3A_44 = arith.constant 0 : i32
        %add3A_45 = arith.addi %add3A_44, %mul3A_43 : i32
        %mul3A_46 = arith.constant 16 : i32
        %mul3A_47 = arith.muli %add3A_45, %mul3A_46 : i32
        %get3A = arith.index_cast %mul3A_47 : i32 to index
        %get3A_48 = tpu.vector_load %arg9[%get3A] {strides = array<i32>} : memref<400xi32, #tpu.memory_space<vmem>>, vector<16xi32>,
        %mul3A_49 = arith.constant 2 : i32
        %mul3A_50 = vector.broadcast %mul3A_49 : i32 to vector<16xi32>
        %mul3A_51 = arith.muli %get3A_48, %mul3A_50 : vector<16xi32>
        %get3A_52 = arith.index_cast %mul3A_47 : i32 to index
        %get3A_53 = tpu.vector_load %arg10[%get3A_52] {strides = array<i32>} : memref<400xi32, #tpu.memory_space<vmem>>, vector<16xi32>,
        %mul3A_54 = arith.constant 2 : i32
        %mul3A_55 = vector.broadcast %mul3A_54 : i32 to vector<16xi32>
        %mul3A_56 = arith.muli %get3A_53, %mul3A_55 : vector<16xi32>
        %mul3A_57 = arith.constant 16 : i32
        %mul3A_58 = arith.muli %add3A_45, %mul3A_57 : i32
        %add3A_59 = vector.broadcast %mul3A_58 : i32 to vector<16xi32>
        %add3A_60 = arith.addi %iota3A, %add3A_59 : vector<16xi32>
        %mul3A_61 = arith.constant 2 : i32
        %mul3A_62 = vector.broadcast %mul3A_61 : i32 to vector<16xi32>
        %mul3A_63 = arith.muli %add3A_60, %mul3A_62 : vector<16xi32>
        %add3A_64 = arith.constant 0 : i32
        %add3A_65 = vector.broadcast %add3A_64 : i32 to vector<16xi32>
        %add3A_66 = arith.addi %mul3A_51, %add3A_65 : vector<16xi32>
        %gather3A = tpu.vector_load_idx %arg7[%add3A_66] : memref<20000xf32, #tpu.memory_space<vmem>>[vector<16xi32>], vector<16xf32>,
        %add3A_67 = arith.constant 0 : i32
        %add3A_68 = vector.broadcast %add3A_67 : i32 to vector<16xi32>
        %add3A_69 = arith.addi %mul3A_56, %add3A_68 : vector<16xi32>
        %gather3A_70 = tpu.vector_load_idx %arg8[%add3A_69] : memref<20000xf32, #tpu.memory_space<vmem>>[vector<16xi32>], vector<16xf32>,
        %add3A_71 = arith.addf %gather3A, %gather3A_70 : vector<16xf32>
        %gt3A = arith.constant 0.000000e+00 : f32
        %gt3A_72 = vector.broadcast %gt3A : f32 to vector<16xf32>
        %gt3A_73 = arith.cmpf ogt, %add3A_71, %gt3A_72 : vector<16xf32>
        %mul3A_74 = arith.constant 2.000000e-01 : f32
        %mul3A_75 = vector.broadcast %mul3A_74 : f32 to vector<16xf32>
        %mul3A_76 = arith.mulf %add3A_71, %mul3A_75 : vector<16xf32>
        %select_n3A = arith.select %gt3A_73, %add3A_71, %mul3A_76 : vector<16xi1>, vector<16xf32>
        %add3A_77 = arith.constant 0 : i32
        %add3A_78 = vector.broadcast %add3A_77 : i32 to vector<16xi32>
        %add3A_79 = arith.addi %mul3A_63, %add3A_78 : vector<16xi32>
        %exp3A = math.exp %select_n3A : vector<16xf32>
        tpu.vector_store_idx %arg11[%add3A_79], %exp3A : memref<800xf32, #tpu.memory_space<vmem>>[vector<16xi32>], vector<16xf32>,
        %add3A_80 = arith.constant 1 : i32
        %add3A_81 = vector.broadcast %add3A_80 : i32 to vector<16xi32>
        %add3A_82 = arith.addi %mul3A_51, %add3A_81 : vector<16xi32>
        %gather3A_83 = tpu.vector_load_idx %arg7[%add3A_82] : memref<20000xf32, #tpu.memory_space<vmem>>[vector<16xi32>], vector<16xf32>,
        %add3A_84 = arith.constant 1 : i32
        %add3A_85 = vector.broadcast %add3A_84 : i32 to vector<16xi32>
        %add3A_86 = arith.addi %mul3A_56, %add3A_85 : vector<16xi32>
        %gather3A_87 = tpu.vector_load_idx %arg8[%add3A_86] : memref<20000xf32, #tpu.memory_space<vmem>>[vector<16xi32>], vector<16xf32>,
        %add3A_88 = arith.addf %gather3A_83, %gather3A_87 : vector<16xf32>
        %gt3A_89 = arith.constant 0.000000e+00 : f32
        %gt3A_90 = vector.broadcast %gt3A_89 : f32 to vector<16xf32>
        %gt3A_91 = arith.cmpf ogt, %add3A_88, %gt3A_90 : vector<16xf32>
        %mul3A_92 = arith.constant 2.000000e-01 : f32
        %mul3A_93 = vector.broadcast %mul3A_92 : f32 to vector<16xf32>
        %mul3A_94 = arith.mulf %add3A_88, %mul3A_93 : vector<16xf32>
        %select_n3A_95 = arith.select %gt3A_91, %add3A_88, %mul3A_94 : vector<16xi1>, vector<16xf32>
        %add3A_96 = arith.constant 1 : i32
        %add3A_97 = vector.broadcast %add3A_96 : i32 to vector<16xi32>
        %add3A_98 = arith.addi %mul3A_63, %add3A_97 : vector<16xi32>
        %exp3A_99 = math.exp %select_n3A_95 : vector<16xf32>
        tpu.vector_store_idx %arg11[%add3A_98], %exp3A_99 : memref<800xf32, #tpu.memory_space<vmem>>[vector<16xi32>], vector<16xf32>,
      }
      %scan3A_35 = arith.constant 25 : i32
      %mul3A_36 = arith.constant 640000 : i32
      %mul3A_37 = arith.muli %add3A_11, %mul3A_36 : i32
      %mul3A_38 = arith.constant 2 : i32
      %mul3A_39 = arith.muli %mul3A_38, %add3A_30 : i32
      %add3A_40 = arith.addi %mul3A_37, %mul3A_39 : i32
      "tpu.region"() ({
        %run_scoped3A = tpu.sem_alloc : memref<!tpu.dma_semaphore, #tpu.memory_space<semaphore_mem>>
        %dma_start3A = tpu.memref_slice %arg6[%add3A_40] : memref<2560000xf32, #tpu.memory_space<hbm>> -> memref<800xf32, #tpu.memory_space<hbm>>
        %dma_start3A_41 = tpu.memref_slice %arg6[%add3A_40] : memref<2560000xf32, #tpu.memory_space<hbm>> -> memref<800xf32, #tpu.memory_space<hbm>>
        tpu.enqueue_dma source(%arg11 : memref<800xf32, #tpu.memory_space<vmem>>) target(%dma_start3A_41 : memref<800xf32, #tpu.memory_space<hbm>>) target_semaphore(%run_scoped3A : memref<!tpu.dma_semaphore, #tpu.memory_space<semaphore_mem>>)
        %dma_wait3A = tpu.memref_slice %arg6[%add3A_40] : memref<2560000xf32, #tpu.memory_space<hbm>> -> memref<800xf32, #tpu.memory_space<hbm>>
        %dma_wait3A_42 = tpu.memref_slice %arg6[%add3A_40] : memref<2560000xf32, #tpu.memory_space<hbm>> -> memref<800xf32, #tpu.memory_space<hbm>>
        tpu.wait_dma2 semaphore(%run_scoped3A : memref<!tpu.dma_semaphore, #tpu.memory_space<semaphore_mem>>) src(%arg11 : memref<800xf32, #tpu.memory_space<vmem>>) dst(%dma_wait3A_42 : memref<800xf32, #tpu.memory_space<hbm>>)
        tpu.yield
      }) : () -> ()
    }
    %scan3A_22 = arith.constant 50 : i32
    return
  }
}

#map = affine_map<(d0, d1) -> (0, 0)>
#map1 = affine_map<(d0, d1) -> (0)>
module attributes {stable_mosaic.version = 14 : i64} {
  func.func @_sc1_body(%arg0: i32, %arg1: i32, %arg2: memref<40000x128xf32, #tpu.memory_space<hbm>>, %arg3: memref<2560000xf32, #tpu.memory_space<hbm>>, %arg4: memref<320000xi32, #tpu.memory_space<hbm>>, %arg5: memref<320000xi32, #tpu.memory_space<hbm>>, %arg6: memref<40960x144xf32, #tpu.memory_space<hbm>>, %arg7: memref<80xi32, #tpu.memory_space<vmem>>, %arg8: memref<80xi32, #tpu.memory_space<vmem>>, %arg9: memref<80xi32, #tpu.memory_space<vmem>>, %arg10: memref<160xf32, #tpu.memory_space<vmem>>, %arg11: memref<80x128xf32, #tpu.memory_space<vmem>>, %arg12: memref<80x144xf32, #tpu.memory_space<vmem>>, %arg13: memref<80x144xf32, #tpu.memory_space<vmem>>, %arg14: memref<10240x144xf32, #tpu.memory_space<vmem_shared>>, %arg15: memref<!tpu.dma_semaphore, #tpu.memory_space<semaphore_mem>>) attributes {dimension_semantics = [#tpu.dimension_semantics<core_parallel>, #tpu.dimension_semantics<subcore_parallel>], iteration_bounds = array<i64: 2, 16>, scalar_prefetch = 0 : i64, scratch_operands = 9 : i64, tpu.core_type = #tpu.core_type<sc_vector_subcore>, window_params = [{transform_indices = #map}, {transform_indices = #map1}, {transform_indices = #map1}, {transform_indices = #map1}, {transform_indices = #map}]} {
    %broadcast_in_dim3A = arith.constant 0.000000e+00 : f32
    %broadcast_in_dim3A_0 = vector.broadcast %broadcast_in_dim3A : f32 to vector<16xf32>
    %iota3A = tpu.iota {dimensions = array<i32: 0>} : vector<16xi32>
    %scan3A = arith.constant 0 : i32
    %scan3A_1 = arith.constant 80 : i32
    %scan3A_2 = arith.addi %scan3A, %scan3A_1 : i32
    %scan3A_3 = arith.constant 1 : i32
    scf.for %scan3A_140 = %scan3A to %scan3A_2 step %scan3A_3  : i32 {
      %mul3A_141 = arith.constant 1 : i32
      %mul3A_142 = arith.muli %scan3A_140, %mul3A_141 : i32
      %add3A_143 = arith.constant 0 : i32
      %add3A_144 = arith.addi %add3A_143, %mul3A_142 : i32
      %swap3A = arith.index_cast %add3A_144 : i32 to index
      %swap3A_145 = arith.constant 0 : index
      %swap3A_146 = tpu.vector_load %arg13[%swap3A, %swap3A_145] {strides = array<i32>} : memref<80x144xf32, #tpu.memory_space<vmem>>, vector<16xf32>,
      tpu.vector_store %arg13[%swap3A, %swap3A_145], %broadcast_in_dim3A_0 {strides = array<i32>} : memref<80x144xf32, #tpu.memory_space<vmem>>, vector<16xf32>,
      %swap3A_147 = arith.index_cast %add3A_144 : i32 to index
      %swap3A_148 = arith.constant 16 : index
      %swap3A_149 = tpu.vector_load %arg13[%swap3A_147, %swap3A_148] {strides = array<i32>} : memref<80x144xf32, #tpu.memory_space<vmem>>, vector<16xf32>,
      tpu.vector_store %arg13[%swap3A_147, %swap3A_148], %broadcast_in_dim3A_0 {strides = array<i32>} : memref<80x144xf32, #tpu.memory_space<vmem>>, vector<16xf32>,
      %swap3A_150 = arith.index_cast %add3A_144 : i32 to index
      %swap3A_151 = arith.constant 32 : index
      %swap3A_152 = tpu.vector_load %arg13[%swap3A_150, %swap3A_151] {strides = array<i32>} : memref<80x144xf32, #tpu.memory_space<vmem>>, vector<16xf32>,
      tpu.vector_store %arg13[%swap3A_150, %swap3A_151], %broadcast_in_dim3A_0 {strides = array<i32>} : memref<80x144xf32, #tpu.memory_space<vmem>>, vector<16xf32>,
      %swap3A_153 = arith.index_cast %add3A_144 : i32 to index
      %swap3A_154 = arith.constant 48 : index
      %swap3A_155 = tpu.vector_load %arg13[%swap3A_153, %swap3A_154] {strides = array<i32>} : memref<80x144xf32, #tpu.memory_space<vmem>>, vector<16xf32>,
      tpu.vector_store %arg13[%swap3A_153, %swap3A_154], %broadcast_in_dim3A_0 {strides = array<i32>} : memref<80x144xf32, #tpu.memory_space<vmem>>, vector<16xf32>,
      %swap3A_156 = arith.index_cast %add3A_144 : i32 to index
      %swap3A_157 = arith.constant 64 : index
      %swap3A_158 = tpu.vector_load %arg13[%swap3A_156, %swap3A_157] {strides = array<i32>} : memref<80x144xf32, #tpu.memory_space<vmem>>, vector<16xf32>,
      tpu.vector_store %arg13[%swap3A_156, %swap3A_157], %broadcast_in_dim3A_0 {strides = array<i32>} : memref<80x144xf32, #tpu.memory_space<vmem>>, vector<16xf32>,
      %swap3A_159 = arith.index_cast %add3A_144 : i32 to index
      %swap3A_160 = arith.constant 80 : index
      %swap3A_161 = tpu.vector_load %arg13[%swap3A_159, %swap3A_160] {strides = array<i32>} : memref<80x144xf32, #tpu.memory_space<vmem>>, vector<16xf32>,
      tpu.vector_store %arg13[%swap3A_159, %swap3A_160], %broadcast_in_dim3A_0 {strides = array<i32>} : memref<80x144xf32, #tpu.memory_space<vmem>>, vector<16xf32>,
      %swap3A_162 = arith.index_cast %add3A_144 : i32 to index
      %swap3A_163 = arith.constant 96 : index
      %swap3A_164 = tpu.vector_load %arg13[%swap3A_162, %swap3A_163] {strides = array<i32>} : memref<80x144xf32, #tpu.memory_space<vmem>>, vector<16xf32>,
      tpu.vector_store %arg13[%swap3A_162, %swap3A_163], %broadcast_in_dim3A_0 {strides = array<i32>} : memref<80x144xf32, #tpu.memory_space<vmem>>, vector<16xf32>,
      %swap3A_165 = arith.index_cast %add3A_144 : i32 to index
      %swap3A_166 = arith.constant 112 : index
      %swap3A_167 = tpu.vector_load %arg13[%swap3A_165, %swap3A_166] {strides = array<i32>} : memref<80x144xf32, #tpu.memory_space<vmem>>, vector<16xf32>,
      tpu.vector_store %arg13[%swap3A_165, %swap3A_166], %broadcast_in_dim3A_0 {strides = array<i32>} : memref<80x144xf32, #tpu.memory_space<vmem>>, vector<16xf32>,
      %swap3A_168 = arith.index_cast %add3A_144 : i32 to index
      %swap3A_169 = arith.constant 128 : index
      %swap3A_170 = tpu.vector_load %arg13[%swap3A_168, %swap3A_169] {strides = array<i32>} : memref<80x144xf32, #tpu.memory_space<vmem>>, vector<16xf32>,
      tpu.vector_store %arg13[%swap3A_168, %swap3A_169], %broadcast_in_dim3A_0 {strides = array<i32>} : memref<80x144xf32, #tpu.memory_space<vmem>>, vector<16xf32>,
    }
    %scan3A_4 = arith.constant 80 : i32
    %add3A = arith.constant 0 : i32
    %add3A_5 = arith.addi %add3A, %arg0 : i32
    %mul3A = arith.constant 640 : i32
    %mul3A_6 = arith.muli %arg1, %mul3A : i32
    %add3A_7 = arith.constant 0 : i32
    %add3A_8 = arith.addi %mul3A_6, %add3A_7 : i32
    "tpu.region"() ({
      %run_scoped3A = tpu.sem_alloc : memref<!tpu.dma_semaphore, #tpu.memory_space<semaphore_mem>>
      %dma_start3A = arith.constant 0 : i32
      %dma_start3A_140 = tpu.memref_slice %arg14[%add3A_8, %dma_start3A] : memref<10240x144xf32, #tpu.memory_space<vmem_shared>> -> memref<80x144xf32, #tpu.memory_space<vmem_shared>>
      %dma_start3A_141 = arith.constant 0 : i32
      %dma_start3A_142 = tpu.memref_slice %arg14[%add3A_8, %dma_start3A_141] : memref<10240x144xf32, #tpu.memory_space<vmem_shared>> -> memref<80x144xf32, #tpu.memory_space<vmem_shared>>
      tpu.enqueue_dma source(%arg13 : memref<80x144xf32, #tpu.memory_space<vmem>>) target(%dma_start3A_142 : memref<80x144xf32, #tpu.memory_space<vmem_shared>>) target_semaphore(%run_scoped3A : memref<!tpu.dma_semaphore, #tpu.memory_space<semaphore_mem>>)
      %dma_wait3A = arith.constant 0 : i32
      %dma_wait3A_143 = tpu.memref_slice %arg14[%add3A_8, %dma_wait3A] : memref<10240x144xf32, #tpu.memory_space<vmem_shared>> -> memref<80x144xf32, #tpu.memory_space<vmem_shared>>
      %dma_wait3A_144 = arith.constant 0 : i32
      %dma_wait3A_145 = tpu.memref_slice %arg14[%add3A_8, %dma_wait3A_144] : memref<10240x144xf32, #tpu.memory_space<vmem_shared>> -> memref<80x144xf32, #tpu.memory_space<vmem_shared>>
      tpu.wait_dma2 semaphore(%run_scoped3A : memref<!tpu.dma_semaphore, #tpu.memory_space<semaphore_mem>>) src(%arg13 : memref<80x144xf32, #tpu.memory_space<vmem>>) dst(%dma_wait3A_145 : memref<80x144xf32, #tpu.memory_space<vmem_shared>>)
      tpu.yield
    }) : () -> ()
    %add3A_9 = arith.constant 80 : i32
    %add3A_10 = arith.addi %mul3A_6, %add3A_9 : i32
    "tpu.region"() ({
      %run_scoped3A = tpu.sem_alloc : memref<!tpu.dma_semaphore, #tpu.memory_space<semaphore_mem>>
      %dma_start3A = arith.constant 0 : i32
      %dma_start3A_140 = tpu.memref_slice %arg14[%add3A_10, %dma_start3A] : memref<10240x144xf32, #tpu.memory_space<vmem_shared>> -> memref<80x144xf32, #tpu.memory_space<vmem_shared>>
      %dma_start3A_141 = arith.constant 0 : i32
      %dma_start3A_142 = tpu.memref_slice %arg14[%add3A_10, %dma_start3A_141] : memref<10240x144xf32, #tpu.memory_space<vmem_shared>> -> memref<80x144xf32, #tpu.memory_space<vmem_shared>>
      tpu.enqueue_dma source(%arg13 : memref<80x144xf32, #tpu.memory_space<vmem>>) target(%dma_start3A_142 : memref<80x144xf32, #tpu.memory_space<vmem_shared>>) target_semaphore(%run_scoped3A : memref<!tpu.dma_semaphore, #tpu.memory_space<semaphore_mem>>)
      %dma_wait3A = arith.constant 0 : i32
      %dma_wait3A_143 = tpu.memref_slice %arg14[%add3A_10, %dma_wait3A] : memref<10240x144xf32, #tpu.memory_space<vmem_shared>> -> memref<80x144xf32, #tpu.memory_space<vmem_shared>>
      %dma_wait3A_144 = arith.constant 0 : i32
      %dma_wait3A_145 = tpu.memref_slice %arg14[%add3A_10, %dma_wait3A_144] : memref<10240x144xf32, #tpu.memory_space<vmem_shared>> -> memref<80x144xf32, #tpu.memory_space<vmem_shared>>
      tpu.wait_dma2 semaphore(%run_scoped3A : memref<!tpu.dma_semaphore, #tpu.memory_space<semaphore_mem>>) src(%arg13 : memref<80x144xf32, #tpu.memory_space<vmem>>) dst(%dma_wait3A_145 : memref<80x144xf32, #tpu.memory_space<vmem_shared>>)
      tpu.yield
    }) : () -> ()
    %add3A_11 = arith.constant 160 : i32
    %add3A_12 = arith.addi %mul3A_6, %add3A_11 : i32
    "tpu.region"() ({
      %run_scoped3A = tpu.sem_alloc : memref<!tpu.dma_semaphore, #tpu.memory_space<semaphore_mem>>
      %dma_start3A = arith.constant 0 : i32
      %dma_start3A_140 = tpu.memref_slice %arg14[%add3A_12, %dma_start3A] : memref<10240x144xf32, #tpu.memory_space<vmem_shared>> -> memref<80x144xf32, #tpu.memory_space<vmem_shared>>
      %dma_start3A_141 = arith.constant 0 : i32
      %dma_start3A_142 = tpu.memref_slice %arg14[%add3A_12, %dma_start3A_141] : memref<10240x144xf32, #tpu.memory_space<vmem_shared>> -> memref<80x144xf32, #tpu.memory_space<vmem_shared>>
      tpu.enqueue_dma source(%arg13 : memref<80x144xf32, #tpu.memory_space<vmem>>) target(%dma_start3A_142 : memref<80x144xf32, #tpu.memory_space<vmem_shared>>) target_semaphore(%run_scoped3A : memref<!tpu.dma_semaphore, #tpu.memory_space<semaphore_mem>>)
      %dma_wait3A = arith.constant 0 : i32
      %dma_wait3A_143 = tpu.memref_slice %arg14[%add3A_12, %dma_wait3A] : memref<10240x144xf32, #tpu.memory_space<vmem_shared>> -> memref<80x144xf32, #tpu.memory_space<vmem_shared>>
      %dma_wait3A_144 = arith.constant 0 : i32
      %dma_wait3A_145 = tpu.memref_slice %arg14[%add3A_12, %dma_wait3A_144] : memref<10240x144xf32, #tpu.memory_space<vmem_shared>> -> memref<80x144xf32, #tpu.memory_space<vmem_shared>>
      tpu.wait_dma2 semaphore(%run_scoped3A : memref<!tpu.dma_semaphore, #tpu.memory_space<semaphore_mem>>) src(%arg13 : memref<80x144xf32, #tpu.memory_space<vmem>>) dst(%dma_wait3A_145 : memref<80x144xf32, #tpu.memory_space<vmem_shared>>)
      tpu.yield
    }) : () -> ()
    %add3A_13 = arith.constant 240 : i32
    %add3A_14 = arith.addi %mul3A_6, %add3A_13 : i32
    "tpu.region"() ({
      %run_scoped3A = tpu.sem_alloc : memref<!tpu.dma_semaphore, #tpu.memory_space<semaphore_mem>>
      %dma_start3A = arith.constant 0 : i32
      %dma_start3A_140 = tpu.memref_slice %arg14[%add3A_14, %dma_start3A] : memref<10240x144xf32, #tpu.memory_space<vmem_shared>> -> memref<80x144xf32, #tpu.memory_space<vmem_shared>>
      %dma_start3A_141 = arith.constant 0 : i32
      %dma_start3A_142 = tpu.memref_slice %arg14[%add3A_14, %dma_start3A_141] : memref<10240x144xf32, #tpu.memory_space<vmem_shared>> -> memref<80x144xf32, #tpu.memory_space<vmem_shared>>
      tpu.enqueue_dma source(%arg13 : memref<80x144xf32, #tpu.memory_space<vmem>>) target(%dma_start3A_142 : memref<80x144xf32, #tpu.memory_space<vmem_shared>>) target_semaphore(%run_scoped3A : memref<!tpu.dma_semaphore, #tpu.memory_space<semaphore_mem>>)
      %dma_wait3A = arith.constant 0 : i32
      %dma_wait3A_143 = tpu.memref_slice %arg14[%add3A_14, %dma_wait3A] : memref<10240x144xf32, #tpu.memory_space<vmem_shared>> -> memref<80x144xf32, #tpu.memory_space<vmem_shared>>
      %dma_wait3A_144 = arith.constant 0 : i32
      %dma_wait3A_145 = tpu.memref_slice %arg14[%add3A_14, %dma_wait3A_144] : memref<10240x144xf32, #tpu.memory_space<vmem_shared>> -> memref<80x144xf32, #tpu.memory_space<vmem_shared>>
      tpu.wait_dma2 semaphore(%run_scoped3A : memref<!tpu.dma_semaphore, #tpu.memory_space<semaphore_mem>>) src(%arg13 : memref<80x144xf32, #tpu.memory_space<vmem>>) dst(%dma_wait3A_145 : memref<80x144xf32, #tpu.memory_space<vmem_shared>>)
      tpu.yield
    }) : () -> ()
    %add3A_15 = arith.constant 320 : i32
    %add3A_16 = arith.addi %mul3A_6, %add3A_15 : i32
    "tpu.region"() ({
      %run_scoped3A = tpu.sem_alloc : memref<!tpu.dma_semaphore, #tpu.memory_space<semaphore_mem>>
      %dma_start3A = arith.constant 0 : i32
      %dma_start3A_140 = tpu.memref_slice %arg14[%add3A_16, %dma_start3A] : memref<10240x144xf32, #tpu.memory_space<vmem_shared>> -> memref<80x144xf32, #tpu.memory_space<vmem_shared>>
      %dma_start3A_141 = arith.constant 0 : i32
      %dma_start3A_142 = tpu.memref_slice %arg14[%add3A_16, %dma_start3A_141] : memref<10240x144xf32, #tpu.memory_space<vmem_shared>> -> memref<80x144xf32, #tpu.memory_space<vmem_shared>>
      tpu.enqueue_dma source(%arg13 : memref<80x144xf32, #tpu.memory_space<vmem>>) target(%dma_start3A_142 : memref<80x144xf32, #tpu.memory_space<vmem_shared>>) target_semaphore(%run_scoped3A : memref<!tpu.dma_semaphore, #tpu.memory_space<semaphore_mem>>)
      %dma_wait3A = arith.constant 0 : i32
      %dma_wait3A_143 = tpu.memref_slice %arg14[%add3A_16, %dma_wait3A] : memref<10240x144xf32, #tpu.memory_space<vmem_shared>> -> memref<80x144xf32, #tpu.memory_space<vmem_shared>>
      %dma_wait3A_144 = arith.constant 0 : i32
      %dma_wait3A_145 = tpu.memref_slice %arg14[%add3A_16, %dma_wait3A_144] : memref<10240x144xf32, #tpu.memory_space<vmem_shared>> -> memref<80x144xf32, #tpu.memory_space<vmem_shared>>
      tpu.wait_dma2 semaphore(%run_scoped3A : memref<!tpu.dma_semaphore, #tpu.memory_space<semaphore_mem>>) src(%arg13 : memref<80x144xf32, #tpu.memory_space<vmem>>) dst(%dma_wait3A_145 : memref<80x144xf32, #tpu.memory_space<vmem_shared>>)
      tpu.yield
    }) : () -> ()
    %add3A_17 = arith.constant 400 : i32
    %add3A_18 = arith.addi %mul3A_6, %add3A_17 : i32
    "tpu.region"() ({
      %run_scoped3A = tpu.sem_alloc : memref<!tpu.dma_semaphore, #tpu.memory_space<semaphore_mem>>
      %dma_start3A = arith.constant 0 : i32
      %dma_start3A_140 = tpu.memref_slice %arg14[%add3A_18, %dma_start3A] : memref<10240x144xf32, #tpu.memory_space<vmem_shared>> -> memref<80x144xf32, #tpu.memory_space<vmem_shared>>
      %dma_start3A_141 = arith.constant 0 : i32
      %dma_start3A_142 = tpu.memref_slice %arg14[%add3A_18, %dma_start3A_141] : memref<10240x144xf32, #tpu.memory_space<vmem_shared>> -> memref<80x144xf32, #tpu.memory_space<vmem_shared>>
      tpu.enqueue_dma source(%arg13 : memref<80x144xf32, #tpu.memory_space<vmem>>) target(%dma_start3A_142 : memref<80x144xf32, #tpu.memory_space<vmem_shared>>) target_semaphore(%run_scoped3A : memref<!tpu.dma_semaphore, #tpu.memory_space<semaphore_mem>>)
      %dma_wait3A = arith.constant 0 : i32
      %dma_wait3A_143 = tpu.memref_slice %arg14[%add3A_18, %dma_wait3A] : memref<10240x144xf32, #tpu.memory_space<vmem_shared>> -> memref<80x144xf32, #tpu.memory_space<vmem_shared>>
      %dma_wait3A_144 = arith.constant 0 : i32
      %dma_wait3A_145 = tpu.memref_slice %arg14[%add3A_18, %dma_wait3A_144] : memref<10240x144xf32, #tpu.memory_space<vmem_shared>> -> memref<80x144xf32, #tpu.memory_space<vmem_shared>>
      tpu.wait_dma2 semaphore(%run_scoped3A : memref<!tpu.dma_semaphore, #tpu.memory_space<semaphore_mem>>) src(%arg13 : memref<80x144xf32, #tpu.memory_space<vmem>>) dst(%dma_wait3A_145 : memref<80x144xf32, #tpu.memory_space<vmem_shared>>)
      tpu.yield
    }) : () -> ()
    %add3A_19 = arith.constant 480 : i32
    %add3A_20 = arith.addi %mul3A_6, %add3A_19 : i32
    "tpu.region"() ({
      %run_scoped3A = tpu.sem_alloc : memref<!tpu.dma_semaphore, #tpu.memory_space<semaphore_mem>>
      %dma_start3A = arith.constant 0 : i32
      %dma_start3A_140 = tpu.memref_slice %arg14[%add3A_20, %dma_start3A] : memref<10240x144xf32, #tpu.memory_space<vmem_shared>> -> memref<80x144xf32, #tpu.memory_space<vmem_shared>>
      %dma_start3A_141 = arith.constant 0 : i32
      %dma_start3A_142 = tpu.memref_slice %arg14[%add3A_20, %dma_start3A_141] : memref<10240x144xf32, #tpu.memory_space<vmem_shared>> -> memref<80x144xf32, #tpu.memory_space<vmem_shared>>
      tpu.enqueue_dma source(%arg13 : memref<80x144xf32, #tpu.memory_space<vmem>>) target(%dma_start3A_142 : memref<80x144xf32, #tpu.memory_space<vmem_shared>>) target_semaphore(%run_scoped3A : memref<!tpu.dma_semaphore, #tpu.memory_space<semaphore_mem>>)
      %dma_wait3A = arith.constant 0 : i32
      %dma_wait3A_143 = tpu.memref_slice %arg14[%add3A_20, %dma_wait3A] : memref<10240x144xf32, #tpu.memory_space<vmem_shared>> -> memref<80x144xf32, #tpu.memory_space<vmem_shared>>
      %dma_wait3A_144 = arith.constant 0 : i32
      %dma_wait3A_145 = tpu.memref_slice %arg14[%add3A_20, %dma_wait3A_144] : memref<10240x144xf32, #tpu.memory_space<vmem_shared>> -> memref<80x144xf32, #tpu.memory_space<vmem_shared>>
      tpu.wait_dma2 semaphore(%run_scoped3A : memref<!tpu.dma_semaphore, #tpu.memory_space<semaphore_mem>>) src(%arg13 : memref<80x144xf32, #tpu.memory_space<vmem>>) dst(%dma_wait3A_145 : memref<80x144xf32, #tpu.memory_space<vmem_shared>>)
      tpu.yield
    }) : () -> ()
    %add3A_21 = arith.constant 560 : i32
    %add3A_22 = arith.addi %mul3A_6, %add3A_21 : i32
    "tpu.region"() ({
      %run_scoped3A = tpu.sem_alloc : memref<!tpu.dma_semaphore, #tpu.memory_space<semaphore_mem>>
      %dma_start3A = arith.constant 0 : i32
      %dma_start3A_140 = tpu.memref_slice %arg14[%add3A_22, %dma_start3A] : memref<10240x144xf32, #tpu.memory_space<vmem_shared>> -> memref<80x144xf32, #tpu.memory_space<vmem_shared>>
      %dma_start3A_141 = arith.constant 0 : i32
      %dma_start3A_142 = tpu.memref_slice %arg14[%add3A_22, %dma_start3A_141] : memref<10240x144xf32, #tpu.memory_space<vmem_shared>> -> memref<80x144xf32, #tpu.memory_space<vmem_shared>>
      tpu.enqueue_dma source(%arg13 : memref<80x144xf32, #tpu.memory_space<vmem>>) target(%dma_start3A_142 : memref<80x144xf32, #tpu.memory_space<vmem_shared>>) target_semaphore(%run_scoped3A : memref<!tpu.dma_semaphore, #tpu.memory_space<semaphore_mem>>)
      %dma_wait3A = arith.constant 0 : i32
      %dma_wait3A_143 = tpu.memref_slice %arg14[%add3A_22, %dma_wait3A] : memref<10240x144xf32, #tpu.memory_space<vmem_shared>> -> memref<80x144xf32, #tpu.memory_space<vmem_shared>>
      %dma_wait3A_144 = arith.constant 0 : i32
      %dma_wait3A_145 = tpu.memref_slice %arg14[%add3A_22, %dma_wait3A_144] : memref<10240x144xf32, #tpu.memory_space<vmem_shared>> -> memref<80x144xf32, #tpu.memory_space<vmem_shared>>
      tpu.wait_dma2 semaphore(%run_scoped3A : memref<!tpu.dma_semaphore, #tpu.memory_space<semaphore_mem>>) src(%arg13 : memref<80x144xf32, #tpu.memory_space<vmem>>) dst(%dma_wait3A_145 : memref<80x144xf32, #tpu.memory_space<vmem_shared>>)
      tpu.yield
    }) : () -> ()
    %barrier3A = arith.constant 0 : index
    tpu.barrier barrier_id(%barrier3A)
    %mul3A_23 = arith.constant 20000 : i32
    %mul3A_24 = arith.muli %arg1, %mul3A_23 : i32
    %mul3A_25 = arith.constant 10000 : i32
    %mul3A_26 = arith.muli %add3A_5, %mul3A_25 : i32
    %scan3A_27 = arith.constant 0 : i32
    %scan3A_28 = arith.constant 250 : i32
    %scan3A_29 = arith.addi %scan3A_27, %scan3A_28 : i32
    %scan3A_30 = arith.constant 1 : i32
    scf.for %scan3A_140 = %scan3A_27 to %scan3A_29 step %scan3A_30  : i32 {
      %mul3A_141 = arith.constant 1 : i32
      %mul3A_142 = arith.muli %scan3A_140, %mul3A_141 : i32
      %add3A_143 = arith.constant 0 : i32
      %add3A_144 = arith.addi %add3A_143, %mul3A_142 : i32
      %mul3A_145 = arith.constant 80 : i32
      %mul3A_146 = arith.muli %add3A_144, %mul3A_145 : i32
      %add3A_147 = arith.addi %mul3A_24, %mul3A_146 : i32
      "tpu.region"() ({
        %run_scoped3A = tpu.sem_alloc : memref<!tpu.dma_semaphore, #tpu.memory_space<semaphore_mem>>
        %dma_start3A_167 = tpu.memref_slice %arg4[%add3A_147] : memref<320000xi32, #tpu.memory_space<hbm>> -> memref<80xi32, #tpu.memory_space<hbm>>
        %dma_start3A_168 = tpu.memref_slice %arg4[%add3A_147] : memref<320000xi32, #tpu.memory_space<hbm>> -> memref<80xi32, #tpu.memory_space<hbm>>
        tpu.enqueue_dma source(%dma_start3A_168 : memref<80xi32, #tpu.memory_space<hbm>>) target(%arg7 : memref<80xi32, #tpu.memory_space<vmem>>) target_semaphore(%run_scoped3A : memref<!tpu.dma_semaphore, #tpu.memory_space<semaphore_mem>>)
        %dma_wait3A_169 = tpu.memref_slice %arg4[%add3A_147] : memref<320000xi32, #tpu.memory_space<hbm>> -> memref<80xi32, #tpu.memory_space<hbm>>
        %dma_wait3A_170 = tpu.memref_slice %arg4[%add3A_147] : memref<320000xi32, #tpu.memory_space<hbm>> -> memref<80xi32, #tpu.memory_space<hbm>>
        tpu.wait_dma2 semaphore(%run_scoped3A : memref<!tpu.dma_semaphore, #tpu.memory_space<semaphore_mem>>) src(%dma_wait3A_170 : memref<80xi32, #tpu.memory_space<hbm>>) dst(%arg7 : memref<80xi32, #tpu.memory_space<vmem>>)
        tpu.yield
      }) : () -> ()
      "tpu.region"() ({
        %run_scoped3A = tpu.sem_alloc : memref<!tpu.dma_semaphore, #tpu.memory_space<semaphore_mem>>
        %dma_start3A_167 = tpu.memref_slice %arg5[%add3A_147] : memref<320000xi32, #tpu.memory_space<hbm>> -> memref<80xi32, #tpu.memory_space<hbm>>
        %dma_start3A_168 = tpu.memref_slice %arg5[%add3A_147] : memref<320000xi32, #tpu.memory_space<hbm>> -> memref<80xi32, #tpu.memory_space<hbm>>
        tpu.enqueue_dma source(%dma_start3A_168 : memref<80xi32, #tpu.memory_space<hbm>>) target(%arg8 : memref<80xi32, #tpu.memory_space<vmem>>) target_semaphore(%run_scoped3A : memref<!tpu.dma_semaphore, #tpu.memory_space<semaphore_mem>>)
        %dma_wait3A_169 = tpu.memref_slice %arg5[%add3A_147] : memref<320000xi32, #tpu.memory_space<hbm>> -> memref<80xi32, #tpu.memory_space<hbm>>
        %dma_wait3A_170 = tpu.memref_slice %arg5[%add3A_147] : memref<320000xi32, #tpu.memory_space<hbm>> -> memref<80xi32, #tpu.memory_space<hbm>>
        tpu.wait_dma2 semaphore(%run_scoped3A : memref<!tpu.dma_semaphore, #tpu.memory_space<semaphore_mem>>) src(%dma_wait3A_170 : memref<80xi32, #tpu.memory_space<hbm>>) dst(%arg8 : memref<80xi32, #tpu.memory_space<vmem>>)
        tpu.yield
      }) : () -> ()
      %scan3A_148 = arith.constant 0 : i32
      %scan3A_149 = arith.constant 5 : i32
      %scan3A_150 = arith.addi %scan3A_148, %scan3A_149 : i32
      %scan3A_151 = arith.constant 1 : i32
      scf.for %scan3A_167 = %scan3A_148 to %scan3A_150 step %scan3A_151  : i32 {
        %mul3A_168 = arith.constant 1 : i32
        %mul3A_169 = arith.muli %scan3A_167, %mul3A_168 : i32
        %add3A_170 = arith.constant 0 : i32
        %add3A_171 = arith.addi %add3A_170, %mul3A_169 : i32
        %mul3A_172 = arith.constant 16 : i32
        %mul3A_173 = arith.muli %add3A_171, %mul3A_172 : i32
        %get3A = arith.index_cast %mul3A_173 : i32 to index
        %get3A_174 = tpu.vector_load %arg7[%get3A] {strides = array<i32>} : memref<80xi32, #tpu.memory_space<vmem>>, vector<16xi32>,
        %add3A_175 = vector.broadcast %mul3A_26 : i32 to vector<16xi32>
        %add3A_176 = arith.addi %get3A_174, %add3A_175 : vector<16xi32>
        %swap3A = arith.index_cast %mul3A_173 : i32 to index
        %swap3A_177 = tpu.vector_load %arg9[%swap3A] {strides = array<i32>} : memref<80xi32, #tpu.memory_space<vmem>>, vector<16xi32>,
        tpu.vector_store %arg9[%swap3A], %add3A_176 {strides = array<i32>} : memref<80xi32, #tpu.memory_space<vmem>>, vector<16xi32>,
      }
      %scan3A_152 = arith.constant 5 : i32
      %dma_start3A = arith.constant 0 : i32
      %dma_start3A_153 = arith.constant 0 : i32
      %dma_start3A_154 = tpu.memref_slice %arg2[%dma_start3A, %dma_start3A_153] : memref<40000x128xf32, #tpu.memory_space<hbm>> -> memref<40000x128xf32, #tpu.memory_space<hbm>>
      tpu.enqueue_indirect_dma source(%dma_start3A_154 : memref<40000x128xf32, #tpu.memory_space<hbm>>) target(%arg11 : memref<80x128xf32, #tpu.memory_space<vmem>>) offsets(%arg9 : memref<80xi32, #tpu.memory_space<vmem>>) semaphore(%arg15 : memref<!tpu.dma_semaphore, #tpu.memory_space<semaphore_mem>>)
      %mul3A_155 = arith.constant 640000 : i32
      %mul3A_156 = arith.muli %add3A_5, %mul3A_155 : i32
      %mul3A_157 = arith.constant 2 : i32
      %mul3A_158 = arith.muli %mul3A_157, %add3A_147 : i32
      %add3A_159 = arith.addi %mul3A_156, %mul3A_158 : i32
      "tpu.region"() ({
        %run_scoped3A = tpu.sem_alloc : memref<!tpu.dma_semaphore, #tpu.memory_space<semaphore_mem>>
        %dma_start3A_167 = tpu.memref_slice %arg3[%add3A_159] : memref<2560000xf32, #tpu.memory_space<hbm>> -> memref<160xf32, #tpu.memory_space<hbm>>
        %dma_start3A_168 = tpu.memref_slice %arg3[%add3A_159] : memref<2560000xf32, #tpu.memory_space<hbm>> -> memref<160xf32, #tpu.memory_space<hbm>>
        tpu.enqueue_dma source(%dma_start3A_168 : memref<160xf32, #tpu.memory_space<hbm>>) target(%arg10 : memref<160xf32, #tpu.memory_space<vmem>>) target_semaphore(%run_scoped3A : memref<!tpu.dma_semaphore, #tpu.memory_space<semaphore_mem>>)
        %dma_wait3A_169 = tpu.memref_slice %arg3[%add3A_159] : memref<2560000xf32, #tpu.memory_space<hbm>> -> memref<160xf32, #tpu.memory_space<hbm>>
        %dma_wait3A_170 = tpu.memref_slice %arg3[%add3A_159] : memref<2560000xf32, #tpu.memory_space<hbm>> -> memref<160xf32, #tpu.memory_space<hbm>>
        tpu.wait_dma2 semaphore(%run_scoped3A : memref<!tpu.dma_semaphore, #tpu.memory_space<semaphore_mem>>) src(%dma_wait3A_170 : memref<160xf32, #tpu.memory_space<hbm>>) dst(%arg10 : memref<160xf32, #tpu.memory_space<vmem>>)
        tpu.yield
      }) : () -> ()
      %dma_wait3A = arith.constant 0 : i32
      %dma_wait3A_160 = arith.constant 0 : i32
      %dma_wait3A_161 = tpu.memref_slice %arg2[%dma_wait3A, %dma_wait3A_160] : memref<40000x128xf32, #tpu.memory_space<hbm>> -> memref<40000x128xf32, #tpu.memory_space<hbm>>
      tpu.wait_indirect_dma semaphore(%arg15 : memref<!tpu.dma_semaphore, #tpu.memory_space<semaphore_mem>>) src(%dma_wait3A_161 : memref<40000x128xf32, #tpu.memory_space<hbm>>) dst(%arg11 : memref<80x128xf32, #tpu.memory_space<vmem>>)
      %scan3A_162 = arith.constant 0 : i32
      %scan3A_163 = arith.constant 80 : i32
      %scan3A_164 = arith.addi %scan3A_162, %scan3A_163 : i32
      %scan3A_165 = arith.constant 1 : i32
      scf.for %scan3A_167 = %scan3A_162 to %scan3A_164 step %scan3A_165  : i32 {
        %mul3A_168 = arith.constant 1 : i32
        %mul3A_169 = arith.muli %scan3A_167, %mul3A_168 : i32
        %add3A_170 = arith.constant 0 : i32
        %add3A_171 = arith.addi %add3A_170, %mul3A_169 : i32
        %mul3A_172 = arith.constant 2 : i32
        %mul3A_173 = arith.muli %mul3A_172, %add3A_171 : i32
        %broadcast_in_dim3A_174 = vector.broadcast %mul3A_173 : i32 to vector<16xi32>
        %gather3A = tpu.vector_load_idx %arg10[%broadcast_in_dim3A_174] : memref<160xf32, #tpu.memory_space<vmem>>[vector<16xi32>], vector<16xf32>,
        %mul3A_175 = arith.constant 2 : i32
        %mul3A_176 = arith.muli %mul3A_175, %add3A_171 : i32
        %add3A_177 = arith.constant 1 : i32
        %add3A_178 = arith.addi %mul3A_176, %add3A_177 : i32
        %broadcast_in_dim3A_179 = vector.broadcast %add3A_178 : i32 to vector<16xi32>
        %gather3A_180 = tpu.vector_load_idx %arg10[%broadcast_in_dim3A_179] : memref<160xf32, #tpu.memory_space<vmem>>[vector<16xi32>], vector<16xf32>,
        %get3A = arith.index_cast %add3A_171 : i32 to index
        %get3A_181 = arith.constant 0 : index
        %get3A_182 = tpu.vector_load %arg11[%get3A, %get3A_181] {strides = array<i32>} : memref<80x128xf32, #tpu.memory_space<vmem>>, vector<16xf32>,
        %mul3A_183 = arith.mulf %get3A_182, %gather3A : vector<16xf32>
        %swap3A = arith.index_cast %add3A_171 : i32 to index
        %swap3A_184 = arith.constant 0 : index
        %swap3A_185 = tpu.vector_load %arg12[%swap3A, %swap3A_184] {strides = array<i32>} : memref<80x144xf32, #tpu.memory_space<vmem>>, vector<16xf32>,
        tpu.vector_store %arg12[%swap3A, %swap3A_184], %mul3A_183 {strides = array<i32>} : memref<80x144xf32, #tpu.memory_space<vmem>>, vector<16xf32>,
        %get3A_186 = arith.index_cast %add3A_171 : i32 to index
        %get3A_187 = arith.constant 16 : index
        %get3A_188 = tpu.vector_load %arg11[%get3A_186, %get3A_187] {strides = array<i32>} : memref<80x128xf32, #tpu.memory_space<vmem>>, vector<16xf32>,
        %mul3A_189 = arith.mulf %get3A_188, %gather3A : vector<16xf32>
        %swap3A_190 = arith.index_cast %add3A_171 : i32 to index
        %swap3A_191 = arith.constant 16 : index
        %swap3A_192 = tpu.vector_load %arg12[%swap3A_190, %swap3A_191] {strides = array<i32>} : memref<80x144xf32, #tpu.memory_space<vmem>>, vector<16xf32>,
        tpu.vector_store %arg12[%swap3A_190, %swap3A_191], %mul3A_189 {strides = array<i32>} : memref<80x144xf32, #tpu.memory_space<vmem>>, vector<16xf32>,
        %get3A_193 = arith.index_cast %add3A_171 : i32 to index
        %get3A_194 = arith.constant 32 : index
        %get3A_195 = tpu.vector_load %arg11[%get3A_193, %get3A_194] {strides = array<i32>} : memref<80x128xf32, #tpu.memory_space<vmem>>, vector<16xf32>,
        %mul3A_196 = arith.mulf %get3A_195, %gather3A : vector<16xf32>
        %swap3A_197 = arith.index_cast %add3A_171 : i32 to index
        %swap3A_198 = arith.constant 32 : index
        %swap3A_199 = tpu.vector_load %arg12[%swap3A_197, %swap3A_198] {strides = array<i32>} : memref<80x144xf32, #tpu.memory_space<vmem>>, vector<16xf32>,
        tpu.vector_store %arg12[%swap3A_197, %swap3A_198], %mul3A_196 {strides = array<i32>} : memref<80x144xf32, #tpu.memory_space<vmem>>, vector<16xf32>,
        %get3A_200 = arith.index_cast %add3A_171 : i32 to index
        %get3A_201 = arith.constant 48 : index
        %get3A_202 = tpu.vector_load %arg11[%get3A_200, %get3A_201] {strides = array<i32>} : memref<80x128xf32, #tpu.memory_space<vmem>>, vector<16xf32>,
        %mul3A_203 = arith.mulf %get3A_202, %gather3A : vector<16xf32>
        %swap3A_204 = arith.index_cast %add3A_171 : i32 to index
        %swap3A_205 = arith.constant 48 : index
        %swap3A_206 = tpu.vector_load %arg12[%swap3A_204, %swap3A_205] {strides = array<i32>} : memref<80x144xf32, #tpu.memory_space<vmem>>, vector<16xf32>,
        tpu.vector_store %arg12[%swap3A_204, %swap3A_205], %mul3A_203 {strides = array<i32>} : memref<80x144xf32, #tpu.memory_space<vmem>>, vector<16xf32>,
        %get3A_207 = arith.index_cast %add3A_171 : i32 to index
        %get3A_208 = arith.constant 64 : index
        %get3A_209 = tpu.vector_load %arg11[%get3A_207, %get3A_208] {strides = array<i32>} : memref<80x128xf32, #tpu.memory_space<vmem>>, vector<16xf32>,
        %mul3A_210 = arith.mulf %get3A_209, %gather3A_180 : vector<16xf32>
        %swap3A_211 = arith.index_cast %add3A_171 : i32 to index
        %swap3A_212 = arith.constant 64 : index
        %swap3A_213 = tpu.vector_load %arg12[%swap3A_211, %swap3A_212] {strides = array<i32>} : memref<80x144xf32, #tpu.memory_space<vmem>>, vector<16xf32>,
        tpu.vector_store %arg12[%swap3A_211, %swap3A_212], %mul3A_210 {strides = array<i32>} : memref<80x144xf32, #tpu.memory_space<vmem>>, vector<16xf32>,
        %get3A_214 = arith.index_cast %add3A_171 : i32 to index
        %get3A_215 = arith.constant 80 : index
        %get3A_216 = tpu.vector_load %arg11[%get3A_214, %get3A_215] {strides = array<i32>} : memref<80x128xf32, #tpu.memory_space<vmem>>, vector<16xf32>,
        %mul3A_217 = arith.mulf %get3A_216, %gather3A_180 : vector<16xf32>
        %swap3A_218 = arith.index_cast %add3A_171 : i32 to index
        %swap3A_219 = arith.constant 80 : index
        %swap3A_220 = tpu.vector_load %arg12[%swap3A_218, %swap3A_219] {strides = array<i32>} : memref<80x144xf32, #tpu.memory_space<vmem>>, vector<16xf32>,
        tpu.vector_store %arg12[%swap3A_218, %swap3A_219], %mul3A_217 {strides = array<i32>} : memref<80x144xf32, #tpu.memory_space<vmem>>, vector<16xf32>,
        %get3A_221 = arith.index_cast %add3A_171 : i32 to index
        %get3A_222 = arith.constant 96 : index
        %get3A_223 = tpu.vector_load %arg11[%get3A_221, %get3A_222] {strides = array<i32>} : memref<80x128xf32, #tpu.memory_space<vmem>>, vector<16xf32>,
        %mul3A_224 = arith.mulf %get3A_223, %gather3A_180 : vector<16xf32>
        %swap3A_225 = arith.index_cast %add3A_171 : i32 to index
        %swap3A_226 = arith.constant 96 : index
        %swap3A_227 = tpu.vector_load %arg12[%swap3A_225, %swap3A_226] {strides = array<i32>} : memref<80x144xf32, #tpu.memory_space<vmem>>, vector<16xf32>,
        tpu.vector_store %arg12[%swap3A_225, %swap3A_226], %mul3A_224 {strides = array<i32>} : memref<80x144xf32, #tpu.memory_space<vmem>>, vector<16xf32>,
        %get3A_228 = arith.index_cast %add3A_171 : i32 to index
        %get3A_229 = arith.constant 112 : index
        %get3A_230 = tpu.vector_load %arg11[%get3A_228, %get3A_229] {strides = array<i32>} : memref<80x128xf32, #tpu.memory_space<vmem>>, vector<16xf32>,
        %mul3A_231 = arith.mulf %get3A_230, %gather3A_180 : vector<16xf32>
        %swap3A_232 = arith.index_cast %add3A_171 : i32 to index
        %swap3A_233 = arith.constant 112 : index
        %swap3A_234 = tpu.vector_load %arg12[%swap3A_232, %swap3A_233] {strides = array<i32>} : memref<80x144xf32, #tpu.memory_space<vmem>>, vector<16xf32>,
        tpu.vector_store %arg12[%swap3A_232, %swap3A_233], %mul3A_231 {strides = array<i32>} : memref<80x144xf32, #tpu.memory_space<vmem>>, vector<16xf32>,
        %eq3A = arith.constant 0 : i32
        %eq3A_235 = vector.broadcast %eq3A : i32 to vector<16xi32>
        %eq3A_236 = arith.cmpi eq, %iota3A, %eq3A_235 : vector<16xi32>
        %eq3A_237 = arith.constant 1 : i32
        %eq3A_238 = vector.broadcast %eq3A_237 : i32 to vector<16xi32>
        %eq3A_239 = arith.cmpi eq, %iota3A, %eq3A_238 : vector<16xi32>
        %jit3A = arith.constant 0.000000e+00 : f32
        %broadcast_in_dim3A_240 = vector.broadcast %jit3A : f32 to vector<16xf32>
        %select_n3A = arith.select %eq3A_239, %gather3A_180, %broadcast_in_dim3A_240 : vector<16xi1>, vector<16xf32>
        %select_n3A_241 = arith.select %eq3A_236, %gather3A, %select_n3A : vector<16xi1>, vector<16xf32>
        %swap3A_242 = arith.index_cast %add3A_171 : i32 to index
        %swap3A_243 = arith.constant 128 : index
        %swap3A_244 = tpu.vector_load %arg12[%swap3A_242, %swap3A_243] {strides = array<i32>} : memref<80x144xf32, #tpu.memory_space<vmem>>, vector<16xf32>,
        tpu.vector_store %arg12[%swap3A_242, %swap3A_243], %select_n3A_241 {strides = array<i32>} : memref<80x144xf32, #tpu.memory_space<vmem>>, vector<16xf32>,
      }
      %scan3A_166 = arith.constant 80 : i32
      "tpu.region"() ({
        %run_scoped3A = tpu.sem_alloc : memref<!tpu.dma_semaphore, #tpu.memory_space<semaphore_mem>>
        %dma_start3A_167 = arith.constant 0 : i32
        %dma_start3A_168 = arith.constant 0 : i32
        %dma_start3A_169 = tpu.memref_slice %arg14[%dma_start3A_167, %dma_start3A_168] : memref<10240x144xf32, #tpu.memory_space<vmem_shared>> -> memref<10240x144xf32, #tpu.memory_space<vmem_shared>>
        tpu.enqueue_indirect_dma source(%arg12 : memref<80x144xf32, #tpu.memory_space<vmem>>) target(%dma_start3A_169 : memref<10240x144xf32, #tpu.memory_space<vmem_shared>>) offsets(%arg8 : memref<80xi32, #tpu.memory_space<vmem>>) semaphore(%run_scoped3A : memref<!tpu.dma_semaphore, #tpu.memory_space<semaphore_mem>>) {add = true}
        %dma_wait3A_170 = arith.constant 0 : i32
        %dma_wait3A_171 = arith.constant 0 : i32
        %dma_wait3A_172 = tpu.memref_slice %arg14[%dma_wait3A_170, %dma_wait3A_171] : memref<10240x144xf32, #tpu.memory_space<vmem_shared>> -> memref<10240x144xf32, #tpu.memory_space<vmem_shared>>
        tpu.wait_indirect_dma semaphore(%run_scoped3A : memref<!tpu.dma_semaphore, #tpu.memory_space<semaphore_mem>>) src(%arg12 : memref<80x144xf32, #tpu.memory_space<vmem>>) dst(%dma_wait3A_172 : memref<10240x144xf32, #tpu.memory_space<vmem_shared>>)
        tpu.yield
      }) : () -> ()
    }
    %scan3A_31 = arith.constant 250 : i32
    %barrier3A_32 = arith.constant 0 : index
    tpu.barrier barrier_id(%barrier3A_32)
    %mul3A_33 = arith.constant 10240 : i32
    %mul3A_34 = arith.muli %add3A_5, %mul3A_33 : i32
    %mul3A_35 = arith.constant 640 : i32
    %mul3A_36 = arith.muli %arg1, %mul3A_35 : i32
    %add3A_37 = arith.addi %mul3A_34, %mul3A_36 : i32
    %add3A_38 = arith.constant 0 : i32
    %add3A_39 = arith.addi %mul3A_6, %add3A_38 : i32
    %add3A_40 = arith.constant 0 : i32
    %add3A_41 = arith.addi %add3A_37, %add3A_40 : i32
    "tpu.region"() ({
      %run_scoped3A = tpu.sem_alloc : memref<!tpu.dma_semaphore, #tpu.memory_space<semaphore_mem>>
      %dma_start3A = arith.constant 0 : i32
      %dma_start3A_140 = tpu.memref_slice %arg6[%add3A_41, %dma_start3A] : memref<40960x144xf32, #tpu.memory_space<hbm>> -> memref<80x144xf32, #tpu.memory_space<hbm>>
      %dma_start3A_141 = arith.constant 0 : i32
      %dma_start3A_142 = tpu.memref_slice %arg14[%add3A_39, %dma_start3A_141] : memref<10240x144xf32, #tpu.memory_space<vmem_shared>> -> memref<80x144xf32, #tpu.memory_space<vmem_shared>>
      tpu.enqueue_dma source(%dma_start3A_142 : memref<80x144xf32, #tpu.memory_space<vmem_shared>>) target(%dma_start3A_140 : memref<80x144xf32, #tpu.memory_space<hbm>>) target_semaphore(%run_scoped3A : memref<!tpu.dma_semaphore, #tpu.memory_space<semaphore_mem>>)
      %dma_wait3A = arith.constant 0 : i32
      %dma_wait3A_143 = tpu.memref_slice %arg6[%add3A_41, %dma_wait3A] : memref<40960x144xf32, #tpu.memory_space<hbm>> -> memref<80x144xf32, #tpu.memory_space<hbm>>
      %dma_wait3A_144 = arith.constant 0 : i32
      %dma_wait3A_145 = tpu.memref_slice %arg14[%add3A_39, %dma_wait3A_144] : memref<10240x144xf32, #tpu.memory_space<vmem_shared>> -> memref<80x144xf32, #tpu.memory_space<vmem_shared>>
      tpu.wait_dma2 semaphore(%run_scoped3A : memref<!tpu.dma_semaphore, #tpu.memory_space<semaphore_mem>>) src(%dma_wait3A_145 : memref<80x144xf32, #tpu.memory_space<vmem_shared>>) dst(%dma_wait3A_143 : memref<80x144xf32, #tpu.memory_space<hbm>>)
      tpu.yield
    }) : () -> ()
    %add3A_42 = arith.constant 80 : i32
    %add3A_43 = arith.addi %mul3A_6, %add3A_42 : i32
    %add3A_44 = arith.constant 80 : i32
    %add3A_45 = arith.addi %add3A_37, %add3A_44 : i32
    "tpu.region"() ({
      %run_scoped3A = tpu.sem_alloc : memref<!tpu.dma_semaphore, #tpu.memory_space<semaphore_mem>>
      %dma_start3A = arith.constant 0 : i32
      %dma_start3A_140 = tpu.memref_slice %arg6[%add3A_45, %dma_start3A] : memref<40960x144xf32, #tpu.memory_space<hbm>> -> memref<80x144xf32, #tpu.memory_space<hbm>>
      %dma_start3A_141 = arith.constant 0 : i32
      %dma_start3A_142 = tpu.memref_slice %arg14[%add3A_43, %dma_start3A_141] : memref<10240x144xf32, #tpu.memory_space<vmem_shared>> -> memref<80x144xf32, #tpu.memory_space<vmem_shared>>
      tpu.enqueue_dma source(%dma_start3A_142 : memref<80x144xf32, #tpu.memory_space<vmem_shared>>) target(%dma_start3A_140 : memref<80x144xf32, #tpu.memory_space<hbm>>) target_semaphore(%run_scoped3A : memref<!tpu.dma_semaphore, #tpu.memory_space<semaphore_mem>>)
      %dma_wait3A = arith.constant 0 : i32
      %dma_wait3A_143 = tpu.memref_slice %arg6[%add3A_45, %dma_wait3A] : memref<40960x144xf32, #tpu.memory_space<hbm>> -> memref<80x144xf32, #tpu.memory_space<hbm>>
      %dma_wait3A_144 = arith.constant 0 : i32
      %dma_wait3A_145 = tpu.memref_slice %arg14[%add3A_43, %dma_wait3A_144] : memref<10240x144xf32, #tpu.memory_space<vmem_shared>> -> memref<80x144xf32, #tpu.memory_space<vmem_shared>>
      tpu.wait_dma2 semaphore(%run_scoped3A : memref<!tpu.dma_semaphore, #tpu.memory_space<semaphore_mem>>) src(%dma_wait3A_145 : memref<80x144xf32, #tpu.memory_space<vmem_shared>>) dst(%dma_wait3A_143 : memref<80x144xf32, #tpu.memory_space<hbm>>)
      tpu.yield
    }) : () -> ()
    %add3A_46 = arith.constant 160 : i32
    %add3A_47 = arith.addi %mul3A_6, %add3A_46 : i32
    %add3A_48 = arith.constant 160 : i32
    %add3A_49 = arith.addi %add3A_37, %add3A_48 : i32
    "tpu.region"() ({
      %run_scoped3A = tpu.sem_alloc : memref<!tpu.dma_semaphore, #tpu.memory_space<semaphore_mem>>
      %dma_start3A = arith.constant 0 : i32
      %dma_start3A_140 = tpu.memref_slice %arg6[%add3A_49, %dma_start3A] : memref<40960x144xf32, #tpu.memory_space<hbm>> -> memref<80x144xf32, #tpu.memory_space<hbm>>
      %dma_start3A_141 = arith.constant 0 : i32
      %dma_start3A_142 = tpu.memref_slice %arg14[%add3A_47, %dma_start3A_141] : memref<10240x144xf32, #tpu.memory_space<vmem_shared>> -> memref<80x144xf32, #tpu.memory_space<vmem_shared>>
      tpu.enqueue_dma source(%dma_start3A_142 : memref<80x144xf32, #tpu.memory_space<vmem_shared>>) target(%dma_start3A_140 : memref<80x144xf32, #tpu.memory_space<hbm>>) target_semaphore(%run_scoped3A : memref<!tpu.dma_semaphore, #tpu.memory_space<semaphore_mem>>)
      %dma_wait3A = arith.constant 0 : i32
      %dma_wait3A_143 = tpu.memref_slice %arg6[%add3A_49, %dma_wait3A] : memref<40960x144xf32, #tpu.memory_space<hbm>> -> memref<80x144xf32, #tpu.memory_space<hbm>>
      %dma_wait3A_144 = arith.constant 0 : i32
      %dma_wait3A_145 = tpu.memref_slice %arg14[%add3A_47, %dma_wait3A_144] : memref<10240x144xf32, #tpu.memory_space<vmem_shared>> -> memref<80x144xf32, #tpu.memory_space<vmem_shared>>
      tpu.wait_dma2 semaphore(%run_scoped3A : memref<!tpu.dma_semaphore, #tpu.memory_space<semaphore_mem>>) src(%dma_wait3A_145 : memref<80x144xf32, #tpu.memory_space<vmem_shared>>) dst(%dma_wait3A_143 : memref<80x144xf32, #tpu.memory_space<hbm>>)
      tpu.yield
    }) : () -> ()
    %add3A_50 = arith.constant 240 : i32
    %add3A_51 = arith.addi %mul3A_6, %add3A_50 : i32
    %add3A_52 = arith.constant 240 : i32
    %add3A_53 = arith.addi %add3A_37, %add3A_52 : i32
    "tpu.region"() ({
      %run_scoped3A = tpu.sem_alloc : memref<!tpu.dma_semaphore, #tpu.memory_space<semaphore_mem>>
      %dma_start3A = arith.constant 0 : i32
      %dma_start3A_140 = tpu.memref_slice %arg6[%add3A_53, %dma_start3A] : memref<40960x144xf32, #tpu.memory_space<hbm>> -> memref<80x144xf32, #tpu.memory_space<hbm>>
      %dma_start3A_141 = arith.constant 0 : i32
      %dma_start3A_142 = tpu.memref_slice %arg14[%add3A_51, %dma_start3A_141] : memref<10240x144xf32, #tpu.memory_space<vmem_shared>> -> memref<80x144xf32, #tpu.memory_space<vmem_shared>>
      tpu.enqueue_dma source(%dma_start3A_142 : memref<80x144xf32, #tpu.memory_space<vmem_shared>>) target(%dma_start3A_140 : memref<80x144xf32, #tpu.memory_space<hbm>>) target_semaphore(%run_scoped3A : memref<!tpu.dma_semaphore, #tpu.memory_space<semaphore_mem>>)
      %dma_wait3A = arith.constant 0 : i32
      %dma_wait3A_143 = tpu.memref_slice %arg6[%add3A_53, %dma_wait3A] : memref<40960x144xf32, #tpu.memory_space<hbm>> -> memref<80x144xf32, #tpu.memory_space<hbm>>
      %dma_wait3A_144 = arith.constant 0 : i32
      %dma_wait3A_145 = tpu.memref_slice %arg14[%add3A_51, %dma_wait3A_144] : memref<10240x144xf32, #tpu.memory_space<vmem_shared>> -> memref<80x144xf32, #tpu.memory_space<vmem_shared>>
      tpu.wait_dma2 semaphore(%run_scoped3A : memref<!tpu.dma_semaphore, #tpu.memory_space<semaphore_mem>>) src(%dma_wait3A_145 : memref<80x144xf32, #tpu.memory_space<vmem_shared>>) dst(%dma_wait3A_143 : memref<80x144xf32, #tpu.memory_space<hbm>>)
      tpu.yield
    }) : () -> ()
    %add3A_54 = arith.constant 320 : i32
    %add3A_55 = arith.addi %mul3A_6, %add3A_54 : i32
    %add3A_56 = arith.constant 320 : i32
    %add3A_57 = arith.addi %add3A_37, %add3A_56 : i32
    "tpu.region"() ({
      %run_scoped3A = tpu.sem_alloc : memref<!tpu.dma_semaphore, #tpu.memory_space<semaphore_mem>>
      %dma_start3A = arith.constant 0 : i32
      %dma_start3A_140 = tpu.memref_slice %arg6[%add3A_57, %dma_start3A] : memref<40960x144xf32, #tpu.memory_space<hbm>> -> memref<80x144xf32, #tpu.memory_space<hbm>>
      %dma_start3A_141 = arith.constant 0 : i32
      %dma_start3A_142 = tpu.memref_slice %arg14[%add3A_55, %dma_start3A_141] : memref<10240x144xf32, #tpu.memory_space<vmem_shared>> -> memref<80x144xf32, #tpu.memory_space<vmem_shared>>
      tpu.enqueue_dma source(%dma_start3A_142 : memref<80x144xf32, #tpu.memory_space<vmem_shared>>) target(%dma_start3A_140 : memref<80x144xf32, #tpu.memory_space<hbm>>) target_semaphore(%run_scoped3A : memref<!tpu.dma_semaphore, #tpu.memory_space<semaphore_mem>>)
      %dma_wait3A = arith.constant 0 : i32
      %dma_wait3A_143 = tpu.memref_slice %arg6[%add3A_57, %dma_wait3A] : memref<40960x144xf32, #tpu.memory_space<hbm>> -> memref<80x144xf32, #tpu.memory_space<hbm>>
      %dma_wait3A_144 = arith.constant 0 : i32
      %dma_wait3A_145 = tpu.memref_slice %arg14[%add3A_55, %dma_wait3A_144] : memref<10240x144xf32, #tpu.memory_space<vmem_shared>> -> memref<80x144xf32, #tpu.memory_space<vmem_shared>>
      tpu.wait_dma2 semaphore(%run_scoped3A : memref<!tpu.dma_semaphore, #tpu.memory_space<semaphore_mem>>) src(%dma_wait3A_145 : memref<80x144xf32, #tpu.memory_space<vmem_shared>>) dst(%dma_wait3A_143 : memref<80x144xf32, #tpu.memory_space<hbm>>)
      tpu.yield
    }) : () -> ()
    %add3A_58 = arith.constant 400 : i32
    %add3A_59 = arith.addi %mul3A_6, %add3A_58 : i32
    %add3A_60 = arith.constant 400 : i32
    %add3A_61 = arith.addi %add3A_37, %add3A_60 : i32
    "tpu.region"() ({
      %run_scoped3A = tpu.sem_alloc : memref<!tpu.dma_semaphore, #tpu.memory_space<semaphore_mem>>
      %dma_start3A = arith.constant 0 : i32
      %dma_start3A_140 = tpu.memref_slice %arg6[%add3A_61, %dma_start3A] : memref<40960x144xf32, #tpu.memory_space<hbm>> -> memref<80x144xf32, #tpu.memory_space<hbm>>
      %dma_start3A_141 = arith.constant 0 : i32
      %dma_start3A_142 = tpu.memref_slice %arg14[%add3A_59, %dma_start3A_141] : memref<10240x144xf32, #tpu.memory_space<vmem_shared>> -> memref<80x144xf32, #tpu.memory_space<vmem_shared>>
      tpu.enqueue_dma source(%dma_start3A_142 : memref<80x144xf32, #tpu.memory_space<vmem_shared>>) target(%dma_start3A_140 : memref<80x144xf32, #tpu.memory_space<hbm>>) target_semaphore(%run_scoped3A : memref<!tpu.dma_semaphore, #tpu.memory_space<semaphore_mem>>)
      %dma_wait3A = arith.constant 0 : i32
      %dma_wait3A_143 = tpu.memref_slice %arg6[%add3A_61, %dma_wait3A] : memref<40960x144xf32, #tpu.memory_space<hbm>> -> memref<80x144xf32, #tpu.memory_space<hbm>>
      %dma_wait3A_144 = arith.constant 0 : i32
      %dma_wait3A_145 = tpu.memref_slice %arg14[%add3A_59, %dma_wait3A_144] : memref<10240x144xf32, #tpu.memory_space<vmem_shared>> -> memref<80x144xf32, #tpu.memory_space<vmem_shared>>
      tpu.wait_dma2 semaphore(%run_scoped3A : memref<!tpu.dma_semaphore, #tpu.memory_space<semaphore_mem>>) src(%dma_wait3A_145 : memref<80x144xf32, #tpu.memory_space<vmem_shared>>) dst(%dma_wait3A_143 : memref<80x144xf32, #tpu.memory_space<hbm>>)
      tpu.yield
    }) : () -> ()
    %add3A_62 = arith.constant 480 : i32
    %add3A_63 = arith.addi %mul3A_6, %add3A_62 : i32
    %add3A_64 = arith.constant 480 : i32
    %add3A_65 = arith.addi %add3A_37, %add3A_64 : i32
    "tpu.region"() ({
      %run_scoped3A = tpu.sem_alloc : memref<!tpu.dma_semaphore, #tpu.memory_space<semaphore_mem>>
      %dma_start3A = arith.constant 0 : i32
      %dma_start3A_140 = tpu.memref_slice %arg6[%add3A_65, %dma_start3A] : memref<40960x144xf32, #tpu.memory_space<hbm>> -> memref<80x144xf32, #tpu.memory_space<hbm>>
      %dma_start3A_141 = arith.constant 0 : i32
      %dma_start3A_142 = tpu.memref_slice %arg14[%add3A_63, %dma_start3A_141] : memref<10240x144xf32, #tpu.memory_space<vmem_shared>> -> memref<80x144xf32, #tpu.memory_space<vmem_shared>>
      tpu.enqueue_dma source(%dma_start3A_142 : memref<80x144xf32, #tpu.memory_space<vmem_shared>>) target(%dma_start3A_140 : memref<80x144xf32, #tpu.memory_space<hbm>>) target_semaphore(%run_scoped3A : memref<!tpu.dma_semaphore, #tpu.memory_space<semaphore_mem>>)
      %dma_wait3A = arith.constant 0 : i32
      %dma_wait3A_143 = tpu.memref_slice %arg6[%add3A_65, %dma_wait3A] : memref<40960x144xf32, #tpu.memory_space<hbm>> -> memref<80x144xf32, #tpu.memory_space<hbm>>
      %dma_wait3A_144 = arith.constant 0 : i32
      %dma_wait3A_145 = tpu.memref_slice %arg14[%add3A_63, %dma_wait3A_144] : memref<10240x144xf32, #tpu.memory_space<vmem_shared>> -> memref<80x144xf32, #tpu.memory_space<vmem_shared>>
      tpu.wait_dma2 semaphore(%run_scoped3A : memref<!tpu.dma_semaphore, #tpu.memory_space<semaphore_mem>>) src(%dma_wait3A_145 : memref<80x144xf32, #tpu.memory_space<vmem_shared>>) dst(%dma_wait3A_143 : memref<80x144xf32, #tpu.memory_space<hbm>>)
      tpu.yield
    }) : () -> ()
    %add3A_66 = arith.constant 560 : i32
    %add3A_67 = arith.addi %mul3A_6, %add3A_66 : i32
    %add3A_68 = arith.constant 560 : i32
    %add3A_69 = arith.addi %add3A_37, %add3A_68 : i32
    "tpu.region"() ({
      %run_scoped3A = tpu.sem_alloc : memref<!tpu.dma_semaphore, #tpu.memory_space<semaphore_mem>>
      %dma_start3A = arith.constant 0 : i32
      %dma_start3A_140 = tpu.memref_slice %arg6[%add3A_69, %dma_start3A] : memref<40960x144xf32, #tpu.memory_space<hbm>> -> memref<80x144xf32, #tpu.memory_space<hbm>>
      %dma_start3A_141 = arith.constant 0 : i32
      %dma_start3A_142 = tpu.memref_slice %arg14[%add3A_67, %dma_start3A_141] : memref<10240x144xf32, #tpu.memory_space<vmem_shared>> -> memref<80x144xf32, #tpu.memory_space<vmem_shared>>
      tpu.enqueue_dma source(%dma_start3A_142 : memref<80x144xf32, #tpu.memory_space<vmem_shared>>) target(%dma_start3A_140 : memref<80x144xf32, #tpu.memory_space<hbm>>) target_semaphore(%run_scoped3A : memref<!tpu.dma_semaphore, #tpu.memory_space<semaphore_mem>>)
      %dma_wait3A = arith.constant 0 : i32
      %dma_wait3A_143 = tpu.memref_slice %arg6[%add3A_69, %dma_wait3A] : memref<40960x144xf32, #tpu.memory_space<hbm>> -> memref<80x144xf32, #tpu.memory_space<hbm>>
      %dma_wait3A_144 = arith.constant 0 : i32
      %dma_wait3A_145 = tpu.memref_slice %arg14[%add3A_67, %dma_wait3A_144] : memref<10240x144xf32, #tpu.memory_space<vmem_shared>> -> memref<80x144xf32, #tpu.memory_space<vmem_shared>>
      tpu.wait_dma2 semaphore(%run_scoped3A : memref<!tpu.dma_semaphore, #tpu.memory_space<semaphore_mem>>) src(%dma_wait3A_145 : memref<80x144xf32, #tpu.memory_space<vmem_shared>>) dst(%dma_wait3A_143 : memref<80x144xf32, #tpu.memory_space<hbm>>)
      tpu.yield
    }) : () -> ()
    %barrier3A_70 = arith.constant 0 : index
    tpu.barrier barrier_id(%barrier3A_70)
    %add3A_71 = arith.constant 2 : i32
    %add3A_72 = arith.addi %add3A_71, %arg0 : i32
    %mul3A_73 = arith.constant 640 : i32
    %mul3A_74 = arith.muli %arg1, %mul3A_73 : i32
    %add3A_75 = arith.constant 0 : i32
    %add3A_76 = arith.addi %mul3A_74, %add3A_75 : i32
    "tpu.region"() ({
      %run_scoped3A = tpu.sem_alloc : memref<!tpu.dma_semaphore, #tpu.memory_space<semaphore_mem>>
      %dma_start3A = arith.constant 0 : i32
      %dma_start3A_140 = tpu.memref_slice %arg14[%add3A_76, %dma_start3A] : memref<10240x144xf32, #tpu.memory_space<vmem_shared>> -> memref<80x144xf32, #tpu.memory_space<vmem_shared>>
      %dma_start3A_141 = arith.constant 0 : i32
      %dma_start3A_142 = tpu.memref_slice %arg14[%add3A_76, %dma_start3A_141] : memref<10240x144xf32, #tpu.memory_space<vmem_shared>> -> memref<80x144xf32, #tpu.memory_space<vmem_shared>>
      tpu.enqueue_dma source(%arg13 : memref<80x144xf32, #tpu.memory_space<vmem>>) target(%dma_start3A_142 : memref<80x144xf32, #tpu.memory_space<vmem_shared>>) target_semaphore(%run_scoped3A : memref<!tpu.dma_semaphore, #tpu.memory_space<semaphore_mem>>)
      %dma_wait3A = arith.constant 0 : i32
      %dma_wait3A_143 = tpu.memref_slice %arg14[%add3A_76, %dma_wait3A] : memref<10240x144xf32, #tpu.memory_space<vmem_shared>> -> memref<80x144xf32, #tpu.memory_space<vmem_shared>>
      %dma_wait3A_144 = arith.constant 0 : i32
      %dma_wait3A_145 = tpu.memref_slice %arg14[%add3A_76, %dma_wait3A_144] : memref<10240x144xf32, #tpu.memory_space<vmem_shared>> -> memref<80x144xf32, #tpu.memory_space<vmem_shared>>
      tpu.wait_dma2 semaphore(%run_scoped3A : memref<!tpu.dma_semaphore, #tpu.memory_space<semaphore_mem>>) src(%arg13 : memref<80x144xf32, #tpu.memory_space<vmem>>) dst(%dma_wait3A_145 : memref<80x144xf32, #tpu.memory_space<vmem_shared>>)
      tpu.yield
    }) : () -> ()
    %add3A_77 = arith.constant 80 : i32
    %add3A_78 = arith.addi %mul3A_74, %add3A_77 : i32
    "tpu.region"() ({
      %run_scoped3A = tpu.sem_alloc : memref<!tpu.dma_semaphore, #tpu.memory_space<semaphore_mem>>
      %dma_start3A = arith.constant 0 : i32
      %dma_start3A_140 = tpu.memref_slice %arg14[%add3A_78, %dma_start3A] : memref<10240x144xf32, #tpu.memory_space<vmem_shared>> -> memref<80x144xf32, #tpu.memory_space<vmem_shared>>
      %dma_start3A_141 = arith.constant 0 : i32
      %dma_start3A_142 = tpu.memref_slice %arg14[%add3A_78, %dma_start3A_141] : memref<10240x144xf32, #tpu.memory_space<vmem_shared>> -> memref<80x144xf32, #tpu.memory_space<vmem_shared>>
      tpu.enqueue_dma source(%arg13 : memref<80x144xf32, #tpu.memory_space<vmem>>) target(%dma_start3A_142 : memref<80x144xf32, #tpu.memory_space<vmem_shared>>) target_semaphore(%run_scoped3A : memref<!tpu.dma_semaphore, #tpu.memory_space<semaphore_mem>>)
      %dma_wait3A = arith.constant 0 : i32
      %dma_wait3A_143 = tpu.memref_slice %arg14[%add3A_78, %dma_wait3A] : memref<10240x144xf32, #tpu.memory_space<vmem_shared>> -> memref<80x144xf32, #tpu.memory_space<vmem_shared>>
      %dma_wait3A_144 = arith.constant 0 : i32
      %dma_wait3A_145 = tpu.memref_slice %arg14[%add3A_78, %dma_wait3A_144] : memref<10240x144xf32, #tpu.memory_space<vmem_shared>> -> memref<80x144xf32, #tpu.memory_space<vmem_shared>>
      tpu.wait_dma2 semaphore(%run_scoped3A : memref<!tpu.dma_semaphore, #tpu.memory_space<semaphore_mem>>) src(%arg13 : memref<80x144xf32, #tpu.memory_space<vmem>>) dst(%dma_wait3A_145 : memref<80x144xf32, #tpu.memory_space<vmem_shared>>)
      tpu.yield
    }) : () -> ()
    %add3A_79 = arith.constant 160 : i32
    %add3A_80 = arith.addi %mul3A_74, %add3A_79 : i32
    "tpu.region"() ({
      %run_scoped3A = tpu.sem_alloc : memref<!tpu.dma_semaphore, #tpu.memory_space<semaphore_mem>>
      %dma_start3A = arith.constant 0 : i32
      %dma_start3A_140 = tpu.memref_slice %arg14[%add3A_80, %dma_start3A] : memref<10240x144xf32, #tpu.memory_space<vmem_shared>> -> memref<80x144xf32, #tpu.memory_space<vmem_shared>>
      %dma_start3A_141 = arith.constant 0 : i32
      %dma_start3A_142 = tpu.memref_slice %arg14[%add3A_80, %dma_start3A_141] : memref<10240x144xf32, #tpu.memory_space<vmem_shared>> -> memref<80x144xf32, #tpu.memory_space<vmem_shared>>
      tpu.enqueue_dma source(%arg13 : memref<80x144xf32, #tpu.memory_space<vmem>>) target(%dma_start3A_142 : memref<80x144xf32, #tpu.memory_space<vmem_shared>>) target_semaphore(%run_scoped3A : memref<!tpu.dma_semaphore, #tpu.memory_space<semaphore_mem>>)
      %dma_wait3A = arith.constant 0 : i32
      %dma_wait3A_143 = tpu.memref_slice %arg14[%add3A_80, %dma_wait3A] : memref<10240x144xf32, #tpu.memory_space<vmem_shared>> -> memref<80x144xf32, #tpu.memory_space<vmem_shared>>
      %dma_wait3A_144 = arith.constant 0 : i32
      %dma_wait3A_145 = tpu.memref_slice %arg14[%add3A_80, %dma_wait3A_144] : memref<10240x144xf32, #tpu.memory_space<vmem_shared>> -> memref<80x144xf32, #tpu.memory_space<vmem_shared>>
      tpu.wait_dma2 semaphore(%run_scoped3A : memref<!tpu.dma_semaphore, #tpu.memory_space<semaphore_mem>>) src(%arg13 : memref<80x144xf32, #tpu.memory_space<vmem>>) dst(%dma_wait3A_145 : memref<80x144xf32, #tpu.memory_space<vmem_shared>>)
      tpu.yield
    }) : () -> ()
    %add3A_81 = arith.constant 240 : i32
    %add3A_82 = arith.addi %mul3A_74, %add3A_81 : i32
    "tpu.region"() ({
      %run_scoped3A = tpu.sem_alloc : memref<!tpu.dma_semaphore, #tpu.memory_space<semaphore_mem>>
      %dma_start3A = arith.constant 0 : i32
      %dma_start3A_140 = tpu.memref_slice %arg14[%add3A_82, %dma_start3A] : memref<10240x144xf32, #tpu.memory_space<vmem_shared>> -> memref<80x144xf32, #tpu.memory_space<vmem_shared>>
      %dma_start3A_141 = arith.constant 0 : i32
      %dma_start3A_142 = tpu.memref_slice %arg14[%add3A_82, %dma_start3A_141] : memref<10240x144xf32, #tpu.memory_space<vmem_shared>> -> memref<80x144xf32, #tpu.memory_space<vmem_shared>>
      tpu.enqueue_dma source(%arg13 : memref<80x144xf32, #tpu.memory_space<vmem>>) target(%dma_start3A_142 : memref<80x144xf32, #tpu.memory_space<vmem_shared>>) target_semaphore(%run_scoped3A : memref<!tpu.dma_semaphore, #tpu.memory_space<semaphore_mem>>)
      %dma_wait3A = arith.constant 0 : i32
      %dma_wait3A_143 = tpu.memref_slice %arg14[%add3A_82, %dma_wait3A] : memref<10240x144xf32, #tpu.memory_space<vmem_shared>> -> memref<80x144xf32, #tpu.memory_space<vmem_shared>>
      %dma_wait3A_144 = arith.constant 0 : i32
      %dma_wait3A_145 = tpu.memref_slice %arg14[%add3A_82, %dma_wait3A_144] : memref<10240x144xf32, #tpu.memory_space<vmem_shared>> -> memref<80x144xf32, #tpu.memory_space<vmem_shared>>
      tpu.wait_dma2 semaphore(%run_scoped3A : memref<!tpu.dma_semaphore, #tpu.memory_space<semaphore_mem>>) src(%arg13 : memref<80x144xf32, #tpu.memory_space<vmem>>) dst(%dma_wait3A_145 : memref<80x144xf32, #tpu.memory_space<vmem_shared>>)
      tpu.yield
    }) : () -> ()
    %add3A_83 = arith.constant 320 : i32
    %add3A_84 = arith.addi %mul3A_74, %add3A_83 : i32
    "tpu.region"() ({
      %run_scoped3A = tpu.sem_alloc : memref<!tpu.dma_semaphore, #tpu.memory_space<semaphore_mem>>
      %dma_start3A = arith.constant 0 : i32
      %dma_start3A_140 = tpu.memref_slice %arg14[%add3A_84, %dma_start3A] : memref<10240x144xf32, #tpu.memory_space<vmem_shared>> -> memref<80x144xf32, #tpu.memory_space<vmem_shared>>
      %dma_start3A_141 = arith.constant 0 : i32
      %dma_start3A_142 = tpu.memref_slice %arg14[%add3A_84, %dma_start3A_141] : memref<10240x144xf32, #tpu.memory_space<vmem_shared>> -> memref<80x144xf32, #tpu.memory_space<vmem_shared>>
      tpu.enqueue_dma source(%arg13 : memref<80x144xf32, #tpu.memory_space<vmem>>) target(%dma_start3A_142 : memref<80x144xf32, #tpu.memory_space<vmem_shared>>) target_semaphore(%run_scoped3A : memref<!tpu.dma_semaphore, #tpu.memory_space<semaphore_mem>>)
      %dma_wait3A = arith.constant 0 : i32
      %dma_wait3A_143 = tpu.memref_slice %arg14[%add3A_84, %dma_wait3A] : memref<10240x144xf32, #tpu.memory_space<vmem_shared>> -> memref<80x144xf32, #tpu.memory_space<vmem_shared>>
      %dma_wait3A_144 = arith.constant 0 : i32
      %dma_wait3A_145 = tpu.memref_slice %arg14[%add3A_84, %dma_wait3A_144] : memref<10240x144xf32, #tpu.memory_space<vmem_shared>> -> memref<80x144xf32, #tpu.memory_space<vmem_shared>>
      tpu.wait_dma2 semaphore(%run_scoped3A : memref<!tpu.dma_semaphore, #tpu.memory_space<semaphore_mem>>) src(%arg13 : memref<80x144xf32, #tpu.memory_space<vmem>>) dst(%dma_wait3A_145 : memref<80x144xf32, #tpu.memory_space<vmem_shared>>)
      tpu.yield
    }) : () -> ()
    %add3A_85 = arith.constant 400 : i32
    %add3A_86 = arith.addi %mul3A_74, %add3A_85 : i32
    "tpu.region"() ({
      %run_scoped3A = tpu.sem_alloc : memref<!tpu.dma_semaphore, #tpu.memory_space<semaphore_mem>>
      %dma_start3A = arith.constant 0 : i32
      %dma_start3A_140 = tpu.memref_slice %arg14[%add3A_86, %dma_start3A] : memref<10240x144xf32, #tpu.memory_space<vmem_shared>> -> memref<80x144xf32, #tpu.memory_space<vmem_shared>>
      %dma_start3A_141 = arith.constant 0 : i32
      %dma_start3A_142 = tpu.memref_slice %arg14[%add3A_86, %dma_start3A_141] : memref<10240x144xf32, #tpu.memory_space<vmem_shared>> -> memref<80x144xf32, #tpu.memory_space<vmem_shared>>
      tpu.enqueue_dma source(%arg13 : memref<80x144xf32, #tpu.memory_space<vmem>>) target(%dma_start3A_142 : memref<80x144xf32, #tpu.memory_space<vmem_shared>>) target_semaphore(%run_scoped3A : memref<!tpu.dma_semaphore, #tpu.memory_space<semaphore_mem>>)
      %dma_wait3A = arith.constant 0 : i32
      %dma_wait3A_143 = tpu.memref_slice %arg14[%add3A_86, %dma_wait3A] : memref<10240x144xf32, #tpu.memory_space<vmem_shared>> -> memref<80x144xf32, #tpu.memory_space<vmem_shared>>
      %dma_wait3A_144 = arith.constant 0 : i32
      %dma_wait3A_145 = tpu.memref_slice %arg14[%add3A_86, %dma_wait3A_144] : memref<10240x144xf32, #tpu.memory_space<vmem_shared>> -> memref<80x144xf32, #tpu.memory_space<vmem_shared>>
      tpu.wait_dma2 semaphore(%run_scoped3A : memref<!tpu.dma_semaphore, #tpu.memory_space<semaphore_mem>>) src(%arg13 : memref<80x144xf32, #tpu.memory_space<vmem>>) dst(%dma_wait3A_145 : memref<80x144xf32, #tpu.memory_space<vmem_shared>>)
      tpu.yield
    }) : () -> ()
    %add3A_87 = arith.constant 480 : i32
    %add3A_88 = arith.addi %mul3A_74, %add3A_87 : i32
    "tpu.region"() ({
      %run_scoped3A = tpu.sem_alloc : memref<!tpu.dma_semaphore, #tpu.memory_space<semaphore_mem>>
      %dma_start3A = arith.constant 0 : i32
      %dma_start3A_140 = tpu.memref_slice %arg14[%add3A_88, %dma_start3A] : memref<10240x144xf32, #tpu.memory_space<vmem_shared>> -> memref<80x144xf32, #tpu.memory_space<vmem_shared>>
      %dma_start3A_141 = arith.constant 0 : i32
      %dma_start3A_142 = tpu.memref_slice %arg14[%add3A_88, %dma_start3A_141] : memref<10240x144xf32, #tpu.memory_space<vmem_shared>> -> memref<80x144xf32, #tpu.memory_space<vmem_shared>>
      tpu.enqueue_dma source(%arg13 : memref<80x144xf32, #tpu.memory_space<vmem>>) target(%dma_start3A_142 : memref<80x144xf32, #tpu.memory_space<vmem_shared>>) target_semaphore(%run_scoped3A : memref<!tpu.dma_semaphore, #tpu.memory_space<semaphore_mem>>)
      %dma_wait3A = arith.constant 0 : i32
      %dma_wait3A_143 = tpu.memref_slice %arg14[%add3A_88, %dma_wait3A] : memref<10240x144xf32, #tpu.memory_space<vmem_shared>> -> memref<80x144xf32, #tpu.memory_space<vmem_shared>>
      %dma_wait3A_144 = arith.constant 0 : i32
      %dma_wait3A_145 = tpu.memref_slice %arg14[%add3A_88, %dma_wait3A_144] : memref<10240x144xf32, #tpu.memory_space<vmem_shared>> -> memref<80x144xf32, #tpu.memory_space<vmem_shared>>
      tpu.wait_dma2 semaphore(%run_scoped3A : memref<!tpu.dma_semaphore, #tpu.memory_space<semaphore_mem>>) src(%arg13 : memref<80x144xf32, #tpu.memory_space<vmem>>) dst(%dma_wait3A_145 : memref<80x144xf32, #tpu.memory_space<vmem_shared>>)
      tpu.yield
    }) : () -> ()
    %add3A_89 = arith.constant 560 : i32
    %add3A_90 = arith.addi %mul3A_74, %add3A_89 : i32
    "tpu.region"() ({
      %run_scoped3A = tpu.sem_alloc : memref<!tpu.dma_semaphore, #tpu.memory_space<semaphore_mem>>
      %dma_start3A = arith.constant 0 : i32
      %dma_start3A_140 = tpu.memref_slice %arg14[%add3A_90, %dma_start3A] : memref<10240x144xf32, #tpu.memory_space<vmem_shared>> -> memref<80x144xf32, #tpu.memory_space<vmem_shared>>
      %dma_start3A_141 = arith.constant 0 : i32
      %dma_start3A_142 = tpu.memref_slice %arg14[%add3A_90, %dma_start3A_141] : memref<10240x144xf32, #tpu.memory_space<vmem_shared>> -> memref<80x144xf32, #tpu.memory_space<vmem_shared>>
      tpu.enqueue_dma source(%arg13 : memref<80x144xf32, #tpu.memory_space<vmem>>) target(%dma_start3A_142 : memref<80x144xf32, #tpu.memory_space<vmem_shared>>) target_semaphore(%run_scoped3A : memref<!tpu.dma_semaphore, #tpu.memory_space<semaphore_mem>>)
      %dma_wait3A = arith.constant 0 : i32
      %dma_wait3A_143 = tpu.memref_slice %arg14[%add3A_90, %dma_wait3A] : memref<10240x144xf32, #tpu.memory_space<vmem_shared>> -> memref<80x144xf32, #tpu.memory_space<vmem_shared>>
      %dma_wait3A_144 = arith.constant 0 : i32
      %dma_wait3A_145 = tpu.memref_slice %arg14[%add3A_90, %dma_wait3A_144] : memref<10240x144xf32, #tpu.memory_space<vmem_shared>> -> memref<80x144xf32, #tpu.memory_space<vmem_shared>>
      tpu.wait_dma2 semaphore(%run_scoped3A : memref<!tpu.dma_semaphore, #tpu.memory_space<semaphore_mem>>) src(%arg13 : memref<80x144xf32, #tpu.memory_space<vmem>>) dst(%dma_wait3A_145 : memref<80x144xf32, #tpu.memory_space<vmem_shared>>)
      tpu.yield
    }) : () -> ()
    %barrier3A_91 = arith.constant 0 : index
    tpu.barrier barrier_id(%barrier3A_91)
    %mul3A_92 = arith.constant 20000 : i32
    %mul3A_93 = arith.muli %arg1, %mul3A_92 : i32
    %mul3A_94 = arith.constant 10000 : i32
    %mul3A_95 = arith.muli %add3A_72, %mul3A_94 : i32
    %scan3A_96 = arith.constant 0 : i32
    %scan3A_97 = arith.constant 250 : i32
    %scan3A_98 = arith.addi %scan3A_96, %scan3A_97 : i32
    %scan3A_99 = arith.constant 1 : i32
    scf.for %scan3A_140 = %scan3A_96 to %scan3A_98 step %scan3A_99  : i32 {
      %mul3A_141 = arith.constant 1 : i32
      %mul3A_142 = arith.muli %scan3A_140, %mul3A_141 : i32
      %add3A_143 = arith.constant 0 : i32
      %add3A_144 = arith.addi %add3A_143, %mul3A_142 : i32
      %mul3A_145 = arith.constant 80 : i32
      %mul3A_146 = arith.muli %add3A_144, %mul3A_145 : i32
      %add3A_147 = arith.addi %mul3A_93, %mul3A_146 : i32
      "tpu.region"() ({
        %run_scoped3A = tpu.sem_alloc : memref<!tpu.dma_semaphore, #tpu.memory_space<semaphore_mem>>
        %dma_start3A_167 = tpu.memref_slice %arg4[%add3A_147] : memref<320000xi32, #tpu.memory_space<hbm>> -> memref<80xi32, #tpu.memory_space<hbm>>
        %dma_start3A_168 = tpu.memref_slice %arg4[%add3A_147] : memref<320000xi32, #tpu.memory_space<hbm>> -> memref<80xi32, #tpu.memory_space<hbm>>
        tpu.enqueue_dma source(%dma_start3A_168 : memref<80xi32, #tpu.memory_space<hbm>>) target(%arg7 : memref<80xi32, #tpu.memory_space<vmem>>) target_semaphore(%run_scoped3A : memref<!tpu.dma_semaphore, #tpu.memory_space<semaphore_mem>>)
        %dma_wait3A_169 = tpu.memref_slice %arg4[%add3A_147] : memref<320000xi32, #tpu.memory_space<hbm>> -> memref<80xi32, #tpu.memory_space<hbm>>
        %dma_wait3A_170 = tpu.memref_slice %arg4[%add3A_147] : memref<320000xi32, #tpu.memory_space<hbm>> -> memref<80xi32, #tpu.memory_space<hbm>>
        tpu.wait_dma2 semaphore(%run_scoped3A : memref<!tpu.dma_semaphore, #tpu.memory_space<semaphore_mem>>) src(%dma_wait3A_170 : memref<80xi32, #tpu.memory_space<hbm>>) dst(%arg7 : memref<80xi32, #tpu.memory_space<vmem>>)
        tpu.yield
      }) : () -> ()
      "tpu.region"() ({
        %run_scoped3A = tpu.sem_alloc : memref<!tpu.dma_semaphore, #tpu.memory_space<semaphore_mem>>
        %dma_start3A_167 = tpu.memref_slice %arg5[%add3A_147] : memref<320000xi32, #tpu.memory_space<hbm>> -> memref<80xi32, #tpu.memory_space<hbm>>
        %dma_start3A_168 = tpu.memref_slice %arg5[%add3A_147] : memref<320000xi32, #tpu.memory_space<hbm>> -> memref<80xi32, #tpu.memory_space<hbm>>
        tpu.enqueue_dma source(%dma_start3A_168 : memref<80xi32, #tpu.memory_space<hbm>>) target(%arg8 : memref<80xi32, #tpu.memory_space<vmem>>) target_semaphore(%run_scoped3A : memref<!tpu.dma_semaphore, #tpu.memory_space<semaphore_mem>>)
        %dma_wait3A_169 = tpu.memref_slice %arg5[%add3A_147] : memref<320000xi32, #tpu.memory_space<hbm>> -> memref<80xi32, #tpu.memory_space<hbm>>
        %dma_wait3A_170 = tpu.memref_slice %arg5[%add3A_147] : memref<320000xi32, #tpu.memory_space<hbm>> -> memref<80xi32, #tpu.memory_space<hbm>>
        tpu.wait_dma2 semaphore(%run_scoped3A : memref<!tpu.dma_semaphore, #tpu.memory_space<semaphore_mem>>) src(%dma_wait3A_170 : memref<80xi32, #tpu.memory_space<hbm>>) dst(%arg8 : memref<80xi32, #tpu.memory_space<vmem>>)
        tpu.yield
      }) : () -> ()
      %scan3A_148 = arith.constant 0 : i32
      %scan3A_149 = arith.constant 5 : i32
      %scan3A_150 = arith.addi %scan3A_148, %scan3A_149 : i32
      %scan3A_151 = arith.constant 1 : i32
      scf.for %scan3A_167 = %scan3A_148 to %scan3A_150 step %scan3A_151  : i32 {
        %mul3A_168 = arith.constant 1 : i32
        %mul3A_169 = arith.muli %scan3A_167, %mul3A_168 : i32
        %add3A_170 = arith.constant 0 : i32
        %add3A_171 = arith.addi %add3A_170, %mul3A_169 : i32
        %mul3A_172 = arith.constant 16 : i32
        %mul3A_173 = arith.muli %add3A_171, %mul3A_172 : i32
        %get3A = arith.index_cast %mul3A_173 : i32 to index
        %get3A_174 = tpu.vector_load %arg7[%get3A] {strides = array<i32>} : memref<80xi32, #tpu.memory_space<vmem>>, vector<16xi32>,
        %add3A_175 = vector.broadcast %mul3A_95 : i32 to vector<16xi32>
        %add3A_176 = arith.addi %get3A_174, %add3A_175 : vector<16xi32>
        %swap3A = arith.index_cast %mul3A_173 : i32 to index
        %swap3A_177 = tpu.vector_load %arg9[%swap3A] {strides = array<i32>} : memref<80xi32, #tpu.memory_space<vmem>>, vector<16xi32>,
        tpu.vector_store %arg9[%swap3A], %add3A_176 {strides = array<i32>} : memref<80xi32, #tpu.memory_space<vmem>>, vector<16xi32>,
      }
      %scan3A_152 = arith.constant 5 : i32
      %dma_start3A = arith.constant 0 : i32
      %dma_start3A_153 = arith.constant 0 : i32
      %dma_start3A_154 = tpu.memref_slice %arg2[%dma_start3A, %dma_start3A_153] : memref<40000x128xf32, #tpu.memory_space<hbm>> -> memref<40000x128xf32, #tpu.memory_space<hbm>>
      tpu.enqueue_indirect_dma source(%dma_start3A_154 : memref<40000x128xf32, #tpu.memory_space<hbm>>) target(%arg11 : memref<80x128xf32, #tpu.memory_space<vmem>>) offsets(%arg9 : memref<80xi32, #tpu.memory_space<vmem>>) semaphore(%arg15 : memref<!tpu.dma_semaphore, #tpu.memory_space<semaphore_mem>>)
      %mul3A_155 = arith.constant 640000 : i32
      %mul3A_156 = arith.muli %add3A_72, %mul3A_155 : i32
      %mul3A_157 = arith.constant 2 : i32
      %mul3A_158 = arith.muli %mul3A_157, %add3A_147 : i32
      %add3A_159 = arith.addi %mul3A_156, %mul3A_158 : i32
      "tpu.region"() ({
        %run_scoped3A = tpu.sem_alloc : memref<!tpu.dma_semaphore, #tpu.memory_space<semaphore_mem>>
        %dma_start3A_167 = tpu.memref_slice %arg3[%add3A_159] : memref<2560000xf32, #tpu.memory_space<hbm>> -> memref<160xf32, #tpu.memory_space<hbm>>
        %dma_start3A_168 = tpu.memref_slice %arg3[%add3A_159] : memref<2560000xf32, #tpu.memory_space<hbm>> -> memref<160xf32, #tpu.memory_space<hbm>>
        tpu.enqueue_dma source(%dma_start3A_168 : memref<160xf32, #tpu.memory_space<hbm>>) target(%arg10 : memref<160xf32, #tpu.memory_space<vmem>>) target_semaphore(%run_scoped3A : memref<!tpu.dma_semaphore, #tpu.memory_space<semaphore_mem>>)
        %dma_wait3A_169 = tpu.memref_slice %arg3[%add3A_159] : memref<2560000xf32, #tpu.memory_space<hbm>> -> memref<160xf32, #tpu.memory_space<hbm>>
        %dma_wait3A_170 = tpu.memref_slice %arg3[%add3A_159] : memref<2560000xf32, #tpu.memory_space<hbm>> -> memref<160xf32, #tpu.memory_space<hbm>>
        tpu.wait_dma2 semaphore(%run_scoped3A : memref<!tpu.dma_semaphore, #tpu.memory_space<semaphore_mem>>) src(%dma_wait3A_170 : memref<160xf32, #tpu.memory_space<hbm>>) dst(%arg10 : memref<160xf32, #tpu.memory_space<vmem>>)
        tpu.yield
      }) : () -> ()
      %dma_wait3A = arith.constant 0 : i32
      %dma_wait3A_160 = arith.constant 0 : i32
      %dma_wait3A_161 = tpu.memref_slice %arg2[%dma_wait3A, %dma_wait3A_160] : memref<40000x128xf32, #tpu.memory_space<hbm>> -> memref<40000x128xf32, #tpu.memory_space<hbm>>
      tpu.wait_indirect_dma semaphore(%arg15 : memref<!tpu.dma_semaphore, #tpu.memory_space<semaphore_mem>>) src(%dma_wait3A_161 : memref<40000x128xf32, #tpu.memory_space<hbm>>) dst(%arg11 : memref<80x128xf32, #tpu.memory_space<vmem>>)
      %scan3A_162 = arith.constant 0 : i32
      %scan3A_163 = arith.constant 80 : i32
      %scan3A_164 = arith.addi %scan3A_162, %scan3A_163 : i32
      %scan3A_165 = arith.constant 1 : i32
      scf.for %scan3A_167 = %scan3A_162 to %scan3A_164 step %scan3A_165  : i32 {
        %mul3A_168 = arith.constant 1 : i32
        %mul3A_169 = arith.muli %scan3A_167, %mul3A_168 : i32
        %add3A_170 = arith.constant 0 : i32
        %add3A_171 = arith.addi %add3A_170, %mul3A_169 : i32
        %mul3A_172 = arith.constant 2 : i32
        %mul3A_173 = arith.muli %mul3A_172, %add3A_171 : i32
        %broadcast_in_dim3A_174 = vector.broadcast %mul3A_173 : i32 to vector<16xi32>
        %gather3A = tpu.vector_load_idx %arg10[%broadcast_in_dim3A_174] : memref<160xf32, #tpu.memory_space<vmem>>[vector<16xi32>], vector<16xf32>,
        %mul3A_175 = arith.constant 2 : i32
        %mul3A_176 = arith.muli %mul3A_175, %add3A_171 : i32
        %add3A_177 = arith.constant 1 : i32
        %add3A_178 = arith.addi %mul3A_176, %add3A_177 : i32
        %broadcast_in_dim3A_179 = vector.broadcast %add3A_178 : i32 to vector<16xi32>
        %gather3A_180 = tpu.vector_load_idx %arg10[%broadcast_in_dim3A_179] : memref<160xf32, #tpu.memory_space<vmem>>[vector<16xi32>], vector<16xf32>,
        %get3A = arith.index_cast %add3A_171 : i32 to index
        %get3A_181 = arith.constant 0 : index
        %get3A_182 = tpu.vector_load %arg11[%get3A, %get3A_181] {strides = array<i32>} : memref<80x128xf32, #tpu.memory_space<vmem>>, vector<16xf32>,
        %mul3A_183 = arith.mulf %get3A_182, %gather3A : vector<16xf32>
        %swap3A = arith.index_cast %add3A_171 : i32 to index
        %swap3A_184 = arith.constant 0 : index
        %swap3A_185 = tpu.vector_load %arg12[%swap3A, %swap3A_184] {strides = array<i32>} : memref<80x144xf32, #tpu.memory_space<vmem>>, vector<16xf32>,
        tpu.vector_store %arg12[%swap3A, %swap3A_184], %mul3A_183 {strides = array<i32>} : memref<80x144xf32, #tpu.memory_space<vmem>>, vector<16xf32>,
        %get3A_186 = arith.index_cast %add3A_171 : i32 to index
        %get3A_187 = arith.constant 16 : index
        %get3A_188 = tpu.vector_load %arg11[%get3A_186, %get3A_187] {strides = array<i32>} : memref<80x128xf32, #tpu.memory_space<vmem>>, vector<16xf32>,
        %mul3A_189 = arith.mulf %get3A_188, %gather3A : vector<16xf32>
        %swap3A_190 = arith.index_cast %add3A_171 : i32 to index
        %swap3A_191 = arith.constant 16 : index
        %swap3A_192 = tpu.vector_load %arg12[%swap3A_190, %swap3A_191] {strides = array<i32>} : memref<80x144xf32, #tpu.memory_space<vmem>>, vector<16xf32>,
        tpu.vector_store %arg12[%swap3A_190, %swap3A_191], %mul3A_189 {strides = array<i32>} : memref<80x144xf32, #tpu.memory_space<vmem>>, vector<16xf32>,
        %get3A_193 = arith.index_cast %add3A_171 : i32 to index
        %get3A_194 = arith.constant 32 : index
        %get3A_195 = tpu.vector_load %arg11[%get3A_193, %get3A_194] {strides = array<i32>} : memref<80x128xf32, #tpu.memory_space<vmem>>, vector<16xf32>,
        %mul3A_196 = arith.mulf %get3A_195, %gather3A : vector<16xf32>
        %swap3A_197 = arith.index_cast %add3A_171 : i32 to index
        %swap3A_198 = arith.constant 32 : index
        %swap3A_199 = tpu.vector_load %arg12[%swap3A_197, %swap3A_198] {strides = array<i32>} : memref<80x144xf32, #tpu.memory_space<vmem>>, vector<16xf32>,
        tpu.vector_store %arg12[%swap3A_197, %swap3A_198], %mul3A_196 {strides = array<i32>} : memref<80x144xf32, #tpu.memory_space<vmem>>, vector<16xf32>,
        %get3A_200 = arith.index_cast %add3A_171 : i32 to index
        %get3A_201 = arith.constant 48 : index
        %get3A_202 = tpu.vector_load %arg11[%get3A_200, %get3A_201] {strides = array<i32>} : memref<80x128xf32, #tpu.memory_space<vmem>>, vector<16xf32>,
        %mul3A_203 = arith.mulf %get3A_202, %gather3A : vector<16xf32>
        %swap3A_204 = arith.index_cast %add3A_171 : i32 to index
        %swap3A_205 = arith.constant 48 : index
        %swap3A_206 = tpu.vector_load %arg12[%swap3A_204, %swap3A_205] {strides = array<i32>} : memref<80x144xf32, #tpu.memory_space<vmem>>, vector<16xf32>,
        tpu.vector_store %arg12[%swap3A_204, %swap3A_205], %mul3A_203 {strides = array<i32>} : memref<80x144xf32, #tpu.memory_space<vmem>>, vector<16xf32>,
        %get3A_207 = arith.index_cast %add3A_171 : i32 to index
        %get3A_208 = arith.constant 64 : index
        %get3A_209 = tpu.vector_load %arg11[%get3A_207, %get3A_208] {strides = array<i32>} : memref<80x128xf32, #tpu.memory_space<vmem>>, vector<16xf32>,
        %mul3A_210 = arith.mulf %get3A_209, %gather3A_180 : vector<16xf32>
        %swap3A_211 = arith.index_cast %add3A_171 : i32 to index
        %swap3A_212 = arith.constant 64 : index
        %swap3A_213 = tpu.vector_load %arg12[%swap3A_211, %swap3A_212] {strides = array<i32>} : memref<80x144xf32, #tpu.memory_space<vmem>>, vector<16xf32>,
        tpu.vector_store %arg12[%swap3A_211, %swap3A_212], %mul3A_210 {strides = array<i32>} : memref<80x144xf32, #tpu.memory_space<vmem>>, vector<16xf32>,
        %get3A_214 = arith.index_cast %add3A_171 : i32 to index
        %get3A_215 = arith.constant 80 : index
        %get3A_216 = tpu.vector_load %arg11[%get3A_214, %get3A_215] {strides = array<i32>} : memref<80x128xf32, #tpu.memory_space<vmem>>, vector<16xf32>,
        %mul3A_217 = arith.mulf %get3A_216, %gather3A_180 : vector<16xf32>
        %swap3A_218 = arith.index_cast %add3A_171 : i32 to index
        %swap3A_219 = arith.constant 80 : index
        %swap3A_220 = tpu.vector_load %arg12[%swap3A_218, %swap3A_219] {strides = array<i32>} : memref<80x144xf32, #tpu.memory_space<vmem>>, vector<16xf32>,
        tpu.vector_store %arg12[%swap3A_218, %swap3A_219], %mul3A_217 {strides = array<i32>} : memref<80x144xf32, #tpu.memory_space<vmem>>, vector<16xf32>,
        %get3A_221 = arith.index_cast %add3A_171 : i32 to index
        %get3A_222 = arith.constant 96 : index
        %get3A_223 = tpu.vector_load %arg11[%get3A_221, %get3A_222] {strides = array<i32>} : memref<80x128xf32, #tpu.memory_space<vmem>>, vector<16xf32>,
        %mul3A_224 = arith.mulf %get3A_223, %gather3A_180 : vector<16xf32>
        %swap3A_225 = arith.index_cast %add3A_171 : i32 to index
        %swap3A_226 = arith.constant 96 : index
        %swap3A_227 = tpu.vector_load %arg12[%swap3A_225, %swap3A_226] {strides = array<i32>} : memref<80x144xf32, #tpu.memory_space<vmem>>, vector<16xf32>,
        tpu.vector_store %arg12[%swap3A_225, %swap3A_226], %mul3A_224 {strides = array<i32>} : memref<80x144xf32, #tpu.memory_space<vmem>>, vector<16xf32>,
        %get3A_228 = arith.index_cast %add3A_171 : i32 to index
        %get3A_229 = arith.constant 112 : index
        %get3A_230 = tpu.vector_load %arg11[%get3A_228, %get3A_229] {strides = array<i32>} : memref<80x128xf32, #tpu.memory_space<vmem>>, vector<16xf32>,
        %mul3A_231 = arith.mulf %get3A_230, %gather3A_180 : vector<16xf32>
        %swap3A_232 = arith.index_cast %add3A_171 : i32 to index
        %swap3A_233 = arith.constant 112 : index
        %swap3A_234 = tpu.vector_load %arg12[%swap3A_232, %swap3A_233] {strides = array<i32>} : memref<80x144xf32, #tpu.memory_space<vmem>>, vector<16xf32>,
        tpu.vector_store %arg12[%swap3A_232, %swap3A_233], %mul3A_231 {strides = array<i32>} : memref<80x144xf32, #tpu.memory_space<vmem>>, vector<16xf32>,
        %eq3A = arith.constant 0 : i32
        %eq3A_235 = vector.broadcast %eq3A : i32 to vector<16xi32>
        %eq3A_236 = arith.cmpi eq, %iota3A, %eq3A_235 : vector<16xi32>
        %eq3A_237 = arith.constant 1 : i32
        %eq3A_238 = vector.broadcast %eq3A_237 : i32 to vector<16xi32>
        %eq3A_239 = arith.cmpi eq, %iota3A, %eq3A_238 : vector<16xi32>
        %jit3A = arith.constant 0.000000e+00 : f32
        %broadcast_in_dim3A_240 = vector.broadcast %jit3A : f32 to vector<16xf32>
        %select_n3A = arith.select %eq3A_239, %gather3A_180, %broadcast_in_dim3A_240 : vector<16xi1>, vector<16xf32>
        %select_n3A_241 = arith.select %eq3A_236, %gather3A, %select_n3A : vector<16xi1>, vector<16xf32>
        %swap3A_242 = arith.index_cast %add3A_171 : i32 to index
        %swap3A_243 = arith.constant 128 : index
        %swap3A_244 = tpu.vector_load %arg12[%swap3A_242, %swap3A_243] {strides = array<i32>} : memref<80x144xf32, #tpu.memory_space<vmem>>, vector<16xf32>,
        tpu.vector_store %arg12[%swap3A_242, %swap3A_243], %select_n3A_241 {strides = array<i32>} : memref<80x144xf32, #tpu.memory_space<vmem>>, vector<16xf32>,
      }
      %scan3A_166 = arith.constant 80 : i32
      "tpu.region"() ({
        %run_scoped3A = tpu.sem_alloc : memref<!tpu.dma_semaphore, #tpu.memory_space<semaphore_mem>>
        %dma_start3A_167 = arith.constant 0 : i32
        %dma_start3A_168 = arith.constant 0 : i32
        %dma_start3A_169 = tpu.memref_slice %arg14[%dma_start3A_167, %dma_start3A_168] : memref<10240x144xf32, #tpu.memory_space<vmem_shared>> -> memref<10240x144xf32, #tpu.memory_space<vmem_shared>>
        tpu.enqueue_indirect_dma source(%arg12 : memref<80x144xf32, #tpu.memory_space<vmem>>) target(%dma_start3A_169 : memref<10240x144xf32, #tpu.memory_space<vmem_shared>>) offsets(%arg8 : memref<80xi32, #tpu.memory_space<vmem>>) semaphore(%run_scoped3A : memref<!tpu.dma_semaphore, #tpu.memory_space<semaphore_mem>>) {add = true}
        %dma_wait3A_170 = arith.constant 0 : i32
        %dma_wait3A_171 = arith.constant 0 : i32
        %dma_wait3A_172 = tpu.memref_slice %arg14[%dma_wait3A_170, %dma_wait3A_171] : memref<10240x144xf32, #tpu.memory_space<vmem_shared>> -> memref<10240x144xf32, #tpu.memory_space<vmem_shared>>
        tpu.wait_indirect_dma semaphore(%run_scoped3A : memref<!tpu.dma_semaphore, #tpu.memory_space<semaphore_mem>>) src(%arg12 : memref<80x144xf32, #tpu.memory_space<vmem>>) dst(%dma_wait3A_172 : memref<10240x144xf32, #tpu.memory_space<vmem_shared>>)
        tpu.yield
      }) : () -> ()
    }
    %scan3A_100 = arith.constant 250 : i32
    %barrier3A_101 = arith.constant 0 : index
    tpu.barrier barrier_id(%barrier3A_101)
    %mul3A_102 = arith.constant 10240 : i32
    %mul3A_103 = arith.muli %add3A_72, %mul3A_102 : i32
    %mul3A_104 = arith.constant 640 : i32
    %mul3A_105 = arith.muli %arg1, %mul3A_104 : i32
    %add3A_106 = arith.addi %mul3A_103, %mul3A_105 : i32
    %add3A_107 = arith.constant 0 : i32
    %add3A_108 = arith.addi %mul3A_74, %add3A_107 : i32
    %add3A_109 = arith.constant 0 : i32
    %add3A_110 = arith.addi %add3A_106, %add3A_109 : i32
    "tpu.region"() ({
      %run_scoped3A = tpu.sem_alloc : memref<!tpu.dma_semaphore, #tpu.memory_space<semaphore_mem>>
      %dma_start3A = arith.constant 0 : i32
      %dma_start3A_140 = tpu.memref_slice %arg6[%add3A_110, %dma_start3A] : memref<40960x144xf32, #tpu.memory_space<hbm>> -> memref<80x144xf32, #tpu.memory_space<hbm>>
      %dma_start3A_141 = arith.constant 0 : i32
      %dma_start3A_142 = tpu.memref_slice %arg14[%add3A_108, %dma_start3A_141] : memref<10240x144xf32, #tpu.memory_space<vmem_shared>> -> memref<80x144xf32, #tpu.memory_space<vmem_shared>>
      tpu.enqueue_dma source(%dma_start3A_142 : memref<80x144xf32, #tpu.memory_space<vmem_shared>>) target(%dma_start3A_140 : memref<80x144xf32, #tpu.memory_space<hbm>>) target_semaphore(%run_scoped3A : memref<!tpu.dma_semaphore, #tpu.memory_space<semaphore_mem>>)
      %dma_wait3A = arith.constant 0 : i32
      %dma_wait3A_143 = tpu.memref_slice %arg6[%add3A_110, %dma_wait3A] : memref<40960x144xf32, #tpu.memory_space<hbm>> -> memref<80x144xf32, #tpu.memory_space<hbm>>
      %dma_wait3A_144 = arith.constant 0 : i32
      %dma_wait3A_145 = tpu.memref_slice %arg14[%add3A_108, %dma_wait3A_144] : memref<10240x144xf32, #tpu.memory_space<vmem_shared>> -> memref<80x144xf32, #tpu.memory_space<vmem_shared>>
      tpu.wait_dma2 semaphore(%run_scoped3A : memref<!tpu.dma_semaphore, #tpu.memory_space<semaphore_mem>>) src(%dma_wait3A_145 : memref<80x144xf32, #tpu.memory_space<vmem_shared>>) dst(%dma_wait3A_143 : memref<80x144xf32, #tpu.memory_space<hbm>>)
      tpu.yield
    }) : () -> ()
    %add3A_111 = arith.constant 80 : i32
    %add3A_112 = arith.addi %mul3A_74, %add3A_111 : i32
    %add3A_113 = arith.constant 80 : i32
    %add3A_114 = arith.addi %add3A_106, %add3A_113 : i32
    "tpu.region"() ({
      %run_scoped3A = tpu.sem_alloc : memref<!tpu.dma_semaphore, #tpu.memory_space<semaphore_mem>>
      %dma_start3A = arith.constant 0 : i32
      %dma_start3A_140 = tpu.memref_slice %arg6[%add3A_114, %dma_start3A] : memref<40960x144xf32, #tpu.memory_space<hbm>> -> memref<80x144xf32, #tpu.memory_space<hbm>>
      %dma_start3A_141 = arith.constant 0 : i32
      %dma_start3A_142 = tpu.memref_slice %arg14[%add3A_112, %dma_start3A_141] : memref<10240x144xf32, #tpu.memory_space<vmem_shared>> -> memref<80x144xf32, #tpu.memory_space<vmem_shared>>
      tpu.enqueue_dma source(%dma_start3A_142 : memref<80x144xf32, #tpu.memory_space<vmem_shared>>) target(%dma_start3A_140 : memref<80x144xf32, #tpu.memory_space<hbm>>) target_semaphore(%run_scoped3A : memref<!tpu.dma_semaphore, #tpu.memory_space<semaphore_mem>>)
      %dma_wait3A = arith.constant 0 : i32
      %dma_wait3A_143 = tpu.memref_slice %arg6[%add3A_114, %dma_wait3A] : memref<40960x144xf32, #tpu.memory_space<hbm>> -> memref<80x144xf32, #tpu.memory_space<hbm>>
      %dma_wait3A_144 = arith.constant 0 : i32
      %dma_wait3A_145 = tpu.memref_slice %arg14[%add3A_112, %dma_wait3A_144] : memref<10240x144xf32, #tpu.memory_space<vmem_shared>> -> memref<80x144xf32, #tpu.memory_space<vmem_shared>>
      tpu.wait_dma2 semaphore(%run_scoped3A : memref<!tpu.dma_semaphore, #tpu.memory_space<semaphore_mem>>) src(%dma_wait3A_145 : memref<80x144xf32, #tpu.memory_space<vmem_shared>>) dst(%dma_wait3A_143 : memref<80x144xf32, #tpu.memory_space<hbm>>)
      tpu.yield
    }) : () -> ()
    %add3A_115 = arith.constant 160 : i32
    %add3A_116 = arith.addi %mul3A_74, %add3A_115 : i32
    %add3A_117 = arith.constant 160 : i32
    %add3A_118 = arith.addi %add3A_106, %add3A_117 : i32
    "tpu.region"() ({
      %run_scoped3A = tpu.sem_alloc : memref<!tpu.dma_semaphore, #tpu.memory_space<semaphore_mem>>
      %dma_start3A = arith.constant 0 : i32
      %dma_start3A_140 = tpu.memref_slice %arg6[%add3A_118, %dma_start3A] : memref<40960x144xf32, #tpu.memory_space<hbm>> -> memref<80x144xf32, #tpu.memory_space<hbm>>
      %dma_start3A_141 = arith.constant 0 : i32
      %dma_start3A_142 = tpu.memref_slice %arg14[%add3A_116, %dma_start3A_141] : memref<10240x144xf32, #tpu.memory_space<vmem_shared>> -> memref<80x144xf32, #tpu.memory_space<vmem_shared>>
      tpu.enqueue_dma source(%dma_start3A_142 : memref<80x144xf32, #tpu.memory_space<vmem_shared>>) target(%dma_start3A_140 : memref<80x144xf32, #tpu.memory_space<hbm>>) target_semaphore(%run_scoped3A : memref<!tpu.dma_semaphore, #tpu.memory_space<semaphore_mem>>)
      %dma_wait3A = arith.constant 0 : i32
      %dma_wait3A_143 = tpu.memref_slice %arg6[%add3A_118, %dma_wait3A] : memref<40960x144xf32, #tpu.memory_space<hbm>> -> memref<80x144xf32, #tpu.memory_space<hbm>>
      %dma_wait3A_144 = arith.constant 0 : i32
      %dma_wait3A_145 = tpu.memref_slice %arg14[%add3A_116, %dma_wait3A_144] : memref<10240x144xf32, #tpu.memory_space<vmem_shared>> -> memref<80x144xf32, #tpu.memory_space<vmem_shared>>
      tpu.wait_dma2 semaphore(%run_scoped3A : memref<!tpu.dma_semaphore, #tpu.memory_space<semaphore_mem>>) src(%dma_wait3A_145 : memref<80x144xf32, #tpu.memory_space<vmem_shared>>) dst(%dma_wait3A_143 : memref<80x144xf32, #tpu.memory_space<hbm>>)
      tpu.yield
    }) : () -> ()
    %add3A_119 = arith.constant 240 : i32
    %add3A_120 = arith.addi %mul3A_74, %add3A_119 : i32
    %add3A_121 = arith.constant 240 : i32
    %add3A_122 = arith.addi %add3A_106, %add3A_121 : i32
    "tpu.region"() ({
      %run_scoped3A = tpu.sem_alloc : memref<!tpu.dma_semaphore, #tpu.memory_space<semaphore_mem>>
      %dma_start3A = arith.constant 0 : i32
      %dma_start3A_140 = tpu.memref_slice %arg6[%add3A_122, %dma_start3A] : memref<40960x144xf32, #tpu.memory_space<hbm>> -> memref<80x144xf32, #tpu.memory_space<hbm>>
      %dma_start3A_141 = arith.constant 0 : i32
      %dma_start3A_142 = tpu.memref_slice %arg14[%add3A_120, %dma_start3A_141] : memref<10240x144xf32, #tpu.memory_space<vmem_shared>> -> memref<80x144xf32, #tpu.memory_space<vmem_shared>>
      tpu.enqueue_dma source(%dma_start3A_142 : memref<80x144xf32, #tpu.memory_space<vmem_shared>>) target(%dma_start3A_140 : memref<80x144xf32, #tpu.memory_space<hbm>>) target_semaphore(%run_scoped3A : memref<!tpu.dma_semaphore, #tpu.memory_space<semaphore_mem>>)
      %dma_wait3A = arith.constant 0 : i32
      %dma_wait3A_143 = tpu.memref_slice %arg6[%add3A_122, %dma_wait3A] : memref<40960x144xf32, #tpu.memory_space<hbm>> -> memref<80x144xf32, #tpu.memory_space<hbm>>
      %dma_wait3A_144 = arith.constant 0 : i32
      %dma_wait3A_145 = tpu.memref_slice %arg14[%add3A_120, %dma_wait3A_144] : memref<10240x144xf32, #tpu.memory_space<vmem_shared>> -> memref<80x144xf32, #tpu.memory_space<vmem_shared>>
      tpu.wait_dma2 semaphore(%run_scoped3A : memref<!tpu.dma_semaphore, #tpu.memory_space<semaphore_mem>>) src(%dma_wait3A_145 : memref<80x144xf32, #tpu.memory_space<vmem_shared>>) dst(%dma_wait3A_143 : memref<80x144xf32, #tpu.memory_space<hbm>>)
      tpu.yield
    }) : () -> ()
    %add3A_123 = arith.constant 320 : i32
    %add3A_124 = arith.addi %mul3A_74, %add3A_123 : i32
    %add3A_125 = arith.constant 320 : i32
    %add3A_126 = arith.addi %add3A_106, %add3A_125 : i32
    "tpu.region"() ({
      %run_scoped3A = tpu.sem_alloc : memref<!tpu.dma_semaphore, #tpu.memory_space<semaphore_mem>>
      %dma_start3A = arith.constant 0 : i32
      %dma_start3A_140 = tpu.memref_slice %arg6[%add3A_126, %dma_start3A] : memref<40960x144xf32, #tpu.memory_space<hbm>> -> memref<80x144xf32, #tpu.memory_space<hbm>>
      %dma_start3A_141 = arith.constant 0 : i32
      %dma_start3A_142 = tpu.memref_slice %arg14[%add3A_124, %dma_start3A_141] : memref<10240x144xf32, #tpu.memory_space<vmem_shared>> -> memref<80x144xf32, #tpu.memory_space<vmem_shared>>
      tpu.enqueue_dma source(%dma_start3A_142 : memref<80x144xf32, #tpu.memory_space<vmem_shared>>) target(%dma_start3A_140 : memref<80x144xf32, #tpu.memory_space<hbm>>) target_semaphore(%run_scoped3A : memref<!tpu.dma_semaphore, #tpu.memory_space<semaphore_mem>>)
      %dma_wait3A = arith.constant 0 : i32
      %dma_wait3A_143 = tpu.memref_slice %arg6[%add3A_126, %dma_wait3A] : memref<40960x144xf32, #tpu.memory_space<hbm>> -> memref<80x144xf32, #tpu.memory_space<hbm>>
      %dma_wait3A_144 = arith.constant 0 : i32
      %dma_wait3A_145 = tpu.memref_slice %arg14[%add3A_124, %dma_wait3A_144] : memref<10240x144xf32, #tpu.memory_space<vmem_shared>> -> memref<80x144xf32, #tpu.memory_space<vmem_shared>>
      tpu.wait_dma2 semaphore(%run_scoped3A : memref<!tpu.dma_semaphore, #tpu.memory_space<semaphore_mem>>) src(%dma_wait3A_145 : memref<80x144xf32, #tpu.memory_space<vmem_shared>>) dst(%dma_wait3A_143 : memref<80x144xf32, #tpu.memory_space<hbm>>)
      tpu.yield
    }) : () -> ()
    %add3A_127 = arith.constant 400 : i32
    %add3A_128 = arith.addi %mul3A_74, %add3A_127 : i32
    %add3A_129 = arith.constant 400 : i32
    %add3A_130 = arith.addi %add3A_106, %add3A_129 : i32
    "tpu.region"() ({
      %run_scoped3A = tpu.sem_alloc : memref<!tpu.dma_semaphore, #tpu.memory_space<semaphore_mem>>
      %dma_start3A = arith.constant 0 : i32
      %dma_start3A_140 = tpu.memref_slice %arg6[%add3A_130, %dma_start3A] : memref<40960x144xf32, #tpu.memory_space<hbm>> -> memref<80x144xf32, #tpu.memory_space<hbm>>
      %dma_start3A_141 = arith.constant 0 : i32
      %dma_start3A_142 = tpu.memref_slice %arg14[%add3A_128, %dma_start3A_141] : memref<10240x144xf32, #tpu.memory_space<vmem_shared>> -> memref<80x144xf32, #tpu.memory_space<vmem_shared>>
      tpu.enqueue_dma source(%dma_start3A_142 : memref<80x144xf32, #tpu.memory_space<vmem_shared>>) target(%dma_start3A_140 : memref<80x144xf32, #tpu.memory_space<hbm>>) target_semaphore(%run_scoped3A : memref<!tpu.dma_semaphore, #tpu.memory_space<semaphore_mem>>)
      %dma_wait3A = arith.constant 0 : i32
      %dma_wait3A_143 = tpu.memref_slice %arg6[%add3A_130, %dma_wait3A] : memref<40960x144xf32, #tpu.memory_space<hbm>> -> memref<80x144xf32, #tpu.memory_space<hbm>>
      %dma_wait3A_144 = arith.constant 0 : i32
      %dma_wait3A_145 = tpu.memref_slice %arg14[%add3A_128, %dma_wait3A_144] : memref<10240x144xf32, #tpu.memory_space<vmem_shared>> -> memref<80x144xf32, #tpu.memory_space<vmem_shared>>
      tpu.wait_dma2 semaphore(%run_scoped3A : memref<!tpu.dma_semaphore, #tpu.memory_space<semaphore_mem>>) src(%dma_wait3A_145 : memref<80x144xf32, #tpu.memory_space<vmem_shared>>) dst(%dma_wait3A_143 : memref<80x144xf32, #tpu.memory_space<hbm>>)
      tpu.yield
    }) : () -> ()
    %add3A_131 = arith.constant 480 : i32
    %add3A_132 = arith.addi %mul3A_74, %add3A_131 : i32
    %add3A_133 = arith.constant 480 : i32
    %add3A_134 = arith.addi %add3A_106, %add3A_133 : i32
    "tpu.region"() ({
      %run_scoped3A = tpu.sem_alloc : memref<!tpu.dma_semaphore, #tpu.memory_space<semaphore_mem>>
      %dma_start3A = arith.constant 0 : i32
      %dma_start3A_140 = tpu.memref_slice %arg6[%add3A_134, %dma_start3A] : memref<40960x144xf32, #tpu.memory_space<hbm>> -> memref<80x144xf32, #tpu.memory_space<hbm>>
      %dma_start3A_141 = arith.constant 0 : i32
      %dma_start3A_142 = tpu.memref_slice %arg14[%add3A_132, %dma_start3A_141] : memref<10240x144xf32, #tpu.memory_space<vmem_shared>> -> memref<80x144xf32, #tpu.memory_space<vmem_shared>>
      tpu.enqueue_dma source(%dma_start3A_142 : memref<80x144xf32, #tpu.memory_space<vmem_shared>>) target(%dma_start3A_140 : memref<80x144xf32, #tpu.memory_space<hbm>>) target_semaphore(%run_scoped3A : memref<!tpu.dma_semaphore, #tpu.memory_space<semaphore_mem>>)
      %dma_wait3A = arith.constant 0 : i32
      %dma_wait3A_143 = tpu.memref_slice %arg6[%add3A_134, %dma_wait3A] : memref<40960x144xf32, #tpu.memory_space<hbm>> -> memref<80x144xf32, #tpu.memory_space<hbm>>
      %dma_wait3A_144 = arith.constant 0 : i32
      %dma_wait3A_145 = tpu.memref_slice %arg14[%add3A_132, %dma_wait3A_144] : memref<10240x144xf32, #tpu.memory_space<vmem_shared>> -> memref<80x144xf32, #tpu.memory_space<vmem_shared>>
      tpu.wait_dma2 semaphore(%run_scoped3A : memref<!tpu.dma_semaphore, #tpu.memory_space<semaphore_mem>>) src(%dma_wait3A_145 : memref<80x144xf32, #tpu.memory_space<vmem_shared>>) dst(%dma_wait3A_143 : memref<80x144xf32, #tpu.memory_space<hbm>>)
      tpu.yield
    }) : () -> ()
    %add3A_135 = arith.constant 560 : i32
    %add3A_136 = arith.addi %mul3A_74, %add3A_135 : i32
    %add3A_137 = arith.constant 560 : i32
    %add3A_138 = arith.addi %add3A_106, %add3A_137 : i32
    "tpu.region"() ({
      %run_scoped3A = tpu.sem_alloc : memref<!tpu.dma_semaphore, #tpu.memory_space<semaphore_mem>>
      %dma_start3A = arith.constant 0 : i32
      %dma_start3A_140 = tpu.memref_slice %arg6[%add3A_138, %dma_start3A] : memref<40960x144xf32, #tpu.memory_space<hbm>> -> memref<80x144xf32, #tpu.memory_space<hbm>>
      %dma_start3A_141 = arith.constant 0 : i32
      %dma_start3A_142 = tpu.memref_slice %arg14[%add3A_136, %dma_start3A_141] : memref<10240x144xf32, #tpu.memory_space<vmem_shared>> -> memref<80x144xf32, #tpu.memory_space<vmem_shared>>
      tpu.enqueue_dma source(%dma_start3A_142 : memref<80x144xf32, #tpu.memory_space<vmem_shared>>) target(%dma_start3A_140 : memref<80x144xf32, #tpu.memory_space<hbm>>) target_semaphore(%run_scoped3A : memref<!tpu.dma_semaphore, #tpu.memory_space<semaphore_mem>>)
      %dma_wait3A = arith.constant 0 : i32
      %dma_wait3A_143 = tpu.memref_slice %arg6[%add3A_138, %dma_wait3A] : memref<40960x144xf32, #tpu.memory_space<hbm>> -> memref<80x144xf32, #tpu.memory_space<hbm>>
      %dma_wait3A_144 = arith.constant 0 : i32
      %dma_wait3A_145 = tpu.memref_slice %arg14[%add3A_136, %dma_wait3A_144] : memref<10240x144xf32, #tpu.memory_space<vmem_shared>> -> memref<80x144xf32, #tpu.memory_space<vmem_shared>>
      tpu.wait_dma2 semaphore(%run_scoped3A : memref<!tpu.dma_semaphore, #tpu.memory_space<semaphore_mem>>) src(%dma_wait3A_145 : memref<80x144xf32, #tpu.memory_space<vmem_shared>>) dst(%dma_wait3A_143 : memref<80x144xf32, #tpu.memory_space<hbm>>)
      tpu.yield
    }) : () -> ()
    %barrier3A_139 = arith.constant 0 : index
    tpu.barrier barrier_id(%barrier3A_139)
    return
  }
}

#map = affine_map<(d0, d1) -> (0, 0)>
#map1 = affine_map<(d0, d1) -> (0)>
module attributes {stable_mosaic.version = 14 : i64} {
  func.func @_sc2_body(%arg0: i32, %arg1: i32, %arg2: memref<10240x48xf32, #tpu.memory_space<hbm>>, %arg3: memref<10240xf32, #tpu.memory_space<hbm>>, %arg4: memref<10240xf32, #tpu.memory_space<hbm>>, %arg5: memref<320000xi32, #tpu.memory_space<hbm>>, %arg6: memref<320000xi32, #tpu.memory_space<hbm>>, %arg7: memref<20480x48xf32, #tpu.memory_space<hbm>>, %arg8: memref<10240xf32, #tpu.memory_space<vmem>>, %arg9: memref<10240xf32, #tpu.memory_space<vmem>>, %arg10: memref<80xi32, #tpu.memory_space<vmem>>, %arg11: memref<80xi32, #tpu.memory_space<vmem>>, %arg12: memref<80xf32, #tpu.memory_space<vmem>>, %arg13: memref<80x48xf32, #tpu.memory_space<vmem>>, %arg14: memref<80x48xf32, #tpu.memory_space<vmem>>, %arg15: memref<80x48xf32, #tpu.memory_space<vmem>>, %arg16: memref<10240x48xf32, #tpu.memory_space<vmem_shared>>, %arg17: memref<!tpu.dma_semaphore, #tpu.memory_space<semaphore_mem>>) attributes {dimension_semantics = [#tpu.dimension_semantics<core_parallel>, #tpu.dimension_semantics<subcore_parallel>], iteration_bounds = array<i64: 2, 16>, scalar_prefetch = 0 : i64, scratch_operands = 10 : i64, tpu.core_type = #tpu.core_type<sc_vector_subcore>, window_params = [{transform_indices = #map}, {transform_indices = #map1}, {transform_indices = #map1}, {transform_indices = #map1}, {transform_indices = #map1}, {transform_indices = #map}]} {
    %broadcast_in_dim3A = arith.constant 0.000000e+00 : f32
    %broadcast_in_dim3A_0 = vector.broadcast %broadcast_in_dim3A : f32 to vector<16xf32>
    %scan3A = arith.constant 0 : i32
    %scan3A_1 = arith.constant 80 : i32
    %scan3A_2 = arith.addi %scan3A, %scan3A_1 : i32
    %scan3A_3 = arith.constant 1 : i32
    scf.for %scan3A_69 = %scan3A to %scan3A_2 step %scan3A_3  : i32 {
      %mul3A_70 = arith.constant 1 : i32
      %mul3A_71 = arith.muli %scan3A_69, %mul3A_70 : i32
      %add3A_72 = arith.constant 0 : i32
      %add3A_73 = arith.addi %add3A_72, %mul3A_71 : i32
      %swap3A = arith.index_cast %add3A_73 : i32 to index
      %swap3A_74 = arith.constant 0 : index
      %swap3A_75 = tpu.vector_load %arg15[%swap3A, %swap3A_74] {strides = array<i32>} : memref<80x48xf32, #tpu.memory_space<vmem>>, vector<16xf32>,
      tpu.vector_store %arg15[%swap3A, %swap3A_74], %broadcast_in_dim3A_0 {strides = array<i32>} : memref<80x48xf32, #tpu.memory_space<vmem>>, vector<16xf32>,
      %swap3A_76 = arith.index_cast %add3A_73 : i32 to index
      %swap3A_77 = arith.constant 0 : index
      %swap3A_78 = tpu.vector_load %arg14[%swap3A_76, %swap3A_77] {strides = array<i32>} : memref<80x48xf32, #tpu.memory_space<vmem>>, vector<16xf32>,
      tpu.vector_store %arg14[%swap3A_76, %swap3A_77], %broadcast_in_dim3A_0 {strides = array<i32>} : memref<80x48xf32, #tpu.memory_space<vmem>>, vector<16xf32>,
      %swap3A_79 = arith.index_cast %add3A_73 : i32 to index
      %swap3A_80 = arith.constant 16 : index
      %swap3A_81 = tpu.vector_load %arg15[%swap3A_79, %swap3A_80] {strides = array<i32>} : memref<80x48xf32, #tpu.memory_space<vmem>>, vector<16xf32>,
      tpu.vector_store %arg15[%swap3A_79, %swap3A_80], %broadcast_in_dim3A_0 {strides = array<i32>} : memref<80x48xf32, #tpu.memory_space<vmem>>, vector<16xf32>,
      %swap3A_82 = arith.index_cast %add3A_73 : i32 to index
      %swap3A_83 = arith.constant 16 : index
      %swap3A_84 = tpu.vector_load %arg14[%swap3A_82, %swap3A_83] {strides = array<i32>} : memref<80x48xf32, #tpu.memory_space<vmem>>, vector<16xf32>,
      tpu.vector_store %arg14[%swap3A_82, %swap3A_83], %broadcast_in_dim3A_0 {strides = array<i32>} : memref<80x48xf32, #tpu.memory_space<vmem>>, vector<16xf32>,
      %swap3A_85 = arith.index_cast %add3A_73 : i32 to index
      %swap3A_86 = arith.constant 32 : index
      %swap3A_87 = tpu.vector_load %arg15[%swap3A_85, %swap3A_86] {strides = array<i32>} : memref<80x48xf32, #tpu.memory_space<vmem>>, vector<16xf32>,
      tpu.vector_store %arg15[%swap3A_85, %swap3A_86], %broadcast_in_dim3A_0 {strides = array<i32>} : memref<80x48xf32, #tpu.memory_space<vmem>>, vector<16xf32>,
      %swap3A_88 = arith.index_cast %add3A_73 : i32 to index
      %swap3A_89 = arith.constant 32 : index
      %swap3A_90 = tpu.vector_load %arg14[%swap3A_88, %swap3A_89] {strides = array<i32>} : memref<80x48xf32, #tpu.memory_space<vmem>>, vector<16xf32>,
      tpu.vector_store %arg14[%swap3A_88, %swap3A_89], %broadcast_in_dim3A_0 {strides = array<i32>} : memref<80x48xf32, #tpu.memory_space<vmem>>, vector<16xf32>,
    }
    %scan3A_4 = arith.constant 80 : i32
    "tpu.region"() ({
      %run_scoped3A = tpu.sem_alloc : memref<!tpu.dma_semaphore, #tpu.memory_space<semaphore_mem>>
      tpu.enqueue_dma source(%arg3 : memref<10240xf32, #tpu.memory_space<hbm>>) target(%arg8 : memref<10240xf32, #tpu.memory_space<vmem>>) target_semaphore(%run_scoped3A : memref<!tpu.dma_semaphore, #tpu.memory_space<semaphore_mem>>)
      tpu.wait_dma2 semaphore(%run_scoped3A : memref<!tpu.dma_semaphore, #tpu.memory_space<semaphore_mem>>) src(%arg3 : memref<10240xf32, #tpu.memory_space<hbm>>) dst(%arg8 : memref<10240xf32, #tpu.memory_space<vmem>>)
      tpu.yield
    }) : () -> ()
    "tpu.region"() ({
      %run_scoped3A = tpu.sem_alloc : memref<!tpu.dma_semaphore, #tpu.memory_space<semaphore_mem>>
      tpu.enqueue_dma source(%arg4 : memref<10240xf32, #tpu.memory_space<hbm>>) target(%arg9 : memref<10240xf32, #tpu.memory_space<vmem>>) target_semaphore(%run_scoped3A : memref<!tpu.dma_semaphore, #tpu.memory_space<semaphore_mem>>)
      tpu.wait_dma2 semaphore(%run_scoped3A : memref<!tpu.dma_semaphore, #tpu.memory_space<semaphore_mem>>) src(%arg4 : memref<10240xf32, #tpu.memory_space<hbm>>) dst(%arg9 : memref<10240xf32, #tpu.memory_space<vmem>>)
      tpu.yield
    }) : () -> ()
    %mul3A = arith.constant 640 : i32
    %mul3A_5 = arith.muli %arg1, %mul3A : i32
    %add3A = arith.constant 0 : i32
    %add3A_6 = arith.addi %mul3A_5, %add3A : i32
    "tpu.region"() ({
      %run_scoped3A = tpu.sem_alloc : memref<!tpu.dma_semaphore, #tpu.memory_space<semaphore_mem>>
      %dma_start3A = arith.constant 0 : i32
      %dma_start3A_69 = tpu.memref_slice %arg16[%add3A_6, %dma_start3A] : memref<10240x48xf32, #tpu.memory_space<vmem_shared>> -> memref<80x48xf32, #tpu.memory_space<vmem_shared>>
      %dma_start3A_70 = arith.constant 0 : i32
      %dma_start3A_71 = tpu.memref_slice %arg16[%add3A_6, %dma_start3A_70] : memref<10240x48xf32, #tpu.memory_space<vmem_shared>> -> memref<80x48xf32, #tpu.memory_space<vmem_shared>>
      tpu.enqueue_dma source(%arg15 : memref<80x48xf32, #tpu.memory_space<vmem>>) target(%dma_start3A_71 : memref<80x48xf32, #tpu.memory_space<vmem_shared>>) target_semaphore(%run_scoped3A : memref<!tpu.dma_semaphore, #tpu.memory_space<semaphore_mem>>)
      %dma_wait3A = arith.constant 0 : i32
      %dma_wait3A_72 = tpu.memref_slice %arg16[%add3A_6, %dma_wait3A] : memref<10240x48xf32, #tpu.memory_space<vmem_shared>> -> memref<80x48xf32, #tpu.memory_space<vmem_shared>>
      %dma_wait3A_73 = arith.constant 0 : i32
      %dma_wait3A_74 = tpu.memref_slice %arg16[%add3A_6, %dma_wait3A_73] : memref<10240x48xf32, #tpu.memory_space<vmem_shared>> -> memref<80x48xf32, #tpu.memory_space<vmem_shared>>
      tpu.wait_dma2 semaphore(%run_scoped3A : memref<!tpu.dma_semaphore, #tpu.memory_space<semaphore_mem>>) src(%arg15 : memref<80x48xf32, #tpu.memory_space<vmem>>) dst(%dma_wait3A_74 : memref<80x48xf32, #tpu.memory_space<vmem_shared>>)
      tpu.yield
    }) : () -> ()
    %add3A_7 = arith.constant 80 : i32
    %add3A_8 = arith.addi %mul3A_5, %add3A_7 : i32
    "tpu.region"() ({
      %run_scoped3A = tpu.sem_alloc : memref<!tpu.dma_semaphore, #tpu.memory_space<semaphore_mem>>
      %dma_start3A = arith.constant 0 : i32
      %dma_start3A_69 = tpu.memref_slice %arg16[%add3A_8, %dma_start3A] : memref<10240x48xf32, #tpu.memory_space<vmem_shared>> -> memref<80x48xf32, #tpu.memory_space<vmem_shared>>
      %dma_start3A_70 = arith.constant 0 : i32
      %dma_start3A_71 = tpu.memref_slice %arg16[%add3A_8, %dma_start3A_70] : memref<10240x48xf32, #tpu.memory_space<vmem_shared>> -> memref<80x48xf32, #tpu.memory_space<vmem_shared>>
      tpu.enqueue_dma source(%arg15 : memref<80x48xf32, #tpu.memory_space<vmem>>) target(%dma_start3A_71 : memref<80x48xf32, #tpu.memory_space<vmem_shared>>) target_semaphore(%run_scoped3A : memref<!tpu.dma_semaphore, #tpu.memory_space<semaphore_mem>>)
      %dma_wait3A = arith.constant 0 : i32
      %dma_wait3A_72 = tpu.memref_slice %arg16[%add3A_8, %dma_wait3A] : memref<10240x48xf32, #tpu.memory_space<vmem_shared>> -> memref<80x48xf32, #tpu.memory_space<vmem_shared>>
      %dma_wait3A_73 = arith.constant 0 : i32
      %dma_wait3A_74 = tpu.memref_slice %arg16[%add3A_8, %dma_wait3A_73] : memref<10240x48xf32, #tpu.memory_space<vmem_shared>> -> memref<80x48xf32, #tpu.memory_space<vmem_shared>>
      tpu.wait_dma2 semaphore(%run_scoped3A : memref<!tpu.dma_semaphore, #tpu.memory_space<semaphore_mem>>) src(%arg15 : memref<80x48xf32, #tpu.memory_space<vmem>>) dst(%dma_wait3A_74 : memref<80x48xf32, #tpu.memory_space<vmem_shared>>)
      tpu.yield
    }) : () -> ()
    %add3A_9 = arith.constant 160 : i32
    %add3A_10 = arith.addi %mul3A_5, %add3A_9 : i32
    "tpu.region"() ({
      %run_scoped3A = tpu.sem_alloc : memref<!tpu.dma_semaphore, #tpu.memory_space<semaphore_mem>>
      %dma_start3A = arith.constant 0 : i32
      %dma_start3A_69 = tpu.memref_slice %arg16[%add3A_10, %dma_start3A] : memref<10240x48xf32, #tpu.memory_space<vmem_shared>> -> memref<80x48xf32, #tpu.memory_space<vmem_shared>>
      %dma_start3A_70 = arith.constant 0 : i32
      %dma_start3A_71 = tpu.memref_slice %arg16[%add3A_10, %dma_start3A_70] : memref<10240x48xf32, #tpu.memory_space<vmem_shared>> -> memref<80x48xf32, #tpu.memory_space<vmem_shared>>
      tpu.enqueue_dma source(%arg15 : memref<80x48xf32, #tpu.memory_space<vmem>>) target(%dma_start3A_71 : memref<80x48xf32, #tpu.memory_space<vmem_shared>>) target_semaphore(%run_scoped3A : memref<!tpu.dma_semaphore, #tpu.memory_space<semaphore_mem>>)
      %dma_wait3A = arith.constant 0 : i32
      %dma_wait3A_72 = tpu.memref_slice %arg16[%add3A_10, %dma_wait3A] : memref<10240x48xf32, #tpu.memory_space<vmem_shared>> -> memref<80x48xf32, #tpu.memory_space<vmem_shared>>
      %dma_wait3A_73 = arith.constant 0 : i32
      %dma_wait3A_74 = tpu.memref_slice %arg16[%add3A_10, %dma_wait3A_73] : memref<10240x48xf32, #tpu.memory_space<vmem_shared>> -> memref<80x48xf32, #tpu.memory_space<vmem_shared>>
      tpu.wait_dma2 semaphore(%run_scoped3A : memref<!tpu.dma_semaphore, #tpu.memory_space<semaphore_mem>>) src(%arg15 : memref<80x48xf32, #tpu.memory_space<vmem>>) dst(%dma_wait3A_74 : memref<80x48xf32, #tpu.memory_space<vmem_shared>>)
      tpu.yield
    }) : () -> ()
    %add3A_11 = arith.constant 240 : i32
    %add3A_12 = arith.addi %mul3A_5, %add3A_11 : i32
    "tpu.region"() ({
      %run_scoped3A = tpu.sem_alloc : memref<!tpu.dma_semaphore, #tpu.memory_space<semaphore_mem>>
      %dma_start3A = arith.constant 0 : i32
      %dma_start3A_69 = tpu.memref_slice %arg16[%add3A_12, %dma_start3A] : memref<10240x48xf32, #tpu.memory_space<vmem_shared>> -> memref<80x48xf32, #tpu.memory_space<vmem_shared>>
      %dma_start3A_70 = arith.constant 0 : i32
      %dma_start3A_71 = tpu.memref_slice %arg16[%add3A_12, %dma_start3A_70] : memref<10240x48xf32, #tpu.memory_space<vmem_shared>> -> memref<80x48xf32, #tpu.memory_space<vmem_shared>>
      tpu.enqueue_dma source(%arg15 : memref<80x48xf32, #tpu.memory_space<vmem>>) target(%dma_start3A_71 : memref<80x48xf32, #tpu.memory_space<vmem_shared>>) target_semaphore(%run_scoped3A : memref<!tpu.dma_semaphore, #tpu.memory_space<semaphore_mem>>)
      %dma_wait3A = arith.constant 0 : i32
      %dma_wait3A_72 = tpu.memref_slice %arg16[%add3A_12, %dma_wait3A] : memref<10240x48xf32, #tpu.memory_space<vmem_shared>> -> memref<80x48xf32, #tpu.memory_space<vmem_shared>>
      %dma_wait3A_73 = arith.constant 0 : i32
      %dma_wait3A_74 = tpu.memref_slice %arg16[%add3A_12, %dma_wait3A_73] : memref<10240x48xf32, #tpu.memory_space<vmem_shared>> -> memref<80x48xf32, #tpu.memory_space<vmem_shared>>
      tpu.wait_dma2 semaphore(%run_scoped3A : memref<!tpu.dma_semaphore, #tpu.memory_space<semaphore_mem>>) src(%arg15 : memref<80x48xf32, #tpu.memory_space<vmem>>) dst(%dma_wait3A_74 : memref<80x48xf32, #tpu.memory_space<vmem_shared>>)
      tpu.yield
    }) : () -> ()
    %add3A_13 = arith.constant 320 : i32
    %add3A_14 = arith.addi %mul3A_5, %add3A_13 : i32
    "tpu.region"() ({
      %run_scoped3A = tpu.sem_alloc : memref<!tpu.dma_semaphore, #tpu.memory_space<semaphore_mem>>
      %dma_start3A = arith.constant 0 : i32
      %dma_start3A_69 = tpu.memref_slice %arg16[%add3A_14, %dma_start3A] : memref<10240x48xf32, #tpu.memory_space<vmem_shared>> -> memref<80x48xf32, #tpu.memory_space<vmem_shared>>
      %dma_start3A_70 = arith.constant 0 : i32
      %dma_start3A_71 = tpu.memref_slice %arg16[%add3A_14, %dma_start3A_70] : memref<10240x48xf32, #tpu.memory_space<vmem_shared>> -> memref<80x48xf32, #tpu.memory_space<vmem_shared>>
      tpu.enqueue_dma source(%arg15 : memref<80x48xf32, #tpu.memory_space<vmem>>) target(%dma_start3A_71 : memref<80x48xf32, #tpu.memory_space<vmem_shared>>) target_semaphore(%run_scoped3A : memref<!tpu.dma_semaphore, #tpu.memory_space<semaphore_mem>>)
      %dma_wait3A = arith.constant 0 : i32
      %dma_wait3A_72 = tpu.memref_slice %arg16[%add3A_14, %dma_wait3A] : memref<10240x48xf32, #tpu.memory_space<vmem_shared>> -> memref<80x48xf32, #tpu.memory_space<vmem_shared>>
      %dma_wait3A_73 = arith.constant 0 : i32
      %dma_wait3A_74 = tpu.memref_slice %arg16[%add3A_14, %dma_wait3A_73] : memref<10240x48xf32, #tpu.memory_space<vmem_shared>> -> memref<80x48xf32, #tpu.memory_space<vmem_shared>>
      tpu.wait_dma2 semaphore(%run_scoped3A : memref<!tpu.dma_semaphore, #tpu.memory_space<semaphore_mem>>) src(%arg15 : memref<80x48xf32, #tpu.memory_space<vmem>>) dst(%dma_wait3A_74 : memref<80x48xf32, #tpu.memory_space<vmem_shared>>)
      tpu.yield
    }) : () -> ()
    %add3A_15 = arith.constant 400 : i32
    %add3A_16 = arith.addi %mul3A_5, %add3A_15 : i32
    "tpu.region"() ({
      %run_scoped3A = tpu.sem_alloc : memref<!tpu.dma_semaphore, #tpu.memory_space<semaphore_mem>>
      %dma_start3A = arith.constant 0 : i32
      %dma_start3A_69 = tpu.memref_slice %arg16[%add3A_16, %dma_start3A] : memref<10240x48xf32, #tpu.memory_space<vmem_shared>> -> memref<80x48xf32, #tpu.memory_space<vmem_shared>>
      %dma_start3A_70 = arith.constant 0 : i32
      %dma_start3A_71 = tpu.memref_slice %arg16[%add3A_16, %dma_start3A_70] : memref<10240x48xf32, #tpu.memory_space<vmem_shared>> -> memref<80x48xf32, #tpu.memory_space<vmem_shared>>
      tpu.enqueue_dma source(%arg15 : memref<80x48xf32, #tpu.memory_space<vmem>>) target(%dma_start3A_71 : memref<80x48xf32, #tpu.memory_space<vmem_shared>>) target_semaphore(%run_scoped3A : memref<!tpu.dma_semaphore, #tpu.memory_space<semaphore_mem>>)
      %dma_wait3A = arith.constant 0 : i32
      %dma_wait3A_72 = tpu.memref_slice %arg16[%add3A_16, %dma_wait3A] : memref<10240x48xf32, #tpu.memory_space<vmem_shared>> -> memref<80x48xf32, #tpu.memory_space<vmem_shared>>
      %dma_wait3A_73 = arith.constant 0 : i32
      %dma_wait3A_74 = tpu.memref_slice %arg16[%add3A_16, %dma_wait3A_73] : memref<10240x48xf32, #tpu.memory_space<vmem_shared>> -> memref<80x48xf32, #tpu.memory_space<vmem_shared>>
      tpu.wait_dma2 semaphore(%run_scoped3A : memref<!tpu.dma_semaphore, #tpu.memory_space<semaphore_mem>>) src(%arg15 : memref<80x48xf32, #tpu.memory_space<vmem>>) dst(%dma_wait3A_74 : memref<80x48xf32, #tpu.memory_space<vmem_shared>>)
      tpu.yield
    }) : () -> ()
    %add3A_17 = arith.constant 480 : i32
    %add3A_18 = arith.addi %mul3A_5, %add3A_17 : i32
    "tpu.region"() ({
      %run_scoped3A = tpu.sem_alloc : memref<!tpu.dma_semaphore, #tpu.memory_space<semaphore_mem>>
      %dma_start3A = arith.constant 0 : i32
      %dma_start3A_69 = tpu.memref_slice %arg16[%add3A_18, %dma_start3A] : memref<10240x48xf32, #tpu.memory_space<vmem_shared>> -> memref<80x48xf32, #tpu.memory_space<vmem_shared>>
      %dma_start3A_70 = arith.constant 0 : i32
      %dma_start3A_71 = tpu.memref_slice %arg16[%add3A_18, %dma_start3A_70] : memref<10240x48xf32, #tpu.memory_space<vmem_shared>> -> memref<80x48xf32, #tpu.memory_space<vmem_shared>>
      tpu.enqueue_dma source(%arg15 : memref<80x48xf32, #tpu.memory_space<vmem>>) target(%dma_start3A_71 : memref<80x48xf32, #tpu.memory_space<vmem_shared>>) target_semaphore(%run_scoped3A : memref<!tpu.dma_semaphore, #tpu.memory_space<semaphore_mem>>)
      %dma_wait3A = arith.constant 0 : i32
      %dma_wait3A_72 = tpu.memref_slice %arg16[%add3A_18, %dma_wait3A] : memref<10240x48xf32, #tpu.memory_space<vmem_shared>> -> memref<80x48xf32, #tpu.memory_space<vmem_shared>>
      %dma_wait3A_73 = arith.constant 0 : i32
      %dma_wait3A_74 = tpu.memref_slice %arg16[%add3A_18, %dma_wait3A_73] : memref<10240x48xf32, #tpu.memory_space<vmem_shared>> -> memref<80x48xf32, #tpu.memory_space<vmem_shared>>
      tpu.wait_dma2 semaphore(%run_scoped3A : memref<!tpu.dma_semaphore, #tpu.memory_space<semaphore_mem>>) src(%arg15 : memref<80x48xf32, #tpu.memory_space<vmem>>) dst(%dma_wait3A_74 : memref<80x48xf32, #tpu.memory_space<vmem_shared>>)
      tpu.yield
    }) : () -> ()
    %add3A_19 = arith.constant 560 : i32
    %add3A_20 = arith.addi %mul3A_5, %add3A_19 : i32
    "tpu.region"() ({
      %run_scoped3A = tpu.sem_alloc : memref<!tpu.dma_semaphore, #tpu.memory_space<semaphore_mem>>
      %dma_start3A = arith.constant 0 : i32
      %dma_start3A_69 = tpu.memref_slice %arg16[%add3A_20, %dma_start3A] : memref<10240x48xf32, #tpu.memory_space<vmem_shared>> -> memref<80x48xf32, #tpu.memory_space<vmem_shared>>
      %dma_start3A_70 = arith.constant 0 : i32
      %dma_start3A_71 = tpu.memref_slice %arg16[%add3A_20, %dma_start3A_70] : memref<10240x48xf32, #tpu.memory_space<vmem_shared>> -> memref<80x48xf32, #tpu.memory_space<vmem_shared>>
      tpu.enqueue_dma source(%arg15 : memref<80x48xf32, #tpu.memory_space<vmem>>) target(%dma_start3A_71 : memref<80x48xf32, #tpu.memory_space<vmem_shared>>) target_semaphore(%run_scoped3A : memref<!tpu.dma_semaphore, #tpu.memory_space<semaphore_mem>>)
      %dma_wait3A = arith.constant 0 : i32
      %dma_wait3A_72 = tpu.memref_slice %arg16[%add3A_20, %dma_wait3A] : memref<10240x48xf32, #tpu.memory_space<vmem_shared>> -> memref<80x48xf32, #tpu.memory_space<vmem_shared>>
      %dma_wait3A_73 = arith.constant 0 : i32
      %dma_wait3A_74 = tpu.memref_slice %arg16[%add3A_20, %dma_wait3A_73] : memref<10240x48xf32, #tpu.memory_space<vmem_shared>> -> memref<80x48xf32, #tpu.memory_space<vmem_shared>>
      tpu.wait_dma2 semaphore(%run_scoped3A : memref<!tpu.dma_semaphore, #tpu.memory_space<semaphore_mem>>) src(%arg15 : memref<80x48xf32, #tpu.memory_space<vmem>>) dst(%dma_wait3A_74 : memref<80x48xf32, #tpu.memory_space<vmem_shared>>)
      tpu.yield
    }) : () -> ()
    %barrier3A = arith.constant 0 : index
    tpu.barrier barrier_id(%barrier3A)
    %mul3A_21 = arith.constant 160000 : i32
    %mul3A_22 = arith.muli %arg0, %mul3A_21 : i32
    %mul3A_23 = arith.constant 10000 : i32
    %mul3A_24 = arith.muli %arg1, %mul3A_23 : i32
    %add3A_25 = arith.addi %mul3A_22, %mul3A_24 : i32
    %scan3A_26 = arith.constant 0 : i32
    %scan3A_27 = arith.constant 125 : i32
    %scan3A_28 = arith.addi %scan3A_26, %scan3A_27 : i32
    %scan3A_29 = arith.constant 1 : i32
    scf.for %scan3A_69 = %scan3A_26 to %scan3A_28 step %scan3A_29  : i32 {
      %mul3A_70 = arith.constant 1 : i32
      %mul3A_71 = arith.muli %scan3A_69, %mul3A_70 : i32
      %add3A_72 = arith.constant 0 : i32
      %add3A_73 = arith.addi %add3A_72, %mul3A_71 : i32
      %mul3A_74 = arith.constant 80 : i32
      %mul3A_75 = arith.muli %add3A_73, %mul3A_74 : i32
      %add3A_76 = arith.addi %add3A_25, %mul3A_75 : i32
      "tpu.region"() ({
        %run_scoped3A = tpu.sem_alloc : memref<!tpu.dma_semaphore, #tpu.memory_space<semaphore_mem>>
        %dma_start3A_91 = tpu.memref_slice %arg5[%add3A_76] : memref<320000xi32, #tpu.memory_space<hbm>> -> memref<80xi32, #tpu.memory_space<hbm>>
        %dma_start3A_92 = tpu.memref_slice %arg5[%add3A_76] : memref<320000xi32, #tpu.memory_space<hbm>> -> memref<80xi32, #tpu.memory_space<hbm>>
        tpu.enqueue_dma source(%dma_start3A_92 : memref<80xi32, #tpu.memory_space<hbm>>) target(%arg10 : memref<80xi32, #tpu.memory_space<vmem>>) target_semaphore(%run_scoped3A : memref<!tpu.dma_semaphore, #tpu.memory_space<semaphore_mem>>)
        %dma_wait3A_93 = tpu.memref_slice %arg5[%add3A_76] : memref<320000xi32, #tpu.memory_space<hbm>> -> memref<80xi32, #tpu.memory_space<hbm>>
        %dma_wait3A_94 = tpu.memref_slice %arg5[%add3A_76] : memref<320000xi32, #tpu.memory_space<hbm>> -> memref<80xi32, #tpu.memory_space<hbm>>
        tpu.wait_dma2 semaphore(%run_scoped3A : memref<!tpu.dma_semaphore, #tpu.memory_space<semaphore_mem>>) src(%dma_wait3A_94 : memref<80xi32, #tpu.memory_space<hbm>>) dst(%arg10 : memref<80xi32, #tpu.memory_space<vmem>>)
        tpu.yield
      }) : () -> ()
      "tpu.region"() ({
        %run_scoped3A = tpu.sem_alloc : memref<!tpu.dma_semaphore, #tpu.memory_space<semaphore_mem>>
        %dma_start3A_91 = tpu.memref_slice %arg6[%add3A_76] : memref<320000xi32, #tpu.memory_space<hbm>> -> memref<80xi32, #tpu.memory_space<hbm>>
        %dma_start3A_92 = tpu.memref_slice %arg6[%add3A_76] : memref<320000xi32, #tpu.memory_space<hbm>> -> memref<80xi32, #tpu.memory_space<hbm>>
        tpu.enqueue_dma source(%dma_start3A_92 : memref<80xi32, #tpu.memory_space<hbm>>) target(%arg11 : memref<80xi32, #tpu.memory_space<vmem>>) target_semaphore(%run_scoped3A : memref<!tpu.dma_semaphore, #tpu.memory_space<semaphore_mem>>)
        %dma_wait3A_93 = tpu.memref_slice %arg6[%add3A_76] : memref<320000xi32, #tpu.memory_space<hbm>> -> memref<80xi32, #tpu.memory_space<hbm>>
        %dma_wait3A_94 = tpu.memref_slice %arg6[%add3A_76] : memref<320000xi32, #tpu.memory_space<hbm>> -> memref<80xi32, #tpu.memory_space<hbm>>
        tpu.wait_dma2 semaphore(%run_scoped3A : memref<!tpu.dma_semaphore, #tpu.memory_space<semaphore_mem>>) src(%dma_wait3A_94 : memref<80xi32, #tpu.memory_space<hbm>>) dst(%arg11 : memref<80xi32, #tpu.memory_space<vmem>>)
        tpu.yield
      }) : () -> ()
      %dma_start3A = arith.constant 0 : i32
      %dma_start3A_77 = arith.constant 0 : i32
      %dma_start3A_78 = tpu.memref_slice %arg2[%dma_start3A, %dma_start3A_77] : memref<10240x48xf32, #tpu.memory_space<hbm>> -> memref<10240x48xf32, #tpu.memory_space<hbm>>
      tpu.enqueue_indirect_dma source(%dma_start3A_78 : memref<10240x48xf32, #tpu.memory_space<hbm>>) target(%arg13 : memref<80x48xf32, #tpu.memory_space<vmem>>) offsets(%arg10 : memref<80xi32, #tpu.memory_space<vmem>>) semaphore(%arg17 : memref<!tpu.dma_semaphore, #tpu.memory_space<semaphore_mem>>)
      %scan3A_79 = arith.constant 0 : i32
      %scan3A_80 = arith.constant 5 : i32
      %scan3A_81 = arith.addi %scan3A_79, %scan3A_80 : i32
      %scan3A_82 = arith.constant 1 : i32
      scf.for %scan3A_91 = %scan3A_79 to %scan3A_81 step %scan3A_82  : i32 {
        %mul3A_92 = arith.constant 1 : i32
        %mul3A_93 = arith.muli %scan3A_91, %mul3A_92 : i32
        %add3A_94 = arith.constant 0 : i32
        %add3A_95 = arith.addi %add3A_94, %mul3A_93 : i32
        %mul3A_96 = arith.constant 16 : i32
        %mul3A_97 = arith.muli %add3A_95, %mul3A_96 : i32
        %get3A = arith.index_cast %mul3A_97 : i32 to index
        %get3A_98 = tpu.vector_load %arg10[%get3A] {strides = array<i32>} : memref<80xi32, #tpu.memory_space<vmem>>, vector<16xi32>,
        %gather3A = tpu.vector_load_idx %arg8[%get3A_98] : memref<10240xf32, #tpu.memory_space<vmem>>[vector<16xi32>], vector<16xf32>,
        %get3A_99 = arith.index_cast %mul3A_97 : i32 to index
        %get3A_100 = tpu.vector_load %arg11[%get3A_99] {strides = array<i32>} : memref<80xi32, #tpu.memory_space<vmem>>, vector<16xi32>,
        %gather3A_101 = tpu.vector_load_idx %arg9[%get3A_100] : memref<10240xf32, #tpu.memory_space<vmem>>[vector<16xi32>], vector<16xf32>,
        %add3A_102 = arith.addf %gather3A, %gather3A_101 : vector<16xf32>
        %gt3A = arith.constant 0.000000e+00 : f32
        %gt3A_103 = vector.broadcast %gt3A : f32 to vector<16xf32>
        %gt3A_104 = arith.cmpf ogt, %add3A_102, %gt3A_103 : vector<16xf32>
        %mul3A_105 = arith.constant 2.000000e-01 : f32
        %mul3A_106 = vector.broadcast %mul3A_105 : f32 to vector<16xf32>
        %mul3A_107 = arith.mulf %add3A_102, %mul3A_106 : vector<16xf32>
        %select_n3A = arith.select %gt3A_104, %add3A_102, %mul3A_107 : vector<16xi1>, vector<16xf32>
        %exp3A = math.exp %select_n3A : vector<16xf32>
        %swap3A = arith.index_cast %mul3A_97 : i32 to index
        %swap3A_108 = tpu.vector_load %arg12[%swap3A] {strides = array<i32>} : memref<80xf32, #tpu.memory_space<vmem>>, vector<16xf32>,
        tpu.vector_store %arg12[%swap3A], %exp3A {strides = array<i32>} : memref<80xf32, #tpu.memory_space<vmem>>, vector<16xf32>,
      }
      %scan3A_83 = arith.constant 5 : i32
      %dma_wait3A = arith.constant 0 : i32
      %dma_wait3A_84 = arith.constant 0 : i32
      %dma_wait3A_85 = tpu.memref_slice %arg2[%dma_wait3A, %dma_wait3A_84] : memref<10240x48xf32, #tpu.memory_space<hbm>> -> memref<10240x48xf32, #tpu.memory_space<hbm>>
      tpu.wait_indirect_dma semaphore(%arg17 : memref<!tpu.dma_semaphore, #tpu.memory_space<semaphore_mem>>) src(%dma_wait3A_85 : memref<10240x48xf32, #tpu.memory_space<hbm>>) dst(%arg13 : memref<80x48xf32, #tpu.memory_space<vmem>>)
      %scan3A_86 = arith.constant 0 : i32
      %scan3A_87 = arith.constant 80 : i32
      %scan3A_88 = arith.addi %scan3A_86, %scan3A_87 : i32
      %scan3A_89 = arith.constant 1 : i32
      scf.for %scan3A_91 = %scan3A_86 to %scan3A_88 step %scan3A_89  : i32 {
        %mul3A_92 = arith.constant 1 : i32
        %mul3A_93 = arith.muli %scan3A_91, %mul3A_92 : i32
        %add3A_94 = arith.constant 0 : i32
        %add3A_95 = arith.addi %add3A_94, %mul3A_93 : i32
        %broadcast_in_dim3A_96 = vector.broadcast %add3A_95 : i32 to vector<16xi32>
        %gather3A = tpu.vector_load_idx %arg12[%broadcast_in_dim3A_96] : memref<80xf32, #tpu.memory_space<vmem>>[vector<16xi32>], vector<16xf32>,
        %get3A = arith.index_cast %add3A_95 : i32 to index
        %get3A_97 = arith.constant 0 : index
        %get3A_98 = tpu.vector_load %arg13[%get3A, %get3A_97] {strides = array<i32>} : memref<80x48xf32, #tpu.memory_space<vmem>>, vector<16xf32>,
        %mul3A_99 = arith.mulf %get3A_98, %gather3A : vector<16xf32>
        %swap3A = arith.index_cast %add3A_95 : i32 to index
        %swap3A_100 = arith.constant 0 : index
        %swap3A_101 = tpu.vector_load %arg14[%swap3A, %swap3A_100] {strides = array<i32>} : memref<80x48xf32, #tpu.memory_space<vmem>>, vector<16xf32>,
        tpu.vector_store %arg14[%swap3A, %swap3A_100], %mul3A_99 {strides = array<i32>} : memref<80x48xf32, #tpu.memory_space<vmem>>, vector<16xf32>,
        %get3A_102 = arith.index_cast %add3A_95 : i32 to index
        %get3A_103 = arith.constant 16 : index
        %get3A_104 = tpu.vector_load %arg13[%get3A_102, %get3A_103] {strides = array<i32>} : memref<80x48xf32, #tpu.memory_space<vmem>>, vector<16xf32>,
        %mul3A_105 = arith.mulf %get3A_104, %gather3A : vector<16xf32>
        %swap3A_106 = arith.index_cast %add3A_95 : i32 to index
        %swap3A_107 = arith.constant 16 : index
        %swap3A_108 = tpu.vector_load %arg14[%swap3A_106, %swap3A_107] {strides = array<i32>} : memref<80x48xf32, #tpu.memory_space<vmem>>, vector<16xf32>,
        tpu.vector_store %arg14[%swap3A_106, %swap3A_107], %mul3A_105 {strides = array<i32>} : memref<80x48xf32, #tpu.memory_space<vmem>>, vector<16xf32>,
        %get3A_109 = arith.index_cast %add3A_95 : i32 to index
        %get3A_110 = arith.constant 32 : index
        %get3A_111 = tpu.vector_load %arg13[%get3A_109, %get3A_110] {strides = array<i32>} : memref<80x48xf32, #tpu.memory_space<vmem>>, vector<16xf32>,
        %mul3A_112 = arith.mulf %get3A_111, %gather3A : vector<16xf32>
        %swap3A_113 = arith.index_cast %add3A_95 : i32 to index
        %swap3A_114 = arith.constant 32 : index
        %swap3A_115 = tpu.vector_load %arg14[%swap3A_113, %swap3A_114] {strides = array<i32>} : memref<80x48xf32, #tpu.memory_space<vmem>>, vector<16xf32>,
        tpu.vector_store %arg14[%swap3A_113, %swap3A_114], %mul3A_112 {strides = array<i32>} : memref<80x48xf32, #tpu.memory_space<vmem>>, vector<16xf32>,
      }
      %scan3A_90 = arith.constant 80 : i32
      "tpu.region"() ({
        %run_scoped3A = tpu.sem_alloc : memref<!tpu.dma_semaphore, #tpu.memory_space<semaphore_mem>>
        %dma_start3A_91 = arith.constant 0 : i32
        %dma_start3A_92 = arith.constant 0 : i32
        %dma_start3A_93 = tpu.memref_slice %arg16[%dma_start3A_91, %dma_start3A_92] : memref<10240x48xf32, #tpu.memory_space<vmem_shared>> -> memref<10240x48xf32, #tpu.memory_space<vmem_shared>>
        tpu.enqueue_indirect_dma source(%arg14 : memref<80x48xf32, #tpu.memory_space<vmem>>) target(%dma_start3A_93 : memref<10240x48xf32, #tpu.memory_space<vmem_shared>>) offsets(%arg11 : memref<80xi32, #tpu.memory_space<vmem>>) semaphore(%run_scoped3A : memref<!tpu.dma_semaphore, #tpu.memory_space<semaphore_mem>>) {add = true}
        %dma_wait3A_94 = arith.constant 0 : i32
        %dma_wait3A_95 = arith.constant 0 : i32
        %dma_wait3A_96 = tpu.memref_slice %arg16[%dma_wait3A_94, %dma_wait3A_95] : memref<10240x48xf32, #tpu.memory_space<vmem_shared>> -> memref<10240x48xf32, #tpu.memory_space<vmem_shared>>
        tpu.wait_indirect_dma semaphore(%run_scoped3A : memref<!tpu.dma_semaphore, #tpu.memory_space<semaphore_mem>>) src(%arg14 : memref<80x48xf32, #tpu.memory_space<vmem>>) dst(%dma_wait3A_96 : memref<10240x48xf32, #tpu.memory_space<vmem_shared>>)
        tpu.yield
      }) : () -> ()
    }
    %scan3A_30 = arith.constant 125 : i32
    %barrier3A_31 = arith.constant 0 : index
    tpu.barrier barrier_id(%barrier3A_31)
    %mul3A_32 = arith.constant 10240 : i32
    %mul3A_33 = arith.muli %arg0, %mul3A_32 : i32
    %mul3A_34 = arith.constant 640 : i32
    %mul3A_35 = arith.muli %arg1, %mul3A_34 : i32
    %add3A_36 = arith.addi %mul3A_33, %mul3A_35 : i32
    %add3A_37 = arith.constant 0 : i32
    %add3A_38 = arith.addi %mul3A_5, %add3A_37 : i32
    %add3A_39 = arith.constant 0 : i32
    %add3A_40 = arith.addi %add3A_36, %add3A_39 : i32
    "tpu.region"() ({
      %run_scoped3A = tpu.sem_alloc : memref<!tpu.dma_semaphore, #tpu.memory_space<semaphore_mem>>
      %dma_start3A = arith.constant 0 : i32
      %dma_start3A_69 = tpu.memref_slice %arg7[%add3A_40, %dma_start3A] : memref<20480x48xf32, #tpu.memory_space<hbm>> -> memref<80x48xf32, #tpu.memory_space<hbm>>
      %dma_start3A_70 = arith.constant 0 : i32
      %dma_start3A_71 = tpu.memref_slice %arg16[%add3A_38, %dma_start3A_70] : memref<10240x48xf32, #tpu.memory_space<vmem_shared>> -> memref<80x48xf32, #tpu.memory_space<vmem_shared>>
      tpu.enqueue_dma source(%dma_start3A_71 : memref<80x48xf32, #tpu.memory_space<vmem_shared>>) target(%dma_start3A_69 : memref<80x48xf32, #tpu.memory_space<hbm>>) target_semaphore(%run_scoped3A : memref<!tpu.dma_semaphore, #tpu.memory_space<semaphore_mem>>)
      %dma_wait3A = arith.constant 0 : i32
      %dma_wait3A_72 = tpu.memref_slice %arg7[%add3A_40, %dma_wait3A] : memref<20480x48xf32, #tpu.memory_space<hbm>> -> memref<80x48xf32, #tpu.memory_space<hbm>>
      %dma_wait3A_73 = arith.constant 0 : i32
      %dma_wait3A_74 = tpu.memref_slice %arg16[%add3A_38, %dma_wait3A_73] : memref<10240x48xf32, #tpu.memory_space<vmem_shared>> -> memref<80x48xf32, #tpu.memory_space<vmem_shared>>
      tpu.wait_dma2 semaphore(%run_scoped3A : memref<!tpu.dma_semaphore, #tpu.memory_space<semaphore_mem>>) src(%dma_wait3A_74 : memref<80x48xf32, #tpu.memory_space<vmem_shared>>) dst(%dma_wait3A_72 : memref<80x48xf32, #tpu.memory_space<hbm>>)
      tpu.yield
    }) : () -> ()
    %add3A_41 = arith.constant 80 : i32
    %add3A_42 = arith.addi %mul3A_5, %add3A_41 : i32
    %add3A_43 = arith.constant 80 : i32
    %add3A_44 = arith.addi %add3A_36, %add3A_43 : i32
    "tpu.region"() ({
      %run_scoped3A = tpu.sem_alloc : memref<!tpu.dma_semaphore, #tpu.memory_space<semaphore_mem>>
      %dma_start3A = arith.constant 0 : i32
      %dma_start3A_69 = tpu.memref_slice %arg7[%add3A_44, %dma_start3A] : memref<20480x48xf32, #tpu.memory_space<hbm>> -> memref<80x48xf32, #tpu.memory_space<hbm>>
      %dma_start3A_70 = arith.constant 0 : i32
      %dma_start3A_71 = tpu.memref_slice %arg16[%add3A_42, %dma_start3A_70] : memref<10240x48xf32, #tpu.memory_space<vmem_shared>> -> memref<80x48xf32, #tpu.memory_space<vmem_shared>>
      tpu.enqueue_dma source(%dma_start3A_71 : memref<80x48xf32, #tpu.memory_space<vmem_shared>>) target(%dma_start3A_69 : memref<80x48xf32, #tpu.memory_space<hbm>>) target_semaphore(%run_scoped3A : memref<!tpu.dma_semaphore, #tpu.memory_space<semaphore_mem>>)
      %dma_wait3A = arith.constant 0 : i32
      %dma_wait3A_72 = tpu.memref_slice %arg7[%add3A_44, %dma_wait3A] : memref<20480x48xf32, #tpu.memory_space<hbm>> -> memref<80x48xf32, #tpu.memory_space<hbm>>
      %dma_wait3A_73 = arith.constant 0 : i32
      %dma_wait3A_74 = tpu.memref_slice %arg16[%add3A_42, %dma_wait3A_73] : memref<10240x48xf32, #tpu.memory_space<vmem_shared>> -> memref<80x48xf32, #tpu.memory_space<vmem_shared>>
      tpu.wait_dma2 semaphore(%run_scoped3A : memref<!tpu.dma_semaphore, #tpu.memory_space<semaphore_mem>>) src(%dma_wait3A_74 : memref<80x48xf32, #tpu.memory_space<vmem_shared>>) dst(%dma_wait3A_72 : memref<80x48xf32, #tpu.memory_space<hbm>>)
      tpu.yield
    }) : () -> ()
    %add3A_45 = arith.constant 160 : i32
    %add3A_46 = arith.addi %mul3A_5, %add3A_45 : i32
    %add3A_47 = arith.constant 160 : i32
    %add3A_48 = arith.addi %add3A_36, %add3A_47 : i32
    "tpu.region"() ({
      %run_scoped3A = tpu.sem_alloc : memref<!tpu.dma_semaphore, #tpu.memory_space<semaphore_mem>>
      %dma_start3A = arith.constant 0 : i32
      %dma_start3A_69 = tpu.memref_slice %arg7[%add3A_48, %dma_start3A] : memref<20480x48xf32, #tpu.memory_space<hbm>> -> memref<80x48xf32, #tpu.memory_space<hbm>>
      %dma_start3A_70 = arith.constant 0 : i32
      %dma_start3A_71 = tpu.memref_slice %arg16[%add3A_46, %dma_start3A_70] : memref<10240x48xf32, #tpu.memory_space<vmem_shared>> -> memref<80x48xf32, #tpu.memory_space<vmem_shared>>
      tpu.enqueue_dma source(%dma_start3A_71 : memref<80x48xf32, #tpu.memory_space<vmem_shared>>) target(%dma_start3A_69 : memref<80x48xf32, #tpu.memory_space<hbm>>) target_semaphore(%run_scoped3A : memref<!tpu.dma_semaphore, #tpu.memory_space<semaphore_mem>>)
      %dma_wait3A = arith.constant 0 : i32
      %dma_wait3A_72 = tpu.memref_slice %arg7[%add3A_48, %dma_wait3A] : memref<20480x48xf32, #tpu.memory_space<hbm>> -> memref<80x48xf32, #tpu.memory_space<hbm>>
      %dma_wait3A_73 = arith.constant 0 : i32
      %dma_wait3A_74 = tpu.memref_slice %arg16[%add3A_46, %dma_wait3A_73] : memref<10240x48xf32, #tpu.memory_space<vmem_shared>> -> memref<80x48xf32, #tpu.memory_space<vmem_shared>>
      tpu.wait_dma2 semaphore(%run_scoped3A : memref<!tpu.dma_semaphore, #tpu.memory_space<semaphore_mem>>) src(%dma_wait3A_74 : memref<80x48xf32, #tpu.memory_space<vmem_shared>>) dst(%dma_wait3A_72 : memref<80x48xf32, #tpu.memory_space<hbm>>)
      tpu.yield
    }) : () -> ()
    %add3A_49 = arith.constant 240 : i32
    %add3A_50 = arith.addi %mul3A_5, %add3A_49 : i32
    %add3A_51 = arith.constant 240 : i32
    %add3A_52 = arith.addi %add3A_36, %add3A_51 : i32
    "tpu.region"() ({
      %run_scoped3A = tpu.sem_alloc : memref<!tpu.dma_semaphore, #tpu.memory_space<semaphore_mem>>
      %dma_start3A = arith.constant 0 : i32
      %dma_start3A_69 = tpu.memref_slice %arg7[%add3A_52, %dma_start3A] : memref<20480x48xf32, #tpu.memory_space<hbm>> -> memref<80x48xf32, #tpu.memory_space<hbm>>
      %dma_start3A_70 = arith.constant 0 : i32
      %dma_start3A_71 = tpu.memref_slice %arg16[%add3A_50, %dma_start3A_70] : memref<10240x48xf32, #tpu.memory_space<vmem_shared>> -> memref<80x48xf32, #tpu.memory_space<vmem_shared>>
      tpu.enqueue_dma source(%dma_start3A_71 : memref<80x48xf32, #tpu.memory_space<vmem_shared>>) target(%dma_start3A_69 : memref<80x48xf32, #tpu.memory_space<hbm>>) target_semaphore(%run_scoped3A : memref<!tpu.dma_semaphore, #tpu.memory_space<semaphore_mem>>)
      %dma_wait3A = arith.constant 0 : i32
      %dma_wait3A_72 = tpu.memref_slice %arg7[%add3A_52, %dma_wait3A] : memref<20480x48xf32, #tpu.memory_space<hbm>> -> memref<80x48xf32, #tpu.memory_space<hbm>>
      %dma_wait3A_73 = arith.constant 0 : i32
      %dma_wait3A_74 = tpu.memref_slice %arg16[%add3A_50, %dma_wait3A_73] : memref<10240x48xf32, #tpu.memory_space<vmem_shared>> -> memref<80x48xf32, #tpu.memory_space<vmem_shared>>
      tpu.wait_dma2 semaphore(%run_scoped3A : memref<!tpu.dma_semaphore, #tpu.memory_space<semaphore_mem>>) src(%dma_wait3A_74 : memref<80x48xf32, #tpu.memory_space<vmem_shared>>) dst(%dma_wait3A_72 : memref<80x48xf32, #tpu.memory_space<hbm>>)
      tpu.yield
    }) : () -> ()
    %add3A_53 = arith.constant 320 : i32
    %add3A_54 = arith.addi %mul3A_5, %add3A_53 : i32
    %add3A_55 = arith.constant 320 : i32
    %add3A_56 = arith.addi %add3A_36, %add3A_55 : i32
    "tpu.region"() ({
      %run_scoped3A = tpu.sem_alloc : memref<!tpu.dma_semaphore, #tpu.memory_space<semaphore_mem>>
      %dma_start3A = arith.constant 0 : i32
      %dma_start3A_69 = tpu.memref_slice %arg7[%add3A_56, %dma_start3A] : memref<20480x48xf32, #tpu.memory_space<hbm>> -> memref<80x48xf32, #tpu.memory_space<hbm>>
      %dma_start3A_70 = arith.constant 0 : i32
      %dma_start3A_71 = tpu.memref_slice %arg16[%add3A_54, %dma_start3A_70] : memref<10240x48xf32, #tpu.memory_space<vmem_shared>> -> memref<80x48xf32, #tpu.memory_space<vmem_shared>>
      tpu.enqueue_dma source(%dma_start3A_71 : memref<80x48xf32, #tpu.memory_space<vmem_shared>>) target(%dma_start3A_69 : memref<80x48xf32, #tpu.memory_space<hbm>>) target_semaphore(%run_scoped3A : memref<!tpu.dma_semaphore, #tpu.memory_space<semaphore_mem>>)
      %dma_wait3A = arith.constant 0 : i32
      %dma_wait3A_72 = tpu.memref_slice %arg7[%add3A_56, %dma_wait3A] : memref<20480x48xf32, #tpu.memory_space<hbm>> -> memref<80x48xf32, #tpu.memory_space<hbm>>
      %dma_wait3A_73 = arith.constant 0 : i32
      %dma_wait3A_74 = tpu.memref_slice %arg16[%add3A_54, %dma_wait3A_73] : memref<10240x48xf32, #tpu.memory_space<vmem_shared>> -> memref<80x48xf32, #tpu.memory_space<vmem_shared>>
      tpu.wait_dma2 semaphore(%run_scoped3A : memref<!tpu.dma_semaphore, #tpu.memory_space<semaphore_mem>>) src(%dma_wait3A_74 : memref<80x48xf32, #tpu.memory_space<vmem_shared>>) dst(%dma_wait3A_72 : memref<80x48xf32, #tpu.memory_space<hbm>>)
      tpu.yield
    }) : () -> ()
    %add3A_57 = arith.constant 400 : i32
    %add3A_58 = arith.addi %mul3A_5, %add3A_57 : i32
    %add3A_59 = arith.constant 400 : i32
    %add3A_60 = arith.addi %add3A_36, %add3A_59 : i32
    "tpu.region"() ({
      %run_scoped3A = tpu.sem_alloc : memref<!tpu.dma_semaphore, #tpu.memory_space<semaphore_mem>>
      %dma_start3A = arith.constant 0 : i32
      %dma_start3A_69 = tpu.memref_slice %arg7[%add3A_60, %dma_start3A] : memref<20480x48xf32, #tpu.memory_space<hbm>> -> memref<80x48xf32, #tpu.memory_space<hbm>>
      %dma_start3A_70 = arith.constant 0 : i32
      %dma_start3A_71 = tpu.memref_slice %arg16[%add3A_58, %dma_start3A_70] : memref<10240x48xf32, #tpu.memory_space<vmem_shared>> -> memref<80x48xf32, #tpu.memory_space<vmem_shared>>
      tpu.enqueue_dma source(%dma_start3A_71 : memref<80x48xf32, #tpu.memory_space<vmem_shared>>) target(%dma_start3A_69 : memref<80x48xf32, #tpu.memory_space<hbm>>) target_semaphore(%run_scoped3A : memref<!tpu.dma_semaphore, #tpu.memory_space<semaphore_mem>>)
      %dma_wait3A = arith.constant 0 : i32
      %dma_wait3A_72 = tpu.memref_slice %arg7[%add3A_60, %dma_wait3A] : memref<20480x48xf32, #tpu.memory_space<hbm>> -> memref<80x48xf32, #tpu.memory_space<hbm>>
      %dma_wait3A_73 = arith.constant 0 : i32
      %dma_wait3A_74 = tpu.memref_slice %arg16[%add3A_58, %dma_wait3A_73] : memref<10240x48xf32, #tpu.memory_space<vmem_shared>> -> memref<80x48xf32, #tpu.memory_space<vmem_shared>>
      tpu.wait_dma2 semaphore(%run_scoped3A : memref<!tpu.dma_semaphore, #tpu.memory_space<semaphore_mem>>) src(%dma_wait3A_74 : memref<80x48xf32, #tpu.memory_space<vmem_shared>>) dst(%dma_wait3A_72 : memref<80x48xf32, #tpu.memory_space<hbm>>)
      tpu.yield
    }) : () -> ()
    %add3A_61 = arith.constant 480 : i32
    %add3A_62 = arith.addi %mul3A_5, %add3A_61 : i32
    %add3A_63 = arith.constant 480 : i32
    %add3A_64 = arith.addi %add3A_36, %add3A_63 : i32
    "tpu.region"() ({
      %run_scoped3A = tpu.sem_alloc : memref<!tpu.dma_semaphore, #tpu.memory_space<semaphore_mem>>
      %dma_start3A = arith.constant 0 : i32
      %dma_start3A_69 = tpu.memref_slice %arg7[%add3A_64, %dma_start3A] : memref<20480x48xf32, #tpu.memory_space<hbm>> -> memref<80x48xf32, #tpu.memory_space<hbm>>
      %dma_start3A_70 = arith.constant 0 : i32
      %dma_start3A_71 = tpu.memref_slice %arg16[%add3A_62, %dma_start3A_70] : memref<10240x48xf32, #tpu.memory_space<vmem_shared>> -> memref<80x48xf32, #tpu.memory_space<vmem_shared>>
      tpu.enqueue_dma source(%dma_start3A_71 : memref<80x48xf32, #tpu.memory_space<vmem_shared>>) target(%dma_start3A_69 : memref<80x48xf32, #tpu.memory_space<hbm>>) target_semaphore(%run_scoped3A : memref<!tpu.dma_semaphore, #tpu.memory_space<semaphore_mem>>)
      %dma_wait3A = arith.constant 0 : i32
      %dma_wait3A_72 = tpu.memref_slice %arg7[%add3A_64, %dma_wait3A] : memref<20480x48xf32, #tpu.memory_space<hbm>> -> memref<80x48xf32, #tpu.memory_space<hbm>>
      %dma_wait3A_73 = arith.constant 0 : i32
      %dma_wait3A_74 = tpu.memref_slice %arg16[%add3A_62, %dma_wait3A_73] : memref<10240x48xf32, #tpu.memory_space<vmem_shared>> -> memref<80x48xf32, #tpu.memory_space<vmem_shared>>
      tpu.wait_dma2 semaphore(%run_scoped3A : memref<!tpu.dma_semaphore, #tpu.memory_space<semaphore_mem>>) src(%dma_wait3A_74 : memref<80x48xf32, #tpu.memory_space<vmem_shared>>) dst(%dma_wait3A_72 : memref<80x48xf32, #tpu.memory_space<hbm>>)
      tpu.yield
    }) : () -> ()
    %add3A_65 = arith.constant 560 : i32
    %add3A_66 = arith.addi %mul3A_5, %add3A_65 : i32
    %add3A_67 = arith.constant 560 : i32
    %add3A_68 = arith.addi %add3A_36, %add3A_67 : i32
    "tpu.region"() ({
      %run_scoped3A = tpu.sem_alloc : memref<!tpu.dma_semaphore, #tpu.memory_space<semaphore_mem>>
      %dma_start3A = arith.constant 0 : i32
      %dma_start3A_69 = tpu.memref_slice %arg7[%add3A_68, %dma_start3A] : memref<20480x48xf32, #tpu.memory_space<hbm>> -> memref<80x48xf32, #tpu.memory_space<hbm>>
      %dma_start3A_70 = arith.constant 0 : i32
      %dma_start3A_71 = tpu.memref_slice %arg16[%add3A_66, %dma_start3A_70] : memref<10240x48xf32, #tpu.memory_space<vmem_shared>> -> memref<80x48xf32, #tpu.memory_space<vmem_shared>>
      tpu.enqueue_dma source(%dma_start3A_71 : memref<80x48xf32, #tpu.memory_space<vmem_shared>>) target(%dma_start3A_69 : memref<80x48xf32, #tpu.memory_space<hbm>>) target_semaphore(%run_scoped3A : memref<!tpu.dma_semaphore, #tpu.memory_space<semaphore_mem>>)
      %dma_wait3A = arith.constant 0 : i32
      %dma_wait3A_72 = tpu.memref_slice %arg7[%add3A_68, %dma_wait3A] : memref<20480x48xf32, #tpu.memory_space<hbm>> -> memref<80x48xf32, #tpu.memory_space<hbm>>
      %dma_wait3A_73 = arith.constant 0 : i32
      %dma_wait3A_74 = tpu.memref_slice %arg16[%add3A_66, %dma_wait3A_73] : memref<10240x48xf32, #tpu.memory_space<vmem_shared>> -> memref<80x48xf32, #tpu.memory_space<vmem_shared>>
      tpu.wait_dma2 semaphore(%run_scoped3A : memref<!tpu.dma_semaphore, #tpu.memory_space<semaphore_mem>>) src(%dma_wait3A_74 : memref<80x48xf32, #tpu.memory_space<vmem_shared>>) dst(%dma_wait3A_72 : memref<80x48xf32, #tpu.memory_space<hbm>>)
      tpu.yield
    }) : () -> ()
    return
  }
}

module attributes {stable_mosaic.version = 14 : i64} {
  func.func @_t1_body(%arg0: i32, %arg1: memref<400x128xf32, #tpu.memory_space<vmem>>, %arg2: memref<128x512xf32, #tpu.memory_space<vmem>>, %arg3: memref<8x64xf32, #tpu.memory_space<vmem>>, %arg4: memref<8x64xf32, #tpu.memory_space<vmem>>, %arg5: memref<4x400x128xf32, #tpu.memory_space<vmem>>, %arg6: memref<4x400x2xf32, #tpu.memory_space<vmem>>, %arg7: memref<4x400x2xf32, #tpu.memory_space<vmem>>) attributes {dimension_semantics = [#tpu.dimension_semantics<arbitrary>], iteration_bounds = array<i64: 25>, scalar_prefetch = 0 : i64, scratch_operands = 0 : i64, tpu.core_type = #tpu.core_type<tc>, window_params = [{transform_indices = @transform_0, window_bounds = array<i64: 400, 128>}, {pipeline_mode = #tpu.pipeline_mode<synchronous>, transform_indices = @transform_1, window_bounds = array<i64: 128, 512>}, {pipeline_mode = #tpu.pipeline_mode<synchronous>, transform_indices = @transform_2, window_bounds = array<i64: 8, 64>}, {pipeline_mode = #tpu.pipeline_mode<synchronous>, transform_indices = @transform_3, window_bounds = array<i64: 8, 64>}, {transform_indices = @transform_4, window_bounds = array<i64: 4, 400, 128>}, {transform_indices = @transform_5, window_bounds = array<i64: 4, 400, 2>}, {transform_indices = @transform_6, window_bounds = array<i64: 4, 400, 2>}]} {
    %get3A = arith.constant 0 : index
    %get3A_0 = arith.constant 0 : index
    %get3A_1 = vector.load %arg1[%get3A, %get3A_0] : memref<400x128xf32, #tpu.memory_space<vmem>>, vector<400x128xf32>
    %get3A_2 = arith.constant 0 : index
    %get3A_3 = arith.constant 0 : index
    %get3A_4 = vector.load %arg2[%get3A_2, %get3A_3] : memref<128x512xf32, #tpu.memory_space<vmem>>, vector<128x512xf32>
    %dot_general3A = arith.constant dense<0.000000e+00> : vector<400x512xf32>
    %dot_general3A_5 = tpu.matmul %get3A_1, %get3A_4, %dot_general3A {dimension_numbers = #tpu.dot_dimension_numbers<[1], [0], [0], [1], [0, 0, 1, 1], [], []>, transpose_lhs_hint = false} : vector<400x128xf32>, vector<128x512xf32>, vector<400x512xf32> -> vector<400x512xf32>
    %reshape3A = vector.shape_cast %dot_general3A_5 : vector<400x512xf32> to vector<400x4x128xf32>
    %transpose3A = tpu.transpose %reshape3A, [1, 0, 2] : vector<400x4x128xf32> -> vector<4x400x128xf32>
    %swap3A = arith.constant 0 : index
    %swap3A_6 = arith.constant 0 : index
    %swap3A_7 = arith.constant 0 : index
    %swap3A_8 = vector.load %arg5[%swap3A, %swap3A_6, %swap3A_7] : memref<4x400x128xf32, #tpu.memory_space<vmem>>, vector<4x400x128xf32>
    tpu.vector_store %arg5[%swap3A, %swap3A_6, %swap3A_7], %transpose3A {strides = array<i32>} : memref<4x400x128xf32, #tpu.memory_space<vmem>>, vector<4x400x128xf32>,
    %reshape3A_9 = vector.shape_cast %dot_general3A_5 : vector<400x512xf32> to vector<400x8x64xf32>
    %get3A_10 = arith.constant 0 : index
    %get3A_11 = arith.constant 0 : index
    %get3A_12 = vector.load %arg3[%get3A_10, %get3A_11] : memref<8x64xf32, #tpu.memory_space<vmem>>, vector<8x64xf32>
    %broadcast_in_dim3A = vector.shape_cast %get3A_12 : vector<8x64xf32> to vector<1x8x64xf32>
    %mul3A = vector.broadcast %broadcast_in_dim3A : vector<1x8x64xf32> to vector<400x8x64xf32>
    %mul3A_13 = arith.mulf %reshape3A_9, %mul3A : vector<400x8x64xf32>
    %reduce_sum3A = arith.constant dense<0.000000e+00> : vector<400x8xf32>
    %reduce_sum3A_14 = vector.multi_reduction <add>, %mul3A_13, %reduce_sum3A [2] : vector<400x8x64xf32> to vector<400x8xf32>
    %get3A_15 = arith.constant 0 : index
    %get3A_16 = arith.constant 0 : index
    %get3A_17 = vector.load %arg4[%get3A_15, %get3A_16] : memref<8x64xf32, #tpu.memory_space<vmem>>, vector<8x64xf32>
    %broadcast_in_dim3A_18 = vector.shape_cast %get3A_17 : vector<8x64xf32> to vector<1x8x64xf32>
    %mul3A_19 = vector.broadcast %broadcast_in_dim3A_18 : vector<1x8x64xf32> to vector<400x8x64xf32>
    %mul3A_20 = arith.mulf %reshape3A_9, %mul3A_19 : vector<400x8x64xf32>
    %reduce_sum3A_21 = arith.constant dense<0.000000e+00> : vector<400x8xf32>
    %reduce_sum3A_22 = vector.multi_reduction <add>, %mul3A_20, %reduce_sum3A_21 [2] : vector<400x8x64xf32> to vector<400x8xf32>
    %reshape3A_23 = vector.shape_cast %reduce_sum3A_14 : vector<400x8xf32> to vector<400x4x2xf32>
    %transpose3A_24 = tpu.transpose %reshape3A_23, [1, 0, 2] : vector<400x4x2xf32> -> vector<4x400x2xf32>
    %swap3A_25 = arith.constant 0 : index
    %swap3A_26 = arith.constant 0 : index
    %swap3A_27 = arith.constant 0 : index
    %swap3A_28 = vector.load %arg6[%swap3A_25, %swap3A_26, %swap3A_27] : memref<4x400x2xf32, #tpu.memory_space<vmem>>, vector<4x400x2xf32>
    tpu.vector_store %arg6[%swap3A_25, %swap3A_26, %swap3A_27], %transpose3A_24 {strides = array<i32>} : memref<4x400x2xf32, #tpu.memory_space<vmem>>, vector<4x400x2xf32>,
    %reshape3A_29 = vector.shape_cast %reduce_sum3A_22 : vector<400x8xf32> to vector<400x4x2xf32>
    %transpose3A_30 = tpu.transpose %reshape3A_29, [1, 0, 2] : vector<400x4x2xf32> -> vector<4x400x2xf32>
    %swap3A_31 = arith.constant 0 : index
    %swap3A_32 = arith.constant 0 : index
    %swap3A_33 = arith.constant 0 : index
    %swap3A_34 = vector.load %arg7[%swap3A_31, %swap3A_32, %swap3A_33] : memref<4x400x2xf32, #tpu.memory_space<vmem>>, vector<4x400x2xf32>
    tpu.vector_store %arg7[%swap3A_31, %swap3A_32, %swap3A_33], %transpose3A_30 {strides = array<i32>} : memref<4x400x2xf32, #tpu.memory_space<vmem>>, vector<4x400x2xf32>,
    return
  }
  func.func @transform_0(%arg0: i32) -> (i32, i32) {
    %c0_i32 = arith.constant 0 : i32
    %c0_i32_0 = arith.constant 0 : i32
    return %arg0, %c0_i32 : i32, i32
  }
  func.func @transform_1(%arg0: i32) -> (i32, i32) {
    %c0_i32 = arith.constant 0 : i32
    %c0_i32_0 = arith.constant 0 : i32
    %c0_i32_1 = arith.constant 0 : i32
    return %c0_i32, %c0_i32_0 : i32, i32
  }
  func.func @transform_2(%arg0: i32) -> (i32, i32) {
    %c0_i32 = arith.constant 0 : i32
    %c0_i32_0 = arith.constant 0 : i32
    %c0_i32_1 = arith.constant 0 : i32
    return %c0_i32, %c0_i32_0 : i32, i32
  }
  func.func @transform_3(%arg0: i32) -> (i32, i32) {
    %c0_i32 = arith.constant 0 : i32
    %c0_i32_0 = arith.constant 0 : i32
    %c0_i32_1 = arith.constant 0 : i32
    return %c0_i32, %c0_i32_0 : i32, i32
  }
  func.func @transform_4(%arg0: i32) -> (i32, i32, i32) {
    %c0_i32 = arith.constant 0 : i32
    %c0_i32_0 = arith.constant 0 : i32
    %c0_i32_1 = arith.constant 0 : i32
    return %c0_i32, %arg0, %c0_i32_0 : i32, i32, i32
  }
  func.func @transform_5(%arg0: i32) -> (i32, i32, i32) {
    %c0_i32 = arith.constant 0 : i32
    %c0_i32_0 = arith.constant 0 : i32
    %c0_i32_1 = arith.constant 0 : i32
    return %c0_i32, %arg0, %c0_i32_0 : i32, i32, i32
  }
  func.func @transform_6(%arg0: i32) -> (i32, i32, i32) {
    %c0_i32 = arith.constant 0 : i32
    %c0_i32_0 = arith.constant 0 : i32
    %c0_i32_1 = arith.constant 0 : i32
    return %c0_i32, %arg0, %c0_i32_0 : i32, i32, i32
  }
}

module attributes {stable_mosaic.version = 14 : i64} {
  func.func @_t2_body(%arg0: i32, %arg1: memref<4x512x144xf32, #tpu.memory_space<vmem>>, %arg2: memref<512x40xf32, #tpu.memory_space<vmem>>, %arg3: memref<1x40xf32, #tpu.memory_space<vmem>>, %arg4: memref<1x40xf32, #tpu.memory_space<vmem>>, %arg5: memref<512x48xf32, #tpu.memory_space<vmem>>, %arg6: memref<512x1xf32, #tpu.memory_space<vmem>>, %arg7: memref<512x1xf32, #tpu.memory_space<vmem>>) attributes {dimension_semantics = [#tpu.dimension_semantics<arbitrary>], iteration_bounds = array<i64: 20>, scalar_prefetch = 0 : i64, scratch_operands = 0 : i64, tpu.core_type = #tpu.core_type<tc>, window_params = [{transform_indices = @transform_0, window_bounds = array<i64: 4, 512, 144>}, {pipeline_mode = #tpu.pipeline_mode<synchronous>, transform_indices = @transform_1, window_bounds = array<i64: 512, 40>}, {pipeline_mode = #tpu.pipeline_mode<synchronous>, transform_indices = @transform_2, window_bounds = array<i64: 1, 40>}, {pipeline_mode = #tpu.pipeline_mode<synchronous>, transform_indices = @transform_3, window_bounds = array<i64: 1, 40>}, {transform_indices = @transform_4, window_bounds = array<i64: 512, 48>}, {transform_indices = @transform_5, window_bounds = array<i64: 512, 1>}, {transform_indices = @transform_6, window_bounds = array<i64: 512, 1>}]} {
    %get3A = arith.constant 0 : index
    %get3A_0 = arith.constant 0 : index
    %get3A_1 = arith.constant 0 : index
    %get3A_2 = vector.load %arg1[%get3A, %get3A_0, %get3A_1] : memref<4x512x144xf32, #tpu.memory_space<vmem>>, vector<4x512x144xf32>
    %slice3A = vector.extract_strided_slice %get3A_2 {offsets = [0, 0, 0], sizes = [1, 512, 64], strides = [1, 1, 1]} : vector<4x512x144xf32> to vector<1x512x64xf32>
    %squeeze3A = vector.shape_cast %slice3A : vector<1x512x64xf32> to vector<512x64xf32>
    %slice3A_3 = vector.extract_strided_slice %get3A_2 {offsets = [0, 0, 128], sizes = [1, 512, 1], strides = [1, 1, 1]} : vector<4x512x144xf32> to vector<1x512x1xf32>
    %squeeze3A_4 = vector.shape_cast %slice3A_3 : vector<1x512x1xf32> to vector<512x1xf32>
    %eq3A = arith.constant 0.000000e+00 : f32
    %eq3A_5 = vector.broadcast %eq3A : f32 to vector<512x1xf32>
    %eq3A_6 = arith.cmpf oeq, %squeeze3A_4, %eq3A_5 : vector<512x1xf32>
    %jit3A = arith.constant 1.000000e+00 : f32
    %broadcast_in_dim3A = vector.broadcast %jit3A : f32 to vector<512x1xf32>
    %select_n3A = arith.select %eq3A_6, %broadcast_in_dim3A, %squeeze3A_4 : vector<512x1xi1>, vector<512x1xf32>
    %div3A = vector.broadcast %select_n3A : vector<512x1xf32> to vector<512x64xf32>
    %div3A_7 = arith.divf %squeeze3A, %div3A : vector<512x64xf32>
    %gt3A = arith.constant 0.000000e+00 : f32
    %gt3A_8 = vector.broadcast %gt3A : f32 to vector<512x64xf32>
    %gt3A_9 = arith.cmpf ogt, %div3A_7, %gt3A_8 : vector<512x64xf32>
    %exp3A = math.exp %div3A_7 : vector<512x64xf32>
    %sub3A = arith.constant 1.000000e+00 : f32
    %sub3A_10 = vector.broadcast %sub3A : f32 to vector<512x64xf32>
    %sub3A_11 = arith.subf %exp3A, %sub3A_10 : vector<512x64xf32>
    %select_n3A_12 = arith.select %gt3A_9, %div3A_7, %sub3A_11 : vector<512x64xi1>, vector<512x64xf32>
    %slice3A_13 = vector.extract_strided_slice %get3A_2 {offsets = [0, 0, 64], sizes = [1, 512, 64], strides = [1, 1, 1]} : vector<4x512x144xf32> to vector<1x512x64xf32>
    %squeeze3A_14 = vector.shape_cast %slice3A_13 : vector<1x512x64xf32> to vector<512x64xf32>
    %slice3A_15 = vector.extract_strided_slice %get3A_2 {offsets = [0, 0, 129], sizes = [1, 512, 1], strides = [1, 1, 1]} : vector<4x512x144xf32> to vector<1x512x1xf32>
    %squeeze3A_16 = vector.shape_cast %slice3A_15 : vector<1x512x1xf32> to vector<512x1xf32>
    %eq3A_17 = arith.constant 0.000000e+00 : f32
    %eq3A_18 = vector.broadcast %eq3A_17 : f32 to vector<512x1xf32>
    %eq3A_19 = arith.cmpf oeq, %squeeze3A_16, %eq3A_18 : vector<512x1xf32>
    %jit3A_20 = arith.constant 1.000000e+00 : f32
    %broadcast_in_dim3A_21 = vector.broadcast %jit3A_20 : f32 to vector<512x1xf32>
    %select_n3A_22 = arith.select %eq3A_19, %broadcast_in_dim3A_21, %squeeze3A_16 : vector<512x1xi1>, vector<512x1xf32>
    %div3A_23 = vector.broadcast %select_n3A_22 : vector<512x1xf32> to vector<512x64xf32>
    %div3A_24 = arith.divf %squeeze3A_14, %div3A_23 : vector<512x64xf32>
    %gt3A_25 = arith.constant 0.000000e+00 : f32
    %gt3A_26 = vector.broadcast %gt3A_25 : f32 to vector<512x64xf32>
    %gt3A_27 = arith.cmpf ogt, %div3A_24, %gt3A_26 : vector<512x64xf32>
    %exp3A_28 = math.exp %div3A_24 : vector<512x64xf32>
    %sub3A_29 = arith.constant 1.000000e+00 : f32
    %sub3A_30 = vector.broadcast %sub3A_29 : f32 to vector<512x64xf32>
    %sub3A_31 = arith.subf %exp3A_28, %sub3A_30 : vector<512x64xf32>
    %select_n3A_32 = arith.select %gt3A_27, %div3A_24, %sub3A_31 : vector<512x64xi1>, vector<512x64xf32>
    %slice3A_33 = vector.extract_strided_slice %get3A_2 {offsets = [1, 0, 0], sizes = [1, 512, 64], strides = [1, 1, 1]} : vector<4x512x144xf32> to vector<1x512x64xf32>
    %squeeze3A_34 = vector.shape_cast %slice3A_33 : vector<1x512x64xf32> to vector<512x64xf32>
    %slice3A_35 = vector.extract_strided_slice %get3A_2 {offsets = [1, 0, 128], sizes = [1, 512, 1], strides = [1, 1, 1]} : vector<4x512x144xf32> to vector<1x512x1xf32>
    %squeeze3A_36 = vector.shape_cast %slice3A_35 : vector<1x512x1xf32> to vector<512x1xf32>
    %eq3A_37 = arith.constant 0.000000e+00 : f32
    %eq3A_38 = vector.broadcast %eq3A_37 : f32 to vector<512x1xf32>
    %eq3A_39 = arith.cmpf oeq, %squeeze3A_36, %eq3A_38 : vector<512x1xf32>
    %jit3A_40 = arith.constant 1.000000e+00 : f32
    %broadcast_in_dim3A_41 = vector.broadcast %jit3A_40 : f32 to vector<512x1xf32>
    %select_n3A_42 = arith.select %eq3A_39, %broadcast_in_dim3A_41, %squeeze3A_36 : vector<512x1xi1>, vector<512x1xf32>
    %div3A_43 = vector.broadcast %select_n3A_42 : vector<512x1xf32> to vector<512x64xf32>
    %div3A_44 = arith.divf %squeeze3A_34, %div3A_43 : vector<512x64xf32>
    %gt3A_45 = arith.constant 0.000000e+00 : f32
    %gt3A_46 = vector.broadcast %gt3A_45 : f32 to vector<512x64xf32>
    %gt3A_47 = arith.cmpf ogt, %div3A_44, %gt3A_46 : vector<512x64xf32>
    %exp3A_48 = math.exp %div3A_44 : vector<512x64xf32>
    %sub3A_49 = arith.constant 1.000000e+00 : f32
    %sub3A_50 = vector.broadcast %sub3A_49 : f32 to vector<512x64xf32>
    %sub3A_51 = arith.subf %exp3A_48, %sub3A_50 : vector<512x64xf32>
    %select_n3A_52 = arith.select %gt3A_47, %div3A_44, %sub3A_51 : vector<512x64xi1>, vector<512x64xf32>
    %slice3A_53 = vector.extract_strided_slice %get3A_2 {offsets = [1, 0, 64], sizes = [1, 512, 64], strides = [1, 1, 1]} : vector<4x512x144xf32> to vector<1x512x64xf32>
    %squeeze3A_54 = vector.shape_cast %slice3A_53 : vector<1x512x64xf32> to vector<512x64xf32>
    %slice3A_55 = vector.extract_strided_slice %get3A_2 {offsets = [1, 0, 129], sizes = [1, 512, 1], strides = [1, 1, 1]} : vector<4x512x144xf32> to vector<1x512x1xf32>
    %squeeze3A_56 = vector.shape_cast %slice3A_55 : vector<1x512x1xf32> to vector<512x1xf32>
    %eq3A_57 = arith.constant 0.000000e+00 : f32
    %eq3A_58 = vector.broadcast %eq3A_57 : f32 to vector<512x1xf32>
    %eq3A_59 = arith.cmpf oeq, %squeeze3A_56, %eq3A_58 : vector<512x1xf32>
    %jit3A_60 = arith.constant 1.000000e+00 : f32
    %broadcast_in_dim3A_61 = vector.broadcast %jit3A_60 : f32 to vector<512x1xf32>
    %select_n3A_62 = arith.select %eq3A_59, %broadcast_in_dim3A_61, %squeeze3A_56 : vector<512x1xi1>, vector<512x1xf32>
    %div3A_63 = vector.broadcast %select_n3A_62 : vector<512x1xf32> to vector<512x64xf32>
    %div3A_64 = arith.divf %squeeze3A_54, %div3A_63 : vector<512x64xf32>
    %gt3A_65 = arith.constant 0.000000e+00 : f32
    %gt3A_66 = vector.broadcast %gt3A_65 : f32 to vector<512x64xf32>
    %gt3A_67 = arith.cmpf ogt, %div3A_64, %gt3A_66 : vector<512x64xf32>
    %exp3A_68 = math.exp %div3A_64 : vector<512x64xf32>
    %sub3A_69 = arith.constant 1.000000e+00 : f32
    %sub3A_70 = vector.broadcast %sub3A_69 : f32 to vector<512x64xf32>
    %sub3A_71 = arith.subf %exp3A_68, %sub3A_70 : vector<512x64xf32>
    %select_n3A_72 = arith.select %gt3A_67, %div3A_64, %sub3A_71 : vector<512x64xi1>, vector<512x64xf32>
    %slice3A_73 = vector.extract_strided_slice %get3A_2 {offsets = [2, 0, 0], sizes = [1, 512, 64], strides = [1, 1, 1]} : vector<4x512x144xf32> to vector<1x512x64xf32>
    %squeeze3A_74 = vector.shape_cast %slice3A_73 : vector<1x512x64xf32> to vector<512x64xf32>
    %slice3A_75 = vector.extract_strided_slice %get3A_2 {offsets = [2, 0, 128], sizes = [1, 512, 1], strides = [1, 1, 1]} : vector<4x512x144xf32> to vector<1x512x1xf32>
    %squeeze3A_76 = vector.shape_cast %slice3A_75 : vector<1x512x1xf32> to vector<512x1xf32>
    %eq3A_77 = arith.constant 0.000000e+00 : f32
    %eq3A_78 = vector.broadcast %eq3A_77 : f32 to vector<512x1xf32>
    %eq3A_79 = arith.cmpf oeq, %squeeze3A_76, %eq3A_78 : vector<512x1xf32>
    %jit3A_80 = arith.constant 1.000000e+00 : f32
    %broadcast_in_dim3A_81 = vector.broadcast %jit3A_80 : f32 to vector<512x1xf32>
    %select_n3A_82 = arith.select %eq3A_79, %broadcast_in_dim3A_81, %squeeze3A_76 : vector<512x1xi1>, vector<512x1xf32>
    %div3A_83 = vector.broadcast %select_n3A_82 : vector<512x1xf32> to vector<512x64xf32>
    %div3A_84 = arith.divf %squeeze3A_74, %div3A_83 : vector<512x64xf32>
    %gt3A_85 = arith.constant 0.000000e+00 : f32
    %gt3A_86 = vector.broadcast %gt3A_85 : f32 to vector<512x64xf32>
    %gt3A_87 = arith.cmpf ogt, %div3A_84, %gt3A_86 : vector<512x64xf32>
    %exp3A_88 = math.exp %div3A_84 : vector<512x64xf32>
    %sub3A_89 = arith.constant 1.000000e+00 : f32
    %sub3A_90 = vector.broadcast %sub3A_89 : f32 to vector<512x64xf32>
    %sub3A_91 = arith.subf %exp3A_88, %sub3A_90 : vector<512x64xf32>
    %select_n3A_92 = arith.select %gt3A_87, %div3A_84, %sub3A_91 : vector<512x64xi1>, vector<512x64xf32>
    %slice3A_93 = vector.extract_strided_slice %get3A_2 {offsets = [2, 0, 64], sizes = [1, 512, 64], strides = [1, 1, 1]} : vector<4x512x144xf32> to vector<1x512x64xf32>
    %squeeze3A_94 = vector.shape_cast %slice3A_93 : vector<1x512x64xf32> to vector<512x64xf32>
    %slice3A_95 = vector.extract_strided_slice %get3A_2 {offsets = [2, 0, 129], sizes = [1, 512, 1], strides = [1, 1, 1]} : vector<4x512x144xf32> to vector<1x512x1xf32>
    %squeeze3A_96 = vector.shape_cast %slice3A_95 : vector<1x512x1xf32> to vector<512x1xf32>
    %eq3A_97 = arith.constant 0.000000e+00 : f32
    %eq3A_98 = vector.broadcast %eq3A_97 : f32 to vector<512x1xf32>
    %eq3A_99 = arith.cmpf oeq, %squeeze3A_96, %eq3A_98 : vector<512x1xf32>
    %jit3A_100 = arith.constant 1.000000e+00 : f32
    %broadcast_in_dim3A_101 = vector.broadcast %jit3A_100 : f32 to vector<512x1xf32>
    %select_n3A_102 = arith.select %eq3A_99, %broadcast_in_dim3A_101, %squeeze3A_96 : vector<512x1xi1>, vector<512x1xf32>
    %div3A_103 = vector.broadcast %select_n3A_102 : vector<512x1xf32> to vector<512x64xf32>
    %div3A_104 = arith.divf %squeeze3A_94, %div3A_103 : vector<512x64xf32>
    %gt3A_105 = arith.constant 0.000000e+00 : f32
    %gt3A_106 = vector.broadcast %gt3A_105 : f32 to vector<512x64xf32>
    %gt3A_107 = arith.cmpf ogt, %div3A_104, %gt3A_106 : vector<512x64xf32>
    %exp3A_108 = math.exp %div3A_104 : vector<512x64xf32>
    %sub3A_109 = arith.constant 1.000000e+00 : f32
    %sub3A_110 = vector.broadcast %sub3A_109 : f32 to vector<512x64xf32>
    %sub3A_111 = arith.subf %exp3A_108, %sub3A_110 : vector<512x64xf32>
    %select_n3A_112 = arith.select %gt3A_107, %div3A_104, %sub3A_111 : vector<512x64xi1>, vector<512x64xf32>
    %slice3A_113 = vector.extract_strided_slice %get3A_2 {offsets = [3, 0, 0], sizes = [1, 512, 64], strides = [1, 1, 1]} : vector<4x512x144xf32> to vector<1x512x64xf32>
    %squeeze3A_114 = vector.shape_cast %slice3A_113 : vector<1x512x64xf32> to vector<512x64xf32>
    %slice3A_115 = vector.extract_strided_slice %get3A_2 {offsets = [3, 0, 128], sizes = [1, 512, 1], strides = [1, 1, 1]} : vector<4x512x144xf32> to vector<1x512x1xf32>
    %squeeze3A_116 = vector.shape_cast %slice3A_115 : vector<1x512x1xf32> to vector<512x1xf32>
    %eq3A_117 = arith.constant 0.000000e+00 : f32
    %eq3A_118 = vector.broadcast %eq3A_117 : f32 to vector<512x1xf32>
    %eq3A_119 = arith.cmpf oeq, %squeeze3A_116, %eq3A_118 : vector<512x1xf32>
    %jit3A_120 = arith.constant 1.000000e+00 : f32
    %broadcast_in_dim3A_121 = vector.broadcast %jit3A_120 : f32 to vector<512x1xf32>
    %select_n3A_122 = arith.select %eq3A_119, %broadcast_in_dim3A_121, %squeeze3A_116 : vector<512x1xi1>, vector<512x1xf32>
    %div3A_123 = vector.broadcast %select_n3A_122 : vector<512x1xf32> to vector<512x64xf32>
    %div3A_124 = arith.divf %squeeze3A_114, %div3A_123 : vector<512x64xf32>
    %gt3A_125 = arith.constant 0.000000e+00 : f32
    %gt3A_126 = vector.broadcast %gt3A_125 : f32 to vector<512x64xf32>
    %gt3A_127 = arith.cmpf ogt, %div3A_124, %gt3A_126 : vector<512x64xf32>
    %exp3A_128 = math.exp %div3A_124 : vector<512x64xf32>
    %sub3A_129 = arith.constant 1.000000e+00 : f32
    %sub3A_130 = vector.broadcast %sub3A_129 : f32 to vector<512x64xf32>
    %sub3A_131 = arith.subf %exp3A_128, %sub3A_130 : vector<512x64xf32>
    %select_n3A_132 = arith.select %gt3A_127, %div3A_124, %sub3A_131 : vector<512x64xi1>, vector<512x64xf32>
    %slice3A_133 = vector.extract_strided_slice %get3A_2 {offsets = [3, 0, 64], sizes = [1, 512, 64], strides = [1, 1, 1]} : vector<4x512x144xf32> to vector<1x512x64xf32>
    %squeeze3A_134 = vector.shape_cast %slice3A_133 : vector<1x512x64xf32> to vector<512x64xf32>
    %slice3A_135 = vector.extract_strided_slice %get3A_2 {offsets = [3, 0, 129], sizes = [1, 512, 1], strides = [1, 1, 1]} : vector<4x512x144xf32> to vector<1x512x1xf32>
    %squeeze3A_136 = vector.shape_cast %slice3A_135 : vector<1x512x1xf32> to vector<512x1xf32>
    %eq3A_137 = arith.constant 0.000000e+00 : f32
    %eq3A_138 = vector.broadcast %eq3A_137 : f32 to vector<512x1xf32>
    %eq3A_139 = arith.cmpf oeq, %squeeze3A_136, %eq3A_138 : vector<512x1xf32>
    %jit3A_140 = arith.constant 1.000000e+00 : f32
    %broadcast_in_dim3A_141 = vector.broadcast %jit3A_140 : f32 to vector<512x1xf32>
    %select_n3A_142 = arith.select %eq3A_139, %broadcast_in_dim3A_141, %squeeze3A_136 : vector<512x1xi1>, vector<512x1xf32>
    %div3A_143 = vector.broadcast %select_n3A_142 : vector<512x1xf32> to vector<512x64xf32>
    %div3A_144 = arith.divf %squeeze3A_134, %div3A_143 : vector<512x64xf32>
    %gt3A_145 = arith.constant 0.000000e+00 : f32
    %gt3A_146 = vector.broadcast %gt3A_145 : f32 to vector<512x64xf32>
    %gt3A_147 = arith.cmpf ogt, %div3A_144, %gt3A_146 : vector<512x64xf32>
    %exp3A_148 = math.exp %div3A_144 : vector<512x64xf32>
    %sub3A_149 = arith.constant 1.000000e+00 : f32
    %sub3A_150 = vector.broadcast %sub3A_149 : f32 to vector<512x64xf32>
    %sub3A_151 = arith.subf %exp3A_148, %sub3A_150 : vector<512x64xf32>
    %select_n3A_152 = arith.select %gt3A_147, %div3A_144, %sub3A_151 : vector<512x64xi1>, vector<512x64xf32>
    %concatenate3A = tpu.concatenate %select_n3A_12, %select_n3A_32, %select_n3A_52, %select_n3A_72, %select_n3A_92, %select_n3A_112, %select_n3A_132, %select_n3A_152 in 1 : vector<512x64xf32>, vector<512x64xf32>, vector<512x64xf32>, vector<512x64xf32>, vector<512x64xf32>, vector<512x64xf32>, vector<512x64xf32>, vector<512x64xf32> -> vector<512x512xf32>
    %get3A_153 = arith.constant 0 : index
    %get3A_154 = arith.constant 0 : index
    %get3A_155 = vector.load %arg2[%get3A_153, %get3A_154] : memref<512x40xf32, #tpu.memory_space<vmem>>, vector<512x40xf32>
    %dot_general3A = arith.constant dense<0.000000e+00> : vector<512x40xf32>
    %dot_general3A_156 = tpu.matmul %concatenate3A, %get3A_155, %dot_general3A {dimension_numbers = #tpu.dot_dimension_numbers<[1], [0], [0], [1], [0, 0, 1, 1], [], []>, transpose_lhs_hint = false} : vector<512x512xf32>, vector<512x40xf32>, vector<512x40xf32> -> vector<512x40xf32>
    %broadcast_in_dim3A_157 = arith.constant 1.000000e+00 : f32
    %broadcast_in_dim3A_158 = vector.broadcast %broadcast_in_dim3A_157 : f32 to vector<512x1xf32>
    %broadcast_in_dim3A_159 = arith.constant 0.000000e+00 : f32
    %broadcast_in_dim3A_160 = vector.broadcast %broadcast_in_dim3A_159 : f32 to vector<512x7xf32>
    %concatenate3A_161 = tpu.concatenate %dot_general3A_156, %broadcast_in_dim3A_158, %broadcast_in_dim3A_160 in 1 : vector<512x40xf32>, vector<512x1xf32>, vector<512x7xf32> -> vector<512x48xf32>
    %swap3A = arith.constant 0 : index
    %swap3A_162 = arith.constant 0 : index
    %swap3A_163 = vector.load %arg5[%swap3A, %swap3A_162] : memref<512x48xf32, #tpu.memory_space<vmem>>, vector<512x48xf32>
    tpu.vector_store %arg5[%swap3A, %swap3A_162], %concatenate3A_161 {strides = array<i32>} : memref<512x48xf32, #tpu.memory_space<vmem>>, vector<512x48xf32>,
    %get3A_164 = arith.constant 0 : index
    %get3A_165 = arith.constant 0 : index
    %get3A_166 = vector.load %arg3[%get3A_164, %get3A_165] : memref<1x40xf32, #tpu.memory_space<vmem>>, vector<1x40xf32>
    %transpose3A = tpu.transpose %get3A_166, [1, 0] : vector<1x40xf32> -> vector<40x1xf32>
    %dot_general3A_167 = arith.constant dense<0.000000e+00> : vector<512x1xf32>
    %dot_general3A_168 = tpu.matmul %dot_general3A_156, %transpose3A, %dot_general3A_167 {dimension_numbers = #tpu.dot_dimension_numbers<[1], [0], [0], [1], [0, 0, 1, 1], [], []>, transpose_lhs_hint = false} : vector<512x40xf32>, vector<40x1xf32>, vector<512x1xf32> -> vector<512x1xf32>
    %swap3A_169 = arith.constant 0 : index
    %swap3A_170 = arith.constant 0 : index
    %swap3A_171 = vector.load %arg6[%swap3A_169, %swap3A_170] : memref<512x1xf32, #tpu.memory_space<vmem>>, vector<512x1xf32>
    tpu.vector_store %arg6[%swap3A_169, %swap3A_170], %dot_general3A_168 {strides = array<i32>} : memref<512x1xf32, #tpu.memory_space<vmem>>, vector<512x1xf32>,
    %get3A_172 = arith.constant 0 : index
    %get3A_173 = arith.constant 0 : index
    %get3A_174 = vector.load %arg4[%get3A_172, %get3A_173] : memref<1x40xf32, #tpu.memory_space<vmem>>, vector<1x40xf32>
    %transpose3A_175 = tpu.transpose %get3A_174, [1, 0] : vector<1x40xf32> -> vector<40x1xf32>
    %dot_general3A_176 = arith.constant dense<0.000000e+00> : vector<512x1xf32>
    %dot_general3A_177 = tpu.matmul %dot_general3A_156, %transpose3A_175, %dot_general3A_176 {dimension_numbers = #tpu.dot_dimension_numbers<[1], [0], [0], [1], [0, 0, 1, 1], [], []>, transpose_lhs_hint = false} : vector<512x40xf32>, vector<40x1xf32>, vector<512x1xf32> -> vector<512x1xf32>
    %swap3A_178 = arith.constant 0 : index
    %swap3A_179 = arith.constant 0 : index
    %swap3A_180 = vector.load %arg7[%swap3A_178, %swap3A_179] : memref<512x1xf32, #tpu.memory_space<vmem>>, vector<512x1xf32>
    tpu.vector_store %arg7[%swap3A_178, %swap3A_179], %dot_general3A_177 {strides = array<i32>} : memref<512x1xf32, #tpu.memory_space<vmem>>, vector<512x1xf32>,
    return
  }
  func.func @transform_0(%arg0: i32) -> (i32, i32, i32) {
    %c0_i32 = arith.constant 0 : i32
    %c0_i32_0 = arith.constant 0 : i32
    %c0_i32_1 = arith.constant 0 : i32
    return %c0_i32, %arg0, %c0_i32_0 : i32, i32, i32
  }
  func.func @transform_1(%arg0: i32) -> (i32, i32) {
    %c0_i32 = arith.constant 0 : i32
    %c0_i32_0 = arith.constant 0 : i32
    %c0_i32_1 = arith.constant 0 : i32
    return %c0_i32, %c0_i32_0 : i32, i32
  }
  func.func @transform_2(%arg0: i32) -> (i32, i32) {
    %c0_i32 = arith.constant 0 : i32
    %c0_i32_0 = arith.constant 0 : i32
    %c0_i32_1 = arith.constant 0 : i32
    return %c0_i32, %c0_i32_0 : i32, i32
  }
  func.func @transform_3(%arg0: i32) -> (i32, i32) {
    %c0_i32 = arith.constant 0 : i32
    %c0_i32_0 = arith.constant 0 : i32
    %c0_i32_1 = arith.constant 0 : i32
    return %c0_i32, %c0_i32_0 : i32, i32
  }
  func.func @transform_4(%arg0: i32) -> (i32, i32) {
    %c0_i32 = arith.constant 0 : i32
    %c0_i32_0 = arith.constant 0 : i32
    return %arg0, %c0_i32 : i32, i32
  }
  func.func @transform_5(%arg0: i32) -> (i32, i32) {
    %c0_i32 = arith.constant 0 : i32
    %c0_i32_0 = arith.constant 0 : i32
    return %arg0, %c0_i32 : i32, i32
  }
  func.func @transform_6(%arg0: i32) -> (i32, i32) {
    %c0_i32 = arith.constant 0 : i32
    %c0_i32_0 = arith.constant 0 : i32
    return %arg0, %c0_i32 : i32, i32
  }
}

module attributes {stable_mosaic.version = 14 : i64} {
  func.func @_t3_body(%arg0: i32, %arg1: memref<2x400x48xf32, #tpu.memory_space<vmem>>, %arg2: memref<400x40xf32, #tpu.memory_space<vmem>>) attributes {dimension_semantics = [#tpu.dimension_semantics<arbitrary>], iteration_bounds = array<i64: 25>, scalar_prefetch = 0 : i64, scratch_operands = 0 : i64, tpu.core_type = #tpu.core_type<tc>, window_params = [{transform_indices = @transform_0, window_bounds = array<i64: 2, 400, 48>}, {transform_indices = @transform_1, window_bounds = array<i64: 400, 40>}]} {
    %get3A = arith.constant 0 : index
    %get3A_0 = arith.constant 0 : index
    %get3A_1 = arith.constant 0 : index
    %get3A_2 = vector.load %arg1[%get3A, %get3A_0, %get3A_1] : memref<2x400x48xf32, #tpu.memory_space<vmem>>, vector<2x400x48xf32>
    %slice3A = vector.extract_strided_slice %get3A_2 {offsets = [0, 0, 0], sizes = [1, 400, 48], strides = [1, 1, 1]} : vector<2x400x48xf32> to vector<1x400x48xf32>
    %squeeze3A = vector.shape_cast %slice3A : vector<1x400x48xf32> to vector<400x48xf32>
    %slice3A_3 = vector.extract_strided_slice %get3A_2 {offsets = [1, 0, 0], sizes = [1, 400, 48], strides = [1, 1, 1]} : vector<2x400x48xf32> to vector<1x400x48xf32>
    %squeeze3A_4 = vector.shape_cast %slice3A_3 : vector<1x400x48xf32> to vector<400x48xf32>
    %add3A = arith.addf %squeeze3A, %squeeze3A_4 : vector<400x48xf32>
    %slice3A_5 = vector.extract_strided_slice %add3A {offsets = [0, 40], sizes = [400, 1], strides = [1, 1]} : vector<400x48xf32> to vector<400x1xf32>
    %eq3A = arith.constant 0.000000e+00 : f32
    %eq3A_6 = vector.broadcast %eq3A : f32 to vector<400x1xf32>
    %eq3A_7 = arith.cmpf oeq, %slice3A_5, %eq3A_6 : vector<400x1xf32>
    %jit3A = arith.constant 1.000000e+00 : f32
    %broadcast_in_dim3A = vector.broadcast %jit3A : f32 to vector<400x1xf32>
    %select_n3A = arith.select %eq3A_7, %broadcast_in_dim3A, %slice3A_5 : vector<400x1xi1>, vector<400x1xf32>
    %slice3A_8 = vector.extract_strided_slice %add3A {offsets = [0, 0], sizes = [400, 40], strides = [1, 1]} : vector<400x48xf32> to vector<400x40xf32>
    %div3A = vector.broadcast %select_n3A : vector<400x1xf32> to vector<400x40xf32>
    %div3A_9 = arith.divf %slice3A_8, %div3A : vector<400x40xf32>
    %reduce_max3A = arith.constant dense<0xFF800000> : vector<400xf32>
    %reduce_max3A_10 = vector.multi_reduction <maximumf>, %div3A_9, %reduce_max3A [1] : vector<400x40xf32> to vector<400xf32>
    %broadcast_in_dim3A_11 = vector.shape_cast %reduce_max3A_10 : vector<400xf32> to vector<400x1xf32>
    %sub3A = vector.broadcast %broadcast_in_dim3A_11 : vector<400x1xf32> to vector<400x40xf32>
    %sub3A_12 = arith.subf %div3A_9, %sub3A : vector<400x40xf32>
    %exp3A = math.exp %sub3A_12 : vector<400x40xf32>
    %reduce_sum3A = arith.constant dense<0.000000e+00> : vector<400xf32>
    %reduce_sum3A_13 = vector.multi_reduction <add>, %exp3A, %reduce_sum3A [1] : vector<400x40xf32> to vector<400xf32>
    %broadcast_in_dim3A_14 = vector.shape_cast %reduce_sum3A_13 : vector<400xf32> to vector<400x1xf32>
    %div3A_15 = vector.broadcast %broadcast_in_dim3A_14 : vector<400x1xf32> to vector<400x40xf32>
    %div3A_16 = arith.divf %exp3A, %div3A_15 : vector<400x40xf32>
    %swap3A = arith.constant 0 : index
    %swap3A_17 = arith.constant 0 : index
    %swap3A_18 = vector.load %arg2[%swap3A, %swap3A_17] : memref<400x40xf32, #tpu.memory_space<vmem>>, vector<400x40xf32>
    tpu.vector_store %arg2[%swap3A, %swap3A_17], %div3A_16 {strides = array<i32>} : memref<400x40xf32, #tpu.memory_space<vmem>>, vector<400x40xf32>,
    return
  }
  func.func @transform_0(%arg0: i32) -> (i32, i32, i32) {
    %c0_i32 = arith.constant 0 : i32
    %c0_i32_0 = arith.constant 0 : i32
    %c0_i32_1 = arith.constant 0 : i32
    return %c0_i32, %arg0, %c0_i32_0 : i32, i32, i32
  }
  func.func @transform_1(%arg0: i32) -> (i32, i32) {
    %c0_i32 = arith.constant 0 : i32
    %c0_i32_0 = arith.constant 0 : i32
    return %arg0, %c0_i32 : i32, i32
  }
}

</mosaic_0001>

<sc_bundles>
// kernel: kernel.11.cloned.1.call-start
scs
__scs_entry_jumppad:
0x0: {  	(pc) =	sbr.rel $0x88, $3  }
0x1: {  	(tag) =	ssettag $0x0;
	lr =	simm.s32 $0x1  }
0x2: {  	[smem:$0x3F99] =	sst lr;
	_ =	strace $0xD0000000  }
0x3: {  	_ = 	snop  }
0x4: {  	_ = 	snop  }
0x5: {  	_ = 	snop  }
0x6: {  	_ = 	snop  }
0x7: {  	_ = 	snop  }
__scs_overlays_trampoline_lowered:
0x8: {  	[smem:$0x3FA8] =	sst s0  }
0x9: {  	[smem:$0x3FA9] =	sst s1  }
0xa: {  	[smem:$0x3FAA] =	sst s2  }
0xb: {  	[smem:$0x3FAB] =	sst s3  }
0xc: {  	[smem:$0x3FAC] =	sst s4  }
0xd: {  	[smem:$0x3FAD] =	sst s5  }
0xe: {  	[smem:$0x3FAE] =	sst s6  }
0xf: {  	[smem:$0x3FAF] =	sst s7  }
0x10: {  	[smem:$0x3FB0] =	sst s8  }
0x11: {  	[smem:$0x3FB1] =	sst s9;
	s0 =	simm.s32 @!p0 $0x0  }
0x12: {  	s1 =	sld [smem:$0x3F97];
	s0 =	simm.s32 @p0 $0x1  }
0x13: {  	[smem:$0x3FB2] =	sst s0;
	s0 =	simm.s32 @!p1 $0x0  }
0x14: {  	s2 =	sld [smem:$0x3F96];
	s0 =	simm.s32 @p1 $0x1  }
0x15: {  	[smem:$0x3FB3] =	sst s0;
	s0 =	simm.s32 @!p2 $0x0  }
0x16: {  	s3 =	sld [smem:$0x3FDB];
	s0 =	simm.s32 @p2 $0x1  }
0x17: {  	s4 =	simm.s32 $0x1BF5;
	[smem:$0x3FB5] =	sst s0  }
0x18: {  	s0 =	sld [smem:$0x3F98];
	_ =	swait.ge [sflag:s4], $0x0  }
0x19: {  	s7 =	sld [smem:$0x3F99]  }
0x1a: {  	s8 =	sadd.s32 $0xFFFFE003, lr  }
0x1b: {  	s9 =	sadd.s32 $0xFFFFFEF7, lr;
	s5 =	simm.s32 $0xFFFFFFFF;
	p2 =	slt.u32 s8, $0xFFFFF086  }
0x1c: {  	p1 =	slt.u32 s9, $0xF7A;
	s5 =	simm.s32 @!p2 $0x0  }
0x1d: {  	s5 =	simm.s32 @p1 $0x1;
	p0 =	seq.s32 s7, s2  }
0x1e: {  	s7 =	smul.u32 @!p0 $0xF7A, s2;
	p2 =	seq.s32 @!p0 s5, $0x0  }
0x1f: {  	s9 =	smul.u32 $0xF7A, s1;
	s8 =	simm.s32 @!p0 $0x1BF5;
	p2 =	por !p2, p0  }
0x20: {  	[sflag:s8] =	ssyncset.s32 @!p0 $0xFFFFF086;
	s6 =	sadd.s32 @!p0 s3, s7;
	s7 =	simm.s32 @!p0 $0x108  }
0x21: {  	s3 =	sadd.s32 s3, s9;
	s6 =	sadd.s32 @!p0 $0x88, s6;
	s7 =	simm.s32 @p2 $0x1082  }
0x22: {  	[simem:s7], [sflag:s8] =	dma.local @!p0 [hbm:s6], $0xF7A  }
0x23: {  	s9 =	sor.u32 $0xD0000000, s2;
	s6 =	simm.s32 $0x108;
	_ =	swait.ge @!p0 [sflag:s8], $0x0  }
0x24: {  	s3 =	sadd.s32 $0x88, s3;
	s6 =	simm.s32 @!p1 $0x1082;
	[sflag:s4] =	ssyncset.s32 $0xFFFFF086  }
0x25: {  	[simem:s6], [sflag:s4] =	dma.local [hbm:s3], $0xF7A  }
0x26: {  	[smem:$0x3F99] =	sst s1;
	(tag) =	ssettag s2;
	_ =	strace s9  }
0x27: {  	s1 =	sld [smem:$0x3FA9]  }
0x28: {  	s2 =	sld [smem:$0x3FAA]  }
0x29: {  	s4 =	sld [smem:$0x3FAC]  }
0x2a: {  	p0 =	seq.s32 s5, $0x0;
	s5 =	sld [smem:$0x3FAD]  }
0x2b: {  	s6 =	sld [smem:$0x3FAE]  }
0x2c: {  	s7 =	sld [smem:$0x3FAF]  }
0x2d: {  	s3 =	simm.s32 $0x108;
	s8 =	sld [smem:$0x3FB0]  }
0x2e: {  	s3 =	simm.s32 @!p0 $0x1082;
	s9 =	sld [smem:$0x3FB1]  }
0x2f: {  	lr =	sadd.s32 s0, s3;
	s0 =	sld [smem:$0x3FA8]  }
0x30: {  	s3 =	sld [smem:$0x3FAB]  }
0x31: {  	[smem:$0x3FB4] =	sst s10  }
0x32: {  	s10 =	sld [smem:$0x3FB2];
	_ =	sdelay $0x3  }
0x33: {  	p0 =	seq.s32 s10, $0x1;
	s10 =	sld [smem:$0x3FB4];
	_ =	sdelay $0x3  }
0x34: {  	[smem:$0x3FB4] =	sst s10  }
0x35: {  	s10 =	sld [smem:$0x3FB3];
	_ =	sdelay $0x3  }
0x36: {  	p1 =	seq.s32 s10, $0x1;
	s10 =	sld [smem:$0x3FB4];
	_ =	sdelay $0x3  }
0x37: {  	[smem:$0x3FB4] =	sst s10  }
0x38: {  	s10 =	sld [smem:$0x3FB5]  }
0x39: {  	_ = 	snop;
	(pc) =	sbr.ind lr, $3  }
0x3a: {  	_ = 	snop  }
0x3b: {  	_ = 	snop  }
0x3c: {  	p2 =	seq.s32 s10, $0x1;
	s10 =	sld [smem:$0x3FB4]  }
0x3d: {  	_ =	shalt  }
0x3e: {  	_ =	shalt  }
0x3f: {  	_ =	shalt  }
0x40: {  	_ =	shalt  }
0x41: {  	_ =	shalt  }
0x42: {  	_ =	shalt  }
0x43: {  	_ =	shalt  }
0x44: {  	_ =	shalt  }
0x45: {  	_ =	shalt  }
0x46: {  	_ =	shalt  }
0x47: {  	_ =	shalt  }
0x48: {  	_ =	shalt  }
0x49: {  	_ =	shalt  }
0x4a: {  	_ =	shalt  }
0x4b: {  	_ =	shalt  }
0x4c: {  	_ =	shalt  }
0x4d: {  	_ =	shalt  }
0x4e: {  	_ =	shalt  }
0x4f: {  	_ =	shalt  }
0x50: {  	_ =	shalt  }
0x51: {  	_ =	shalt  }
0x52: {  	_ =	shalt  }
0x53: {  	_ =	shalt  }
0x54: {  	_ =	shalt  }
0x55: {  	_ =	shalt  }
0x56: {  	_ =	shalt  }
0x57: {  	_ =	shalt  }
0x58: {  	_ =	shalt  }
0x59: {  	_ =	shalt  }
0x5a: {  	_ =	shalt  }
0x5b: {  	_ =	shalt  }
0x5c: {  	_ =	shalt  }
0x5d: {  	_ =	shalt  }
0x5e: {  	_ =	shalt  }
0x5f: {  	_ =	shalt  }
0x60: {  	_ =	shalt  }
0x61: {  	_ =	shalt  }
0x62: {  	_ =	shalt  }
0x63: {  	_ =	shalt  }
0x64: {  	_ =	shalt  }
0x65: {  	_ =	shalt  }
0x66: {  	_ =	shalt  }
0x67: {  	_ =	shalt  }
0x68: {  	_ =	shalt  }
0x69: {  	_ =	shalt  }
0x6a: {  	_ =	shalt  }
0x6b: {  	_ =	shalt  }
0x6c: {  	_ =	shalt  }
0x6d: {  	_ =	shalt  }
0x6e: {  	_ =	shalt  }
0x6f: {  	_ =	shalt  }
0x70: {  	_ =	shalt  }
0x71: {  	_ =	shalt  }
0x72: {  	_ =	shalt  }
0x73: {  	_ =	shalt  }
0x74: {  	_ =	shalt  }
0x75: {  	_ =	shalt  }
0x76: {  	_ =	shalt  }
0x77: {  	_ =	shalt  }
0x78: {  	_ =	shalt  }
0x79: {  	_ =	shalt  }
0x7a: {  	_ =	shalt  }
0x7b: {  	_ =	shalt  }
0x7c: {  	_ =	shalt  }
0x7d: {  	_ =	shalt  }
0x7e: {  	_ =	shalt  }
0x7f: {  	_ =	shalt  }
0x80: {  	_ =	shalt  }
0x81: {  	_ =	shalt  }
0x82: {  	_ =	shalt  }
0x83: {  	_ =	shalt  }
0x84: {  	_ =	shalt  }
0x85: {  	_ =	shalt  }
0x86: {  	_ =	shalt  }
0x87: {  	_ =	shalt  }
.Lfunc_end0:
.L_simem_size_0:
called_computation.1_lowered:
.L_overlay_start_0:
0x88: {  	s2 =	sld [smem:$0x3FD9]  }
0x89: {  	s3 =	sld [smem:$0x3FFE];
	_ =	sdelay $0x1  }
0x8a: {  	s1 =	srdreg.scid  }
0x8b: {  	s0 =	sand.u32 $0x1, s1  }
0x8c: {  	s17 =	sshll.u32 s0, $0xA;
	s2 =	sadd.s32 s3, s2  }
0x8d: {  	s2 =	sadd.s32 s2, s17  }
0x8e: {  	[smem:$0x3FC0] =	sst s2  }
0x8f: {  	_ = 	snop  }
0x90: {  	s2 =	sld [smem:$0x3FD0];
	(tm) =	ssettm $0x1  }
0x91: {  	s18 =	sld [smem:$0x3FFB];
	_ =	sdelay $0x3  }
0x92: {  	_ =	strace s18  }
0x93: {  	s3 =	sld [smem:$0x3FFC];
	_ =	sdelay $0x3  }
0x94: {  	_ =	strace s3  }
0x95: {  	s3 =	sld [smem:$0x3FFD];
	_ =	sdelay $0x3  }
0x96: {  	_ =	strace s3  }
0x97: {  	_ =	strace $0x8FFFFFFF  }
0x98: {  	s19 =	sld [smem:$0x3FDB];
	_ =	sdelay $0x1  }
0x99: {  	s4 =	simm.s32 $_scs_section_size  }
0x9a: {  	s5 =	simm.s32 $_size__tile_overlayer_lowered;
	s6 =	simm.s32 $_tile_overlayer_lowered  }
0x9b: {  	s22 =	simm.s32 $0x1BFF;
	s21 =	sshll.u32 s6, $0x1;
	s3 =	sadd.s32 s4, s19  }
0x9c: {  	s7 =	simm.s32 $0x0;
	s20 =	sshll.u32 s5, $0x1;
	s5 =	sadd.s32 s21, s3  }
0x9d: {  	[timem:s7], [sflag:s22] =	dma.local [hbm:s5], s20  }
0x9e: {  	_ =	swait.ge [sflag:s22], s20  }
0x9f: {  	s4 =	ssub.s32 $0x0, s20;
	[sflag:s22] =	ssyncset.done $0x0  }
0xa0: {  	[sflag:s22] =	ssyncadd.s32 s4;
	_ =	sdelay $0x1  }
0xa1: {  	s23 =	simm.s32 $0x1B8B  }
0xa2: {  	_ =	swait.ge [sflag:s23], $0x1  }
0xa3: {  	[sflag:s23] =	ssyncset.done $0x0  }
0xa4: {  	s25 =	simm.s32 $0x1B8E;
	s24 =	sld [smem:$0x3FFE];
	[sflag:s23] =	ssyncadd.s32 $0xFFFFFFFF  }
0xa5: {  	s26 =	simm.s32 $execute0_lowered;
	[smem:$0x3FD2] =	sst s25  }
0xa6: {  	s5 =	sshll.u32 s26, $0x1;
	_ =	strace $0x80000049;
	[dreg:$0x1] =	wrdreg $0xFFFFFFFF  }
0xa7: {  	s28 =	simm.s32 $_size_execute0_lowered;
	s3 =	sadd.s32 s3, s5;
	[dreg:$0x0] =	wrdreg $0x0  }
0xa8: {  	s5 =	sshll.u32 s28, $0x1;
	[dreg:$0x2] =	wrdreg s3  }
0xa9: {  	[dreg:$0x3] =	wrdreg s5  }
0xaa: {  	[dreg:$0x4] =	wrdreg $0xC0  }
0xab: {  	_ =	task [dreg:s7], $0x5FFFF  }
0xac: {  	[dreg:$0x1] =	wrdreg $0xFFFFFFFF  }
0xad: {  	[dreg:$0x0] =	wrdreg $0x60  }
0xae: {  	[dreg:$0x2] =	wrdreg s24  }
0xaf: {  	[dreg:$0x3] =	wrdreg s2  }
0xb0: {  	[dreg:$0x4] =	wrdreg $0x83900  }
0xb1: {  	[dreg:$0x5] =	wrdreg $0x9  }
0xb2: {  	_ =	task.clear_ibuf [dreg:s7], $0x6FFFF;
	_ =	strace $0x90000049  }
0xb3: {  	s29 =	simm.s32 $0x9;
	_ =	strace $0x8000004B  }
0xb4: {  	_ =	swait.ge [sflag:s29], $0x1  }
0xb5: {  	[sflag:s29] =	ssyncadd.s32 $0xFFFFFFFF  }
0xb6: {  	_ =	strace $0x9000004B  }
0xb7: {  	_ =	sfence  }
0xb8: {  	s30 =	sld [smem:$0x0];
	_ =	sdelay $0x2  }
0xb9: {  	s31 =	sshll.u32 s1, $0xD;
	s1 =	sshrl.u32 s1, $0x2  }
0xba: {  	s3 =	sand.u32 $0x4000, s31;
	s1 =	sadd.s32 s1, s30  }
0xbb: {  	s0 =	sor.u32 s3, s0;
	s1 =	sshll.u32 s1, $0x11  }
0xbc: {  	s0 =	sor.u32 s1, s0  }
0xbd: {  	s0 =	sadd.s32 $0x8F2B, s0  }
0xbe: {  	[sflag:s0] =	ssyncadd.remote.s32 $0x1  }
0xbf: {  	_ =	sfence.sel $0xFFFF  }
0xc0: {  	[dreg:$0x0] =	wrdreg $0xFFFFFFFF;
	(pc) =	sbr.abs _section_cstart, $3  }
0xc1: {  	[dreg:$0x1] =	wrdreg $0xFFFFFFFF  }
0xc2: {  	_ =	task.clear_ibuf [dreg:s7], $0x2FFFF;
	_ =	strace $0x9FFFFFFF  }
0xc3: {  	(tm) =	ssettm $0x7FFFFFFF  }
tec
execute0_lowered:
.L_overlay_start_1:
0x0: {  	(tag) =	ssettag $0x1  }
0x1: {  	s0 =	rddreg [dreg:$0x0]  }
0x2: {  	s1 =	rddreg [dreg:$0x1]  }
0x3: {  	s2 =	rddreg [dreg:$0x2]  }
0x4: {  	s3 =	srdreg.scid;
	s16 =	stileid.u32  }
0x5: {  	s4 =	simm.s32 $0x0;
	s3 =	sand.u32 $0x1, s3;
	s8 =	smul.u32 $0x280, s16  }
0x6: {  	[smem:$0x7FF] =	sst s4;
	s9 =	smul.u32 $0x2800, s3  }
0x7: {  	s5 =	sadd.s32 $0x143200, s0;
	s11 =	smul.u32 $0x5A000, s16;
	s14 =	sor.u32 $0x2, s3  }
0x8: {  	s6 =	sadd.s32 $0xD200, s0;
	s21 =	smul.u32 $0x2800, s14;
	s9 =	sadd.s32 s8, s9  }
0x9: {  	s7 =	sadd.s32 $0xC00, s0;
	s0 =	sadd.s32 $0x5B400, s0;
	s19 =	smul.u32 $0x90, s9  }
0xa: {  	_ =	strace $0x8000004A;
	s13 =	smul.u32 $0x12, s9;
	s8 =	sadd.s32 s8, s21  }
0xb: {  	s10 =	ssub.s32 $0x2, s3;
	s11 =	sshrl.u32 s11, $0x2;
	s29 =	smul.u32 $0x90, s8  }
0xc: {  	s12 =	sshrl.u32 s10, $0x1;
	s23 =	sadd.s32 s11, s2;
	s8 =	smul.u32 $0x12, s8  }
0xd: {  	s10 =	ssub.s32 s10, s12;
	[dreg:$0x4] =	wrdreg s23;
	s22 =	sadd.s32 s0, s13  }
0xe: {  	s20 =	sshrl.u32 s19, $0x3;
	[dreg:$0x5] =	wrdreg s22;
	s8 =	sadd.s32 s0, s8  }
0xf: {  	s24 =	sadd.s32 s0, s20;
	s22 =	smax.u32 s10, $0x1;
	[dreg:$0xd] =	wrdreg s8  }
0x10: {  	s11 =	sadd.s32 $0x5A0, s24;
	[dreg:$0x15] =	wrdreg s22  }
0x11: {  	s25 =	sadd.s32 $0xB40, s24;
	[dreg:$0x6] =	wrdreg s11  }
0x12: {  	s26 =	sadd.s32 $0x10E0, s24;
	[dreg:$0x7] =	wrdreg s25  }
0x13: {  	s28 =	sadd.s32 $0x1680, s24;
	[dreg:$0x8] =	wrdreg s26  }
0x14: {  	s30 =	sadd.s32 $0x1C20, s24;
	[dreg:$0x9] =	wrdreg s28  }
0x15: {  	s15 =	smul.u32 $0x2710, s3;
	s31 =	sadd.s32 $0x21C0, s24;
	[dreg:$0xa] =	wrdreg s30  }
0x16: {  	s9 =	smul.u32 $0x9C400, s3;
	s3 =	sadd.s32 $0x2760, s24;
	[dreg:$0xb] =	wrdreg s31  }
0x17: {  	s24 =	sadd.s32 $0x2D00, s23;
	[dreg:$0xc] =	wrdreg s3  }
0x18: {  	[dreg:$0x16] =	wrdreg s24;
	s25 =	sadd.s32 $0x5A00, s23  }
0x19: {  	s26 =	sadd.s32 $0x8700, s23;
	[dreg:$0x17] =	wrdreg s25  }
0x1a: {  	s28 =	sadd.s32 $0xB400, s23;
	[dreg:$0x18] =	wrdreg s26  }
0x1b: {  	s11 =	sshrl.u32 s29, $0x3;
	s29 =	sadd.s32 $0xE100, s23;
	[dreg:$0x19] =	wrdreg s28  }
0x1c: {  	s30 =	sadd.s32 $0x10E00, s23;
	[dreg:$0x1a] =	wrdreg s29  }
0x1d: {  	s31 =	sadd.s32 $0x13B00, s23;
	s0 =	sadd.s32 s0, s11;
	[dreg:$0x1b] =	wrdreg s30  }
0x1e: {  	s18 =	smul.u32 $0x9C400, s14;
	[dreg:$0x1c] =	wrdreg s31;
	s13 =	sadd.s32 $0x5A0, s0  }
0x1f: {  	s3 =	smul.u32 $0x2710, s14;
	s14 =	sadd.s32 $0xB40, s0;
	[dreg:$0xe] =	wrdreg s13  }
0x20: {  	s17 =	sadd.s32 $0x10E0, s0;
	[dreg:$0xf] =	wrdreg s14  }
0x21: {  	s19 =	sadd.s32 $0x1680, s0;
	[dreg:$0x10] =	wrdreg s17  }
0x22: {  	s20 =	sadd.s32 $0x1C20, s0;
	[dreg:$0x11] =	wrdreg s19  }
0x23: {  	s21 =	sadd.s32 $0x21C0, s0;
	[dreg:$0x12] =	wrdreg s20  }
0x24: {  	s12 =	smul.u32 $0x4E20, s16;
	s0 =	sadd.s32 $0x2760, s0;
	[dreg:$0x13] =	wrdreg s21  }
0x25: {  	v0 =	vmov s15;
	s15 =	simm.s32 $0x50;
	s16 =	simm.s32 $0xA0;
	[dreg:$0x14] =	wrdreg s0  }
0x26: {  	v2 =	vimm.f32 $0.0e+00;
	s13 =	simm.s32 $0x5690;
	s14 =	simm.s32 $0x2;
	s17 =	simm.s32 $0x190  }
0x27: {  	vm0 =	vcmask $0x3F08;
	vm1 =	vmmov $0x1;
	v1 =	vmov s3;
	s19 =	simm.s32 $0xF0;
	s20 =	simm.s32 $0x2990;
	s21 =	simm.s32 $0x0  }
.LBB2_1:
0x28: {  	s0 =	simm.s32 $0x0;
	s3 =	simm.s32 $0x240  }
.LBB2_2:
0x29: {  	p0 =	sne.s32 s3, $0xB1C0;
	[tilespmem:s0+$0x5710] =	vst v2  }
0x2a: {  	[tilespmem:s0+$0x5690] =	vst v2  }
0x2b: {  	[tilespmem:s0+$0x56A0] =	vst v2  }
0x2c: {  	[tilespmem:s0+$0x56B0] =	vst v2  }
.Ltmp0:
0x2d: {  	[tilespmem:s0+$0x56C0] =	vst v2;
	(pc) =	sbr.rel @p0 .LBB2_2-.Ltmp0, $4  }
0x2e: {  	[tilespmem:s0+$0x56D0] =	vst v2  }
0x2f: {  	[tilespmem:s0+$0x56E0] =	vst v2  }
0x30: {  	[tilespmem:s0+$0x56F0] =	vst v2  }
0x31: {  	[tilespmem:s0+$0x5700] =	vst v2;
	s0 =	sshra.s32 s3, $0x2;
	s3 =	sadd.s32 $0x240, s3  }
0x32: {  	[tilespmem:s0+$0x5710] =	vst v2  }
0x33: {  	[tilespmem:s0+$0x5690] =	vst v2  }
0x34: {  	[tilespmem:s0+$0x56A0] =	vst v2  }
0x35: {  	[tilespmem:s0+$0x56B0] =	vst v2  }
0x36: {  	[tilespmem:s0+$0x56C0] =	vst v2  }
0x37: {  	[tilespmem:s0+$0x56D0] =	vst v2  }
0x38: {  	[tilespmem:s0+$0x56E0] =	vst v2  }
0x39: {  	[tilespmem:s0+$0x56F0] =	vst v2  }
0x3a: {  	[tilespmem:s0+$0x5700] =	vst v2  }
0x3b: {  	[spmem:s23] =	stream.linear.scatter [tilespmem:s13], [sflag:$0x2], $0x2D00, $0x38;
	[tilespmem:$0x1EB90] =	vst v63  }
0x3c: {  	_ =	swait.ge [sflag:s14], $0x2D00  }
0x3d: {  	[sflag:s14] =	ssyncset.done $0x0  }
0x3e: {  	s24 =	rddreg [dreg:$0x16];
	[sflag:s14] =	ssyncadd.s32 $0xFFFFD300  }
0x3f: {  	[spmem:s24] =	stream.linear.scatter [tilespmem:s13], [sflag:$0x2], $0x2D00, $0x38;
	[tilespmem:$0x1EB90] =	vst v63  }
0x40: {  	_ =	swait.ge [sflag:s14], $0x2D00  }
0x41: {  	[sflag:s14] =	ssyncset.done $0x0  }
0x42: {  	s25 =	rddreg [dreg:$0x17];
	[sflag:s14] =	ssyncadd.s32 $0xFFFFD300  }
0x43: {  	[spmem:s25] =	stream.linear.scatter [tilespmem:s13], [sflag:$0x2], $0x2D00, $0x38;
	[tilespmem:$0x1EB90] =	vst v63  }
0x44: {  	_ =	swait.ge [sflag:s14], $0x2D00  }
0x45: {  	[sflag:s14] =	ssyncset.done $0x0  }
0x46: {  	s26 =	rddreg [dreg:$0x18];
	[sflag:s14] =	ssyncadd.s32 $0xFFFFD300  }
0x47: {  	[spmem:s26] =	stream.linear.scatter [tilespmem:s13], [sflag:$0x2], $0x2D00, $0x38;
	[tilespmem:$0x1EB90] =	vst v63  }
0x48: {  	_ =	swait.ge [sflag:s14], $0x2D00  }
0x49: {  	[sflag:s14] =	ssyncset.done $0x0  }
0x4a: {  	s28 =	rddreg [dreg:$0x19];
	[sflag:s14] =	ssyncadd.s32 $0xFFFFD300  }
0x4b: {  	[spmem:s28] =	stream.linear.scatter [tilespmem:s13], [sflag:$0x2], $0x2D00, $0x38;
	[tilespmem:$0x1EB90] =	vst v63  }
0x4c: {  	_ =	swait.ge [sflag:s14], $0x2D00  }
0x4d: {  	[sflag:s14] =	ssyncset.done $0x0  }
0x4e: {  	s29 =	rddreg [dreg:$0x1a];
	[sflag:s14] =	ssyncadd.s32 $0xFFFFD300  }
0x4f: {  	[spmem:s29] =	stream.linear.scatter [tilespmem:s13], [sflag:$0x2], $0x2D00, $0x38;
	[tilespmem:$0x1EB90] =	vst v63  }
0x50: {  	_ =	swait.ge [sflag:s14], $0x2D00  }
0x51: {  	[sflag:s14] =	ssyncset.done $0x0  }
0x52: {  	s30 =	rddreg [dreg:$0x1b];
	[sflag:s14] =	ssyncadd.s32 $0xFFFFD300  }
0x53: {  	[spmem:s30] =	stream.linear.scatter [tilespmem:s13], [sflag:$0x2], $0x2D00, $0x38;
	[tilespmem:$0x1EB90] =	vst v63  }
0x54: {  	_ =	swait.ge [sflag:s14], $0x2D00  }
0x55: {  	[sflag:s14] =	ssyncset.done $0x0  }
0x56: {  	s31 =	rddreg [dreg:$0x1c];
	[sflag:s14] =	ssyncadd.s32 $0xFFFFD300  }
0x57: {  	[spmem:s31] =	stream.linear.scatter [tilespmem:s13], [sflag:$0x2], $0x2D00, $0x38;
	[tilespmem:$0x1EB90] =	vst v63  }
0x58: {  	_ =	swait.ge [sflag:s14], $0x2D00  }
0x59: {  	[sflag:s14] =	ssyncset.done $0x0  }
0x5a: {  	[sflag:s14] =	ssyncadd.s32 $0xFFFFD300  }
0x5b: {  	s22 =	simm.s32 $0x0;
	[bflag:$0x0] =	sbarrier.arrive $0xFFFF  }
.LBB2_4:
0x5c: {  	s0 =	smul.u32 $0x50, s22;
	_ =	sdelay $0x1  }
0x5d: {  	s0 =	sadd.s32 s12, s0  }
0x5e: {  	s3 =	sshrl.u32 s0, $0x3  }
0x5f: {  	s8 =	sadd.s32 s7, s3  }
0x60: {  	[tilespmem:s4], [sflag:$0x2] =	stream.linear.gather [hbm4b:s8+s4], $0x50, $0x38;
	[tilespmem:$0x1EB90] =	vst v63  }
0x61: {  	_ =	swait.ge [sflag:s14], $0x50  }
0x62: {  	[sflag:s14] =	ssyncset.done $0x0  }
0x63: {  	s3 =	sadd.s32 s1, s3;
	[sflag:s14] =	ssyncadd.s32 $0xFFFFFFB0  }
0x64: {  	[tilespmem:s15], [sflag:$0x2] =	stream.linear.gather [hbm4b:s3+s4], $0x50, $0x38;
	[tilespmem:$0x1EB90] =	vst v63  }
0x65: {  	_ =	swait.ge [sflag:s14], $0x50  }
0x66: {  	[sflag:s14] =	ssyncset.done $0x0  }
0x67: {  	[sflag:s14] =	ssyncadd.s32 $0xFFFFFFB0  }
0x68: {  	v3 =	vld [tilespmem:$0x0]  }
0x69: {  	v4 =	vld [tilespmem:$0x10]  }
0x6a: {  	v5 =	vld [tilespmem:$0x20]  }
0x6b: {  	v6 =	vld [tilespmem:$0x30]  }
0x6c: {  	v7 =	vld [tilespmem:$0x40]  }
0x6d: {  	v3 =	vadd.s32 v0, v3  }
0x6e: {  	[tilespmem:$0xA0] =	vst v3;
	v3 =	vadd.s32 v0, v4  }
0x6f: {  	[tilespmem:$0xB0] =	vst v3;
	v3 =	vadd.s32 v0, v5  }
0x70: {  	s0 =	sshll.u32 s0, $0x1;
	[tilespmem:$0xC0] =	vst v3;
	v3 =	vadd.s32 v0, v6  }
0x71: {  	s0 =	sadd.s32 s9, s0;
	[tilespmem:$0xD0] =	vst v3;
	v3 =	vadd.s32 v0, v7  }
0x72: {  	s30 =	simm.s32 $0x0;
	s0 =	sshrl.u32 s0, $0x3;
	[tilespmem:$0xE0] =	vst v3  }
0x73: {  	[tilespmem:s17], [sflag:$0x1] =	stream.indirect.gather [hbm4b:s5+s15], $0x80, s16, s15, $0xb8;
	[tilespmem:$0x1EB90] =	vst v63  }
0x74: {  	s0 =	sadd.s32 s6, s0;
	v3 =	vmov s30  }
0x75: {  	v3 =	vand.u32 $0xFFFFFFFE, v3;
	[tilespmem:s19], [sflag:$0x2] =	stream.linear.gather [hbm4b:s0+s4], $0xA0, $0x38;
	[tilespmem:$0x1EB90] =	vst v63  }
0x76: {  	v3 =	vbroadcast v3, $0x0;
	_ =	swait.ge [sflag:s14], $0xA0  }
0x77: {  	[sflag:s14] =	ssyncset.done $0x0  }
0x78: {  	s31 =	simm.s32 $0x1;
	[sflag:s14] =	ssyncadd.s32 $0xFFFFFF60  }
0x79: {  	_ =	swait.ge [sflag:s31], $0x2800  }
0x7a: {  	[sflag:s31] =	ssyncset.done $0x0  }
0x7b: {  	[sflag:s31] =	ssyncadd.s32 $0xFFFFD800  }
0x7c: {  	s0 =	simm.s32 $0x1D0;
	v4 =	vld.idx.msk [tilespmem:v3+s19+$0x0], $0xffff  }
0x7d: {  	v3 =	vld [tilespmem:s0+$0xFFFFFFC0];
	_ =	sdelay $0x1  }
0x7e: {  	v5 =	vmov s31;
	_ =	sdelay $0x2  }
0x7f: {  	v6 =	vmul.f32 v3, v4  }
0x80: {  	s3 =	simm.s32 $0x29D0  }
0x81: {  	v3 =	vld.idx.msk [tilespmem:v5+s19+$0x0], $0xffff;
	[tilespmem:s3+$0xFFFFFFC0] =	vst v6  }
0x82: {  	v5 =	vld [tilespmem:s0+$0xFFFFFFD0];
	_ =	sdelay $0x4  }
0x83: {  	v5 =	vmul.f32 v5, v4;
	_ =	sdelay $0x1  }
0x84: {  	[tilespmem:s3+$0xFFFFFFD0] =	vst v5  }
0x85: {  	v5 =	vld [tilespmem:s0+$0xFFFFFFE0];
	_ =	sdelay $0x4  }
0x86: {  	v5 =	vmul.f32 v5, v4;
	_ =	sdelay $0x1  }
0x87: {  	[tilespmem:s3+$0xFFFFFFE0] =	vst v5  }
0x88: {  	v5 =	vld [tilespmem:s0+$0xFFFFFFF0];
	_ =	sdelay $0x4  }
0x89: {  	v5 =	vmul.f32 v5, v4;
	_ =	sdelay $0x1  }
0x8a: {  	[tilespmem:s3+$0xFFFFFFF0] =	vst v5  }
0x8b: {  	v5 =	vld [tilespmem:s0+$0x0];
	_ =	sdelay $0x4  }
0x8c: {  	v5 =	vmul.f32 v5, v3;
	_ =	sdelay $0x1  }
0x8d: {  	[tilespmem:s3+$0x0] =	vst v5  }
0x8e: {  	v5 =	vld [tilespmem:s0+$0x10];
	_ =	sdelay $0x4  }
0x8f: {  	v5 =	vmul.f32 v5, v3;
	_ =	sdelay $0x1  }
0x90: {  	[tilespmem:s3+$0x10] =	vst v5  }
0x91: {  	v5 =	vld [tilespmem:s0+$0x20];
	_ =	sdelay $0x4  }
0x92: {  	v5 =	vmul.f32 v5, v3  }
0x93: {  	v6 =	vsel vm0, $0x0, v3  }
0x94: {  	s10 =	simm.s32 $0x3;
	s11 =	simm.s32 $0x5;
	s8 =	simm.s32 $0x2;
	v4 =	vsel vm1, v4, v6;
	[tilespmem:s3+$0x20] =	vst v5  }
.LBB2_5:
0x95: {  	p0 =	sne.s32 s11, $0x9F;
	v5 =	vmov s8;
	v6 =	vld [tilespmem:s0+$0x30];
	[tilespmem:s3+$0x40] =	vst v4  }
0x96: {  	v4 =	vand.u32 $0xFFFFFFFE, v5  }
0x97: {  	v4 =	vbroadcast v4, $0x0;
	_ =	sdelay $0x2  }
0x98: {  	v3 =	vmul.f32 v6, v3;
	_ =	sdelay $0x1  }
0x99: {  	[tilespmem:s3+$0x30] =	vst v3  }
0x9a: {  	s0 =	sadd.s32 $0x80, s0;
	v5 =	vld.idx.msk [tilespmem:v4+s19+$0x0], $0xffff  }
0x9b: {  	v3 =	vld [tilespmem:s0+$0xFFFFFFC0];
	_ =	sdelay $0x1  }
0x9c: {  	v4 =	vmov s10;
	s10 =	smov.u32 s11;
	_ =	sdelay $0x2  }
0x9d: {  	v6 =	vmul.f32 v3, v5  }
0x9e: {  	s3 =	sadd.s32 $0x90, s3  }
0x9f: {  	v3 =	vld.idx.msk [tilespmem:v4+s19+$0x0], $0xffff;
	[tilespmem:s3+$0xFFFFFFC0] =	vst v6  }
0xa0: {  	v4 =	vld [tilespmem:s0+$0xFFFFFFD0];
	_ =	sdelay $0x4  }
0xa1: {  	v6 =	vmul.f32 v4, v5;
	v4 =	vsel vm0, $0x0, v3  }
0xa2: {  	v4 =	vsel vm1, v5, v4  }
0xa3: {  	[tilespmem:s3+$0xFFFFFFD0] =	vst v6  }
0xa4: {  	v6 =	vld [tilespmem:s0+$0xFFFFFFE0];
	_ =	sdelay $0x4  }
0xa5: {  	v6 =	vmul.f32 v6, v5;
	_ =	sdelay $0x1  }
0xa6: {  	[tilespmem:s3+$0xFFFFFFE0] =	vst v6  }
0xa7: {  	v6 =	vld [tilespmem:s0+$0xFFFFFFF0];
	_ =	sdelay $0x4  }
0xa8: {  	v5 =	vmul.f32 v6, v5;
	_ =	sdelay $0x1  }
0xa9: {  	[tilespmem:s3+$0xFFFFFFF0] =	vst v5  }
0xaa: {  	v5 =	vld [tilespmem:s0+$0x0];
	_ =	sdelay $0x4  }
0xab: {  	v5 =	vmul.f32 v5, v3;
	_ =	sdelay $0x1  }
0xac: {  	[tilespmem:s3+$0x0] =	vst v5  }
0xad: {  	v5 =	vld [tilespmem:s0+$0x10];
	_ =	sdelay $0x4  }
0xae: {  	v5 =	vmul.f32 v5, v3;
	_ =	sdelay $0x1  }
0xaf: {  	[tilespmem:s3+$0x10] =	vst v5  }
0xb0: {  	v5 =	vld [tilespmem:s0+$0x20];
	_ =	sdelay $0x2  }
.Ltmp1:
0xb1: {  	(pc) =	sbr.rel @p0 .LBB2_5-.Ltmp1, $3  }
0xb2: {  	_ = 	snop  }
0xb3: {  	v5 =	vmul.f32 v5, v3;
	_ =	sdelay $0x1  }
0xb4: {  	s11 =	sadd.s32 $0x2, s11;
	s8 =	sadd.s32 $0xFFFFFFFF, s10;
	[tilespmem:s3+$0x20] =	vst v5  }
0xb5: {  	v5 =	vmov s8;
	v6 =	vld [tilespmem:s0+$0x30]  }
0xb6: {  	v5 =	vand.u32 $0xFFFFFFFE, v5  }
0xb7: {  	v5 =	vbroadcast v5, $0x0;
	_ =	sdelay $0x2  }
0xb8: {  	v3 =	vmul.f32 v6, v3  }
0xb9: {  	[tilespmem:s3+$0x40] =	vst v4  }
0xba: {  	[tilespmem:s3+$0x30] =	vst v3  }
0xbb: {  	s30 =	sadd.s32 $0x80, s0;
	v3 =	vld.idx.msk [tilespmem:v5+s19+$0x0], $0xffff  }
0xbc: {  	v4 =	vld [tilespmem:s30+$0xFFFFFFC0];
	_ =	sdelay $0x1  }
0xbd: {  	v62 =	vmov s10;
	_ =	sdelay $0x2  }
0xbe: {  	v4 =	vmul.f32 v4, v3  }
0xbf: {  	s31 =	sadd.s32 $0x90, s3  }
0xc0: {  	v5 =	vld.idx.msk [tilespmem:v62+s19+$0x0], $0xffff;
	[tilespmem:s31+$0xFFFFFFC0] =	vst v4  }
0xc1: {  	v4 =	vld [tilespmem:s30+$0xFFFFFFD0];
	_ =	sdelay $0x4  }
0xc2: {  	v4 =	vmul.f32 v4, v3;
	_ =	sdelay $0x1  }
0xc3: {  	[tilespmem:s31+$0xFFFFFFD0] =	vst v4  }
0xc4: {  	v4 =	vld [tilespmem:s30+$0xFFFFFFE0];
	_ =	sdelay $0x4  }
0xc5: {  	v4 =	vmul.f32 v4, v3;
	_ =	sdelay $0x1  }
0xc6: {  	[tilespmem:s31+$0xFFFFFFE0] =	vst v4  }
0xc7: {  	v4 =	vld [tilespmem:s30+$0xFFFFFFF0];
	_ =	sdelay $0x4  }
0xc8: {  	v4 =	vmul.f32 v4, v3;
	_ =	sdelay $0x1  }
0xc9: {  	[tilespmem:s31+$0xFFFFFFF0] =	vst v4  }
0xca: {  	v4 =	vld [tilespmem:s30+$0x0];
	_ =	sdelay $0x4  }
0xcb: {  	v4 =	vmul.f32 v4, v5;
	_ =	sdelay $0x1  }
0xcc: {  	[tilespmem:s31+$0x0] =	vst v4  }
0xcd: {  	v4 =	vld [tilespmem:s30+$0x10];
	_ =	sdelay $0x4  }
0xce: {  	v4 =	vmul.f32 v4, v5;
	_ =	sdelay $0x1  }
0xcf: {  	[tilespmem:s31+$0x10] =	vst v4  }
0xd0: {  	v4 =	vld [tilespmem:s30+$0x20];
	_ =	sdelay $0x4  }
0xd1: {  	v4 =	vmul.f32 v4, v5;
	_ =	sdelay $0x1  }
0xd2: {  	[tilespmem:s31+$0x20] =	vst v4  }
0xd3: {  	v4 =	vld [tilespmem:s30+$0x30];
	_ =	sdelay $0x3  }
0xd4: {  	v63 =	vsel vm0, $0x0, v5  }
0xd5: {  	s22 =	sadd.s32 $0x1, s22;
	v3 =	vsel vm1, v3, v63;
	v4 =	vmul.f32 v4, v5  }
0xd6: {  	p0 =	sne.s32 s22, $0xFA;
	[tilespmem:s31+$0x40] =	vst v3  }
.Ltmp2:
0xd7: {  	[tilespmem:s31+$0x30] =	vst v4;
	(pc) =	sbr.rel @p0 .LBB2_4-.Ltmp2, $4  }
0xd8: {  	[spmem:s2] =	stream.indirect.scatter.add.f32 [tilespmem:s20], [sflag:$0x2], $0x90, s15, s15, $0xb8;
	[tilespmem:$0x1EB90] =	vst v63  }
0xd9: {  	_ =	swait.ge [sflag:s14], $0x2D00  }
0xda: {  	[sflag:s14] =	ssyncset.done $0x0  }
0xdb: {  	[sflag:s14] =	ssyncadd.s32 $0xFFFFD300  }
0xdc: {  	s0 =	stileid.u32;
	[bflag:$0x0] =	sbarrier.arrive $0xFFFF  }
0xdd: {  	s3 =	sshrl.u32 s23, $0x3;
	s0 =	sshll.u32 s0, $0x6;
	s11 =	rddreg [dreg:$0x5]  }
0xde: {  	[dreg:$0x1d] =	wrdreg s3;
	s22 =	sor.u32 $0x1C02, s0  }
0xdf: {  	[hbm:s11], [sflag:s22] =	dma.local [spmem:s3], $0x5A0  }
0xe0: {  	_ =	swait.ge [sflag:s14], $0x5A0  }
0xe1: {  	s3 =	rddreg [dreg:$0x16]  }
0xe2: {  	[sflag:s14] =	ssyncset.done $0x0;
	s24 =	rddreg [dreg:$0x6];
	s8 =	sshrl.u32 s3, $0x3  }
0xe3: {  	[sflag:s14] =	ssyncadd.s32 $0xFFFFFA60;
	[dreg:$0x1e] =	wrdreg s8  }
0xe4: {  	[hbm:s24], [sflag:s22] =	dma.local [spmem:s8], $0x5A0  }
0xe5: {  	_ =	swait.ge [sflag:s14], $0x5A0  }
0xe6: {  	s8 =	rddreg [dreg:$0x17]  }
0xe7: {  	[sflag:s14] =	ssyncset.done $0x0;
	s25 =	rddreg [dreg:$0x7];
	s10 =	sshrl.u32 s8, $0x3  }
0xe8: {  	[sflag:s14] =	ssyncadd.s32 $0xFFFFFA60;
	[dreg:$0x1f] =	wrdreg s10  }
0xe9: {  	[hbm:s25], [sflag:s22] =	dma.local [spmem:s10], $0x5A0  }
0xea: {  	_ =	swait.ge [sflag:s14], $0x5A0  }
0xeb: {  	s10 =	rddreg [dreg:$0x18]  }
0xec: {  	[sflag:s14] =	ssyncset.done $0x0;
	s26 =	rddreg [dreg:$0x8];
	s11 =	sshrl.u32 s10, $0x3  }
0xed: {  	[sflag:s14] =	ssyncadd.s32 $0xFFFFFA60;
	[smem:$0x7FD] =	sst s11  }
0xee: {  	[hbm:s26], [sflag:s22] =	dma.local [spmem:s11], $0x5A0  }
0xef: {  	_ =	swait.ge [sflag:s14], $0x5A0  }
0xf0: {  	[sflag:s14] =	ssyncset.done $0x0;
	s11 =	rddreg [dreg:$0x19]  }
0xf1: {  	s24 =	rddreg [dreg:$0x9];
	[sflag:s14] =	ssyncadd.s32 $0xFFFFFA60;
	s28 =	sshrl.u32 s11, $0x3  }
0xf2: {  	[hbm:s24], [sflag:s22] =	dma.local [spmem:s28], $0x5A0  }
0xf3: {  	_ =	swait.ge [sflag:s14], $0x5A0  }
0xf4: {  	[sflag:s14] =	ssyncset.done $0x0;
	s24 =	rddreg [dreg:$0x1a]  }
0xf5: {  	s25 =	rddreg [dreg:$0xa];
	[sflag:s14] =	ssyncadd.s32 $0xFFFFFA60;
	s29 =	sshrl.u32 s24, $0x3  }
0xf6: {  	[hbm:s25], [sflag:s22] =	dma.local [spmem:s29], $0x5A0  }
0xf7: {  	_ =	swait.ge [sflag:s14], $0x5A0  }
0xf8: {  	[sflag:s14] =	ssyncset.done $0x0;
	s25 =	rddreg [dreg:$0x1b]  }
0xf9: {  	s26 =	rddreg [dreg:$0xb];
	[sflag:s14] =	ssyncadd.s32 $0xFFFFFA60;
	s30 =	sshrl.u32 s25, $0x3  }
0xfa: {  	[hbm:s26], [sflag:s22] =	dma.local [spmem:s30], $0x5A0  }
0xfb: {  	_ =	swait.ge [sflag:s14], $0x5A0  }
0xfc: {  	[sflag:s14] =	ssyncset.done $0x0;
	s26 =	rddreg [dreg:$0x1c]  }
0xfd: {  	s0 =	rddreg [dreg:$0xc];
	[sflag:s14] =	ssyncadd.s32 $0xFFFFFA60;
	s31 =	sshrl.u32 s26, $0x3  }
0xfe: {  	[hbm:s0], [sflag:s22] =	dma.local [spmem:s31], $0x5A0  }
0xff: {  	_ =	swait.ge [sflag:s14], $0x5A0  }
0x100: {  	[sflag:s14] =	ssyncset.done $0x0  }
0x101: {  	[sflag:s14] =	ssyncadd.s32 $0xFFFFFA60  }
0x102: {  	[bflag:$0x0] =	sbarrier.arrive $0xFFFF  }
0x103: {  	[spmem:s23] =	stream.linear.scatter [tilespmem:s13], [sflag:$0x2], $0x2D00, $0x38;
	[tilespmem:$0x1EB90] =	vst v63  }
0x104: {  	_ =	swait.ge [sflag:s14], $0x2D00  }
0x105: {  	[sflag:s14] =	ssyncset.done $0x0  }
0x106: {  	[sflag:s14] =	ssyncadd.s32 $0xFFFFD300  }
0x107: {  	[spmem:s3] =	stream.linear.scatter [tilespmem:s13], [sflag:$0x2], $0x2D00, $0x38;
	[tilespmem:$0x1EB90] =	vst v63  }
0x108: {  	_ =	swait.ge [sflag:s14], $0x2D00  }
0x109: {  	[sflag:s14] =	ssyncset.done $0x0  }
0x10a: {  	[sflag:s14] =	ssyncadd.s32 $0xFFFFD300  }
0x10b: {  	[spmem:s8] =	stream.linear.scatter [tilespmem:s13], [sflag:$0x2], $0x2D00, $0x38;
	[tilespmem:$0x1EB90] =	vst v63  }
0x10c: {  	_ =	swait.ge [sflag:s14], $0x2D00  }
0x10d: {  	[sflag:s14] =	ssyncset.done $0x0  }
0x10e: {  	[sflag:s14] =	ssyncadd.s32 $0xFFFFD300  }
0x10f: {  	[spmem:s10] =	stream.linear.scatter [tilespmem:s13], [sflag:$0x2], $0x2D00, $0x38;
	[tilespmem:$0x1EB90] =	vst v63  }
0x110: {  	_ =	swait.ge [sflag:s14], $0x2D00  }
0x111: {  	[sflag:s14] =	ssyncset.done $0x0  }
0x112: {  	[sflag:s14] =	ssyncadd.s32 $0xFFFFD300  }
0x113: {  	[spmem:s11] =	stream.linear.scatter [tilespmem:s13], [sflag:$0x2], $0x2D00, $0x38;
	[tilespmem:$0x1EB90] =	vst v63  }
0x114: {  	_ =	swait.ge [sflag:s14], $0x2D00  }
0x115: {  	[sflag:s14] =	ssyncset.done $0x0  }
0x116: {  	[sflag:s14] =	ssyncadd.s32 $0xFFFFD300  }
0x117: {  	[spmem:s24] =	stream.linear.scatter [tilespmem:s13], [sflag:$0x2], $0x2D00, $0x38;
	[tilespmem:$0x1EB90] =	vst v63  }
0x118: {  	_ =	swait.ge [sflag:s14], $0x2D00  }
0x119: {  	[sflag:s14] =	ssyncset.done $0x0  }
0x11a: {  	[sflag:s14] =	ssyncadd.s32 $0xFFFFD300  }
0x11b: {  	[spmem:s25] =	stream.linear.scatter [tilespmem:s13], [sflag:$0x2], $0x2D00, $0x38;
	[tilespmem:$0x1EB90] =	vst v63  }
0x11c: {  	_ =	swait.ge [sflag:s14], $0x2D00  }
0x11d: {  	[sflag:s14] =	ssyncset.done $0x0  }
0x11e: {  	[sflag:s14] =	ssyncadd.s32 $0xFFFFD300  }
0x11f: {  	[spmem:s26] =	stream.linear.scatter [tilespmem:s13], [sflag:$0x2], $0x2D00, $0x38;
	[tilespmem:$0x1EB90] =	vst v63  }
0x120: {  	_ =	swait.ge [sflag:s14], $0x2D00  }
0x121: {  	[sflag:s14] =	ssyncset.done $0x0  }
0x122: {  	[sflag:s14] =	ssyncadd.s32 $0xFFFFD300  }
0x123: {  	s0 =	simm.s32 $0x0;
	[bflag:$0x0] =	sbarrier.arrive $0xFFFF  }
.LBB2_8:
0x124: {  	s3 =	smul.u32 $0x50, s0;
	_ =	sdelay $0x1  }
0x125: {  	s3 =	sadd.s32 s12, s3  }
0x126: {  	s8 =	sshrl.u32 s3, $0x3  }
0x127: {  	s10 =	sadd.s32 s7, s8  }
0x128: {  	[tilespmem:s4], [sflag:$0x2] =	stream.linear.gather [hbm4b:s10+s4], $0x50, $0x38;
	[tilespmem:$0x1EB90] =	vst v63  }
0x129: {  	_ =	swait.ge [sflag:s14], $0x50  }
0x12a: {  	[sflag:s14] =	ssyncset.done $0x0  }
0x12b: {  	s8 =	sadd.s32 s1, s8;
	[sflag:s14] =	ssyncadd.s32 $0xFFFFFFB0  }
0x12c: {  	[tilespmem:s15], [sflag:$0x2] =	stream.linear.gather [hbm4b:s8+s4], $0x50, $0x38;
	[tilespmem:$0x1EB90] =	vst v63  }
0x12d: {  	_ =	swait.ge [sflag:s14], $0x50  }
0x12e: {  	[sflag:s14] =	ssyncset.done $0x0  }
0x12f: {  	[sflag:s14] =	ssyncadd.s32 $0xFFFFFFB0  }
0x130: {  	v3 =	vld [tilespmem:$0x0]  }
0x131: {  	v4 =	vld [tilespmem:$0x10]  }
0x132: {  	v5 =	vld [tilespmem:$0x20]  }
0x133: {  	v6 =	vld [tilespmem:$0x30]  }
0x134: {  	v7 =	vld [tilespmem:$0x40]  }
0x135: {  	v3 =	vadd.s32 v1, v3  }
0x136: {  	[tilespmem:$0xA0] =	vst v3;
	v3 =	vadd.s32 v1, v4  }
0x137: {  	[tilespmem:$0xB0] =	vst v3;
	v3 =	vadd.s32 v1, v5  }
0x138: {  	s3 =	sshll.u32 s3, $0x1;
	[tilespmem:$0xC0] =	vst v3;
	v3 =	vadd.s32 v1, v6  }
0x139: {  	s3 =	sadd.s32 s18, s3;
	[tilespmem:$0xD0] =	vst v3;
	v3 =	vadd.s32 v1, v7  }
0x13a: {  	s25 =	simm.s32 $0x0;
	s3 =	sshrl.u32 s3, $0x3;
	[tilespmem:$0xE0] =	vst v3  }
0x13b: {  	[tilespmem:s17], [sflag:$0x1] =	stream.indirect.gather [hbm4b:s5+s15], $0x80, s16, s15, $0xb8;
	[tilespmem:$0x1EB90] =	vst v63  }
0x13c: {  	s3 =	sadd.s32 s6, s3;
	v3 =	vmov s25  }
0x13d: {  	v3 =	vand.u32 $0xFFFFFFFE, v3;
	[tilespmem:s19], [sflag:$0x2] =	stream.linear.gather [hbm4b:s3+s4], $0xA0, $0x38;
	[tilespmem:$0x1EB90] =	vst v63  }
0x13e: {  	v3 =	vbroadcast v3, $0x0;
	_ =	swait.ge [sflag:s14], $0xA0  }
0x13f: {  	[sflag:s14] =	ssyncset.done $0x0  }
0x140: {  	s26 =	simm.s32 $0x1;
	[sflag:s14] =	ssyncadd.s32 $0xFFFFFF60  }
0x141: {  	_ =	swait.ge [sflag:s26], $0x2800  }
0x142: {  	[sflag:s26] =	ssyncset.done $0x0  }
0x143: {  	[sflag:s26] =	ssyncadd.s32 $0xFFFFD800  }
0x144: {  	s3 =	simm.s32 $0x1D0;
	v4 =	vld.idx.msk [tilespmem:v3+s19+$0x0], $0xffff  }
0x145: {  	v3 =	vld [tilespmem:s3+$0xFFFFFFC0];
	_ =	sdelay $0x1  }
0x146: {  	v5 =	vmov s26;
	_ =	sdelay $0x2  }
0x147: {  	v6 =	vmul.f32 v3, v4  }
0x148: {  	s10 =	simm.s32 $0x29D0  }
0x149: {  	v3 =	vld.idx.msk [tilespmem:v5+s19+$0x0], $0xffff;
	[tilespmem:s10+$0xFFFFFFC0] =	vst v6  }
0x14a: {  	v5 =	vld [tilespmem:s3+$0xFFFFFFD0];
	_ =	sdelay $0x4  }
0x14b: {  	v5 =	vmul.f32 v5, v4;
	_ =	sdelay $0x1  }
0x14c: {  	[tilespmem:s10+$0xFFFFFFD0] =	vst v5  }
0x14d: {  	v5 =	vld [tilespmem:s3+$0xFFFFFFE0];
	_ =	sdelay $0x4  }
0x14e: {  	v5 =	vmul.f32 v5, v4;
	_ =	sdelay $0x1  }
0x14f: {  	[tilespmem:s10+$0xFFFFFFE0] =	vst v5  }
0x150: {  	v5 =	vld [tilespmem:s3+$0xFFFFFFF0];
	_ =	sdelay $0x4  }
0x151: {  	v5 =	vmul.f32 v5, v4;
	_ =	sdelay $0x1  }
0x152: {  	[tilespmem:s10+$0xFFFFFFF0] =	vst v5  }
0x153: {  	v5 =	vld [tilespmem:s3+$0x0];
	_ =	sdelay $0x4  }
0x154: {  	v5 =	vmul.f32 v5, v3;
	_ =	sdelay $0x1  }
0x155: {  	[tilespmem:s10+$0x0] =	vst v5  }
0x156: {  	v5 =	vld [tilespmem:s3+$0x10];
	_ =	sdelay $0x4  }
0x157: {  	v5 =	vmul.f32 v5, v3;
	_ =	sdelay $0x1  }
0x158: {  	[tilespmem:s10+$0x10] =	vst v5  }
0x159: {  	v5 =	vld [tilespmem:s3+$0x20];
	_ =	sdelay $0x4  }
0x15a: {  	v5 =	vmul.f32 v5, v3  }
0x15b: {  	v6 =	vsel vm0, $0x0, v3  }
0x15c: {  	s11 =	simm.s32 $0x3;
	s23 =	simm.s32 $0x2;
	s8 =	simm.s32 $0x5;
	v4 =	vsel vm1, v4, v6;
	[tilespmem:s10+$0x20] =	vst v5  }
.LBB2_9:
0x15d: {  	p0 =	sne.s32 s8, $0x9F;
	v5 =	vmov s23;
	v6 =	vld [tilespmem:s3+$0x30];
	[tilespmem:s10+$0x40] =	vst v4  }
0x15e: {  	v4 =	vand.u32 $0xFFFFFFFE, v5  }
0x15f: {  	v4 =	vbroadcast v4, $0x0;
	_ =	sdelay $0x2  }
0x160: {  	v3 =	vmul.f32 v6, v3;
	_ =	sdelay $0x1  }
0x161: {  	[tilespmem:s10+$0x30] =	vst v3  }
0x162: {  	s3 =	sadd.s32 $0x80, s3;
	v5 =	vld.idx.msk [tilespmem:v4+s19+$0x0], $0xffff  }
0x163: {  	v3 =	vld [tilespmem:s3+$0xFFFFFFC0];
	_ =	sdelay $0x1  }
0x164: {  	v4 =	vmov s11;
	s11 =	smov.u32 s8;
	_ =	sdelay $0x2  }
0x165: {  	v6 =	vmul.f32 v3, v5  }
0x166: {  	s10 =	sadd.s32 $0x90, s10  }
0x167: {  	v3 =	vld.idx.msk [tilespmem:v4+s19+$0x0], $0xffff;
	[tilespmem:s10+$0xFFFFFFC0] =	vst v6  }
0x168: {  	v4 =	vld [tilespmem:s3+$0xFFFFFFD0];
	_ =	sdelay $0x4  }
0x169: {  	v6 =	vmul.f32 v4, v5;
	v4 =	vsel vm0, $0x0, v3  }
0x16a: {  	v4 =	vsel vm1, v5, v4  }
0x16b: {  	[tilespmem:s10+$0xFFFFFFD0] =	vst v6  }
0x16c: {  	v6 =	vld [tilespmem:s3+$0xFFFFFFE0];
	_ =	sdelay $0x4  }
0x16d: {  	v6 =	vmul.f32 v6, v5;
	_ =	sdelay $0x1  }
0x16e: {  	[tilespmem:s10+$0xFFFFFFE0] =	vst v6  }
0x16f: {  	v6 =	vld [tilespmem:s3+$0xFFFFFFF0];
	_ =	sdelay $0x4  }
0x170: {  	v5 =	vmul.f32 v6, v5;
	_ =	sdelay $0x1  }
0x171: {  	[tilespmem:s10+$0xFFFFFFF0] =	vst v5  }
0x172: {  	v5 =	vld [tilespmem:s3+$0x0];
	_ =	sdelay $0x4  }
0x173: {  	v5 =	vmul.f32 v5, v3;
	_ =	sdelay $0x1  }
0x174: {  	[tilespmem:s10+$0x0] =	vst v5  }
0x175: {  	v5 =	vld [tilespmem:s3+$0x10];
	_ =	sdelay $0x4  }
0x176: {  	v5 =	vmul.f32 v5, v3;
	_ =	sdelay $0x1  }
0x177: {  	[tilespmem:s10+$0x10] =	vst v5  }
0x178: {  	v5 =	vld [tilespmem:s3+$0x20];
	_ =	sdelay $0x2  }
.Ltmp3:
0x179: {  	(pc) =	sbr.rel @p0 .LBB2_9-.Ltmp3, $3  }
0x17a: {  	_ = 	snop  }
0x17b: {  	v5 =	vmul.f32 v5, v3;
	_ =	sdelay $0x1  }
0x17c: {  	s8 =	sadd.s32 $0x2, s8;
	s23 =	sadd.s32 $0xFFFFFFFF, s11;
	[tilespmem:s10+$0x20] =	vst v5  }
0x17d: {  	v5 =	vmov s23;
	v6 =	vld [tilespmem:s3+$0x30]  }
0x17e: {  	v5 =	vand.u32 $0xFFFFFFFE, v5  }
0x17f: {  	v5 =	vbroadcast v5, $0x0;
	_ =	sdelay $0x2  }
0x180: {  	v3 =	vmul.f32 v6, v3  }
0x181: {  	[tilespmem:s10+$0x40] =	vst v4  }
0x182: {  	[tilespmem:s10+$0x30] =	vst v3  }
0x183: {  	s26 =	sadd.s32 $0x80, s3;
	v3 =	vld.idx.msk [tilespmem:v5+s19+$0x0], $0xffff  }
0x184: {  	v4 =	vld [tilespmem:s26+$0xFFFFFFC0];
	_ =	sdelay $0x1  }
0x185: {  	v62 =	vmov s11;
	_ =	sdelay $0x2  }
0x186: {  	v4 =	vmul.f32 v4, v3  }
0x187: {  	s8 =	sadd.s32 $0x90, s10  }
0x188: {  	v5 =	vld.idx.msk [tilespmem:v62+s19+$0x0], $0xffff;
	[tilespmem:s8+$0xFFFFFFC0] =	vst v4  }
0x189: {  	v4 =	vld [tilespmem:s26+$0xFFFFFFD0];
	_ =	sdelay $0x4  }
0x18a: {  	v4 =	vmul.f32 v4, v3;
	_ =	sdelay $0x1  }
0x18b: {  	[tilespmem:s8+$0xFFFFFFD0] =	vst v4  }
0x18c: {  	v4 =	vld [tilespmem:s26+$0xFFFFFFE0];
	_ =	sdelay $0x4  }
0x18d: {  	v4 =	vmul.f32 v4, v3;
	_ =	sdelay $0x1  }
0x18e: {  	[tilespmem:s8+$0xFFFFFFE0] =	vst v4  }
0x18f: {  	v4 =	vld [tilespmem:s26+$0xFFFFFFF0];
	_ =	sdelay $0x4  }
0x190: {  	v4 =	vmul.f32 v4, v3;
	_ =	sdelay $0x1  }
0x191: {  	[tilespmem:s8+$0xFFFFFFF0] =	vst v4  }
0x192: {  	v4 =	vld [tilespmem:s26+$0x0];
	_ =	sdelay $0x4  }
0x193: {  	v4 =	vmul.f32 v4, v5;
	_ =	sdelay $0x1  }
0x194: {  	[tilespmem:s8+$0x0] =	vst v4  }
0x195: {  	v4 =	vld [tilespmem:s26+$0x10];
	_ =	sdelay $0x4  }
0x196: {  	v4 =	vmul.f32 v4, v5;
	_ =	sdelay $0x1  }
0x197: {  	[tilespmem:s8+$0x10] =	vst v4  }
0x198: {  	v4 =	vld [tilespmem:s26+$0x20];
	_ =	sdelay $0x4  }
0x199: {  	v4 =	vmul.f32 v4, v5;
	_ =	sdelay $0x1  }
0x19a: {  	[tilespmem:s8+$0x20] =	vst v4  }
0x19b: {  	v4 =	vld [tilespmem:s26+$0x30];
	_ =	sdelay $0x3  }
0x19c: {  	v63 =	vsel vm0, $0x0, v5  }
0x19d: {  	s0 =	sadd.s32 $0x1, s0;
	v3 =	vsel vm1, v3, v63;
	v4 =	vmul.f32 v4, v5  }
0x19e: {  	p0 =	sne.s32 s0, $0xFA;
	[tilespmem:s8+$0x40] =	vst v3  }
.Ltmp4:
0x19f: {  	[tilespmem:s8+$0x30] =	vst v4;
	(pc) =	sbr.rel @p0 .LBB2_8-.Ltmp4, $4  }
0x1a0: {  	[spmem:s2] =	stream.indirect.scatter.add.f32 [tilespmem:s20], [sflag:$0x2], $0x90, s15, s15, $0xb8;
	[tilespmem:$0x1EB90] =	vst v63  }
0x1a1: {  	_ =	swait.ge [sflag:s14], $0x2D00  }
0x1a2: {  	[sflag:s14] =	ssyncset.done $0x0  }
0x1a3: {  	[sflag:s14] =	ssyncadd.s32 $0xFFFFD300  }
0x1a4: {  	[bflag:$0x0] =	sbarrier.arrive $0xFFFF  }
0x1a5: {  	s0 =	rddreg [dreg:$0xd]  }
0x1a6: {  	s3 =	rddreg [dreg:$0x1d]  }
0x1a7: {  	[hbm:s0], [sflag:s22] =	dma.local [spmem:s3], $0x5A0  }
0x1a8: {  	_ =	swait.ge [sflag:s14], $0x5A0  }
0x1a9: {  	[sflag:s14] =	ssyncset.done $0x0;
	s8 =	rddreg [dreg:$0xe]  }
0x1aa: {  	s10 =	rddreg [dreg:$0x1e];
	[sflag:s14] =	ssyncadd.s32 $0xFFFFFA60  }
0x1ab: {  	[hbm:s8], [sflag:s22] =	dma.local [spmem:s10], $0x5A0  }
0x1ac: {  	_ =	swait.ge [sflag:s14], $0x5A0  }
0x1ad: {  	[sflag:s14] =	ssyncset.done $0x0;
	s11 =	rddreg [dreg:$0xf]  }
0x1ae: {  	s23 =	rddreg [dreg:$0x1f];
	[sflag:s14] =	ssyncadd.s32 $0xFFFFFA60  }
0x1af: {  	[hbm:s11], [sflag:s22] =	dma.local [spmem:s23], $0x5A0  }
0x1b0: {  	_ =	swait.ge [sflag:s14], $0x5A0  }
0x1b1: {  	s25 =	sld [smem:$0x7FD]  }
0x1b2: {  	[sflag:s14] =	ssyncset.done $0x0  }
0x1b3: {  	s24 =	rddreg [dreg:$0x10];
	[sflag:s14] =	ssyncadd.s32 $0xFFFFFA60  }
0x1b4: {  	[hbm:s24], [sflag:s22] =	dma.local [spmem:s25], $0x5A0  }
0x1b5: {  	_ =	swait.ge [sflag:s14], $0x5A0  }
0x1b6: {  	[sflag:s14] =	ssyncset.done $0x0  }
0x1b7: {  	s26 =	rddreg [dreg:$0x11];
	[sflag:s14] =	ssyncadd.s32 $0xFFFFFA60  }
0x1b8: {  	[hbm:s26], [sflag:s22] =	dma.local [spmem:s28], $0x5A0  }
0x1b9: {  	_ =	swait.ge [sflag:s14], $0x5A0  }
0x1ba: {  	[sflag:s14] =	ssyncset.done $0x0  }
0x1bb: {  	s28 =	rddreg [dreg:$0x12];
	[sflag:s14] =	ssyncadd.s32 $0xFFFFFA60  }
0x1bc: {  	[hbm:s28], [sflag:s22] =	dma.local [spmem:s29], $0x5A0  }
0x1bd: {  	_ =	swait.ge [sflag:s14], $0x5A0  }
0x1be: {  	[sflag:s14] =	ssyncset.done $0x0  }
0x1bf: {  	s29 =	rddreg [dreg:$0x13];
	[sflag:s14] =	ssyncadd.s32 $0xFFFFFA60  }
0x1c0: {  	[hbm:s29], [sflag:s22] =	dma.local [spmem:s30], $0x5A0  }
0x1c1: {  	_ =	swait.ge [sflag:s14], $0x5A0  }
0x1c2: {  	[sflag:s14] =	ssyncset.done $0x0  }
0x1c3: {  	s30 =	rddreg [dreg:$0x14];
	[sflag:s14] =	ssyncadd.s32 $0xFFFFFA60  }
0x1c4: {  	[hbm:s30], [sflag:s22] =	dma.local [spmem:s31], $0x5A0  }
0x1c5: {  	_ =	swait.ge [sflag:s14], $0x5A0  }
0x1c6: {  	s21 =	sadd.s32 $0x1, s21;
	s31 =	rddreg [dreg:$0x15]  }
0x1c7: {  	p0 =	sne.s32 s21, s31  }
.Ltmp5:
0x1c8: {  	_ = 	snop;
	(pc) =	sbr.rel @p0 .LBB2_1-.Ltmp5, $4  }
0x1c9: {  	[sflag:s14] =	ssyncset.done $0x0  }
0x1ca: {  	[sflag:s14] =	ssyncadd.s32 $0xFFFFFA60  }
0x1cb: {  	[bflag:$0x0] =	sbarrier.arrive $0xFFFF  }
0x1cc: {  	s23 =	rddreg [dreg:$0x4]  }
0x1cd: {  	_ =	sfence.sel $0x180000  }
0x1ce: {  	[bflag:$0x0] =	sbarrier.arrive $0xFFFF  }
0x1cf: {  	_ =	strace $0x9000004A  }
0x1d0: {  	s0 =	stileid.u32;
	[bflag:$0x2] =	sbarrier.arrive $0xFFFF  }
0x1d1: {  	p0 =	sne.s32 s0, $0x0;
	s0 =	rddreg [dreg:$0x3]  }
0x1d2: {  	s0 =	sadd.s32 @!p0 $0x100000, s0  }
0x1d3: {  	[sflag:s0] =	ssyncadd.tile.s32 @!p0 $0x1;
	_ =	shalt  }
.Lfunc_end2:
_tile_overlayer_lowered:
.L_overlay_start_2:
0x1d4: {  	(tag) =	ssettag $0x2  }
0x1d5: {  	s0 =	rddreg [dreg:$0x0];
	s2 =	stileid.u32  }
0x1d6: {  	s1 =	rddreg [dreg:$0x1];
	p0 =	sne.s32 s2, $0x0  }
0x1d7: {  	s3 =	rddreg [dreg:$0x2];
	[bflag:$0x3] =	sbarrier.arrive $0xFFFF;
	s2 =	simm.s32 @!p0 $0x1C02  }
0x1d8: {  	[timem:s3], [sflag:s2] =	dma.local @!p0 [hbm:s0], s1  }
0x1d9: {  	s0 =	simm.s32 @!p0 $0x2  }
0x1da: {  	_ =	swait.ge @!p0 [sflag:s0], s1  }
0x1db: {  	s1 =	ssub.s32 @!p0 $0x0, s1;
	[sflag:s0] =	ssyncset.done @!p0 $0x0  }
0x1dc: {  	[sflag:s0] =	ssyncadd.s32 @!p0 s1  }
0x1dd: {  	[bflag:$0x3] =	sbarrier.arrive $0xFFFF  }
0x1de: {  	_ =	shalt  }

// kernel: kernel.14.cloned.1.call-start
scs
__scs_entry_jumppad:
0x0: {  	(pc) =	sbr.rel $0x88, $3  }
0x1: {  	(tag) =	ssettag $0x0;
	lr =	simm.s32 $0x1  }
0x2: {  	[smem:$0x3F99] =	sst lr;
	_ =	strace $0xD0000000  }
0x3: {  	_ = 	snop  }
0x4: {  	_ = 	snop  }
0x5: {  	_ = 	snop  }
0x6: {  	_ = 	snop  }
0x7: {  	_ = 	snop  }
__scs_overlays_trampoline_lowered:
0x8: {  	[smem:$0x3FA8] =	sst s0  }
0x9: {  	[smem:$0x3FA9] =	sst s1  }
0xa: {  	[smem:$0x3FAA] =	sst s2  }
0xb: {  	[smem:$0x3FAB] =	sst s3  }
0xc: {  	[smem:$0x3FAC] =	sst s4  }
0xd: {  	[smem:$0x3FAD] =	sst s5  }
0xe: {  	[smem:$0x3FAE] =	sst s6  }
0xf: {  	[smem:$0x3FAF] =	sst s7  }
0x10: {  	[smem:$0x3FB0] =	sst s8  }
0x11: {  	[smem:$0x3FB1] =	sst s9;
	s0 =	simm.s32 @!p0 $0x0  }
0x12: {  	s1 =	sld [smem:$0x3F97];
	s0 =	simm.s32 @p0 $0x1  }
0x13: {  	[smem:$0x3FB2] =	sst s0;
	s0 =	simm.s32 @!p1 $0x0  }
0x14: {  	s2 =	sld [smem:$0x3F96];
	s0 =	simm.s32 @p1 $0x1  }
0x15: {  	[smem:$0x3FB3] =	sst s0;
	s0 =	simm.s32 @!p2 $0x0  }
0x16: {  	s3 =	sld [smem:$0x3FDB];
	s0 =	simm.s32 @p2 $0x1  }
0x17: {  	s4 =	simm.s32 $0x1BF5;
	[smem:$0x3FB5] =	sst s0  }
0x18: {  	s0 =	sld [smem:$0x3F98];
	_ =	swait.ge [sflag:s4], $0x0  }
0x19: {  	s7 =	sld [smem:$0x3F99]  }
0x1a: {  	s8 =	sadd.s32 $0xFFFFE003, lr  }
0x1b: {  	s9 =	sadd.s32 $0xFFFFFEF7, lr;
	s5 =	simm.s32 $0xFFFFFFFF;
	p2 =	slt.u32 s8, $0xFFFFF086  }
0x1c: {  	p1 =	slt.u32 s9, $0xF7A;
	s5 =	simm.s32 @!p2 $0x0  }
0x1d: {  	s5 =	simm.s32 @p1 $0x1;
	p0 =	seq.s32 s7, s2  }
0x1e: {  	s7 =	smul.u32 @!p0 $0xF7A, s2;
	p2 =	seq.s32 @!p0 s5, $0x0  }
0x1f: {  	s9 =	smul.u32 $0xF7A, s1;
	s8 =	simm.s32 @!p0 $0x1BF5;
	p2 =	por !p2, p0  }
0x20: {  	[sflag:s8] =	ssyncset.s32 @!p0 $0xFFFFF086;
	s6 =	sadd.s32 @!p0 s3, s7;
	s7 =	simm.s32 @!p0 $0x108  }
0x21: {  	s3 =	sadd.s32 s3, s9;
	s6 =	sadd.s32 @!p0 $0x88, s6;
	s7 =	simm.s32 @p2 $0x1082  }
0x22: {  	[simem:s7], [sflag:s8] =	dma.local @!p0 [hbm:s6], $0xF7A  }
0x23: {  	s9 =	sor.u32 $0xD0000000, s2;
	s6 =	simm.s32 $0x108;
	_ =	swait.ge @!p0 [sflag:s8], $0x0  }
0x24: {  	s3 =	sadd.s32 $0x88, s3;
	s6 =	simm.s32 @!p1 $0x1082;
	[sflag:s4] =	ssyncset.s32 $0xFFFFF086  }
0x25: {  	[simem:s6], [sflag:s4] =	dma.local [hbm:s3], $0xF7A  }
0x26: {  	[smem:$0x3F99] =	sst s1;
	(tag) =	ssettag s2;
	_ =	strace s9  }
0x27: {  	s1 =	sld [smem:$0x3FA9]  }
0x28: {  	s2 =	sld [smem:$0x3FAA]  }
0x29: {  	s4 =	sld [smem:$0x3FAC]  }
0x2a: {  	p0 =	seq.s32 s5, $0x0;
	s5 =	sld [smem:$0x3FAD]  }
0x2b: {  	s6 =	sld [smem:$0x3FAE]  }
0x2c: {  	s7 =	sld [smem:$0x3FAF]  }
0x2d: {  	s3 =	simm.s32 $0x108;
	s8 =	sld [smem:$0x3FB0]  }
0x2e: {  	s3 =	simm.s32 @!p0 $0x1082;
	s9 =	sld [smem:$0x3FB1]  }
0x2f: {  	lr =	sadd.s32 s0, s3;
	s0 =	sld [smem:$0x3FA8]  }
0x30: {  	s3 =	sld [smem:$0x3FAB]  }
0x31: {  	[smem:$0x3FB4] =	sst s10  }
0x32: {  	s10 =	sld [smem:$0x3FB2];
	_ =	sdelay $0x3  }
0x33: {  	p0 =	seq.s32 s10, $0x1;
	s10 =	sld [smem:$0x3FB4];
	_ =	sdelay $0x3  }
0x34: {  	[smem:$0x3FB4] =	sst s10  }
0x35: {  	s10 =	sld [smem:$0x3FB3];
	_ =	sdelay $0x3  }
0x36: {  	p1 =	seq.s32 s10, $0x1;
	s10 =	sld [smem:$0x3FB4];
	_ =	sdelay $0x3  }
0x37: {  	[smem:$0x3FB4] =	sst s10  }
0x38: {  	s10 =	sld [smem:$0x3FB5]  }
0x39: {  	_ = 	snop;
	(pc) =	sbr.ind lr, $3  }
0x3a: {  	_ = 	snop  }
0x3b: {  	_ = 	snop  }
0x3c: {  	p2 =	seq.s32 s10, $0x1;
	s10 =	sld [smem:$0x3FB4]  }
0x3d: {  	_ =	shalt  }
0x3e: {  	_ =	shalt  }
0x3f: {  	_ =	shalt  }
0x40: {  	_ =	shalt  }
0x41: {  	_ =	shalt  }
0x42: {  	_ =	shalt  }
0x43: {  	_ =	shalt  }
0x44: {  	_ =	shalt  }
0x45: {  	_ =	shalt  }
0x46: {  	_ =	shalt  }
0x47: {  	_ =	shalt  }
0x48: {  	_ =	shalt  }
0x49: {  	_ =	shalt  }
0x4a: {  	_ =	shalt  }
0x4b: {  	_ =	shalt  }
0x4c: {  	_ =	shalt  }
0x4d: {  	_ =	shalt  }
0x4e: {  	_ =	shalt  }
0x4f: {  	_ =	shalt  }
0x50: {  	_ =	shalt  }
0x51: {  	_ =	shalt  }
0x52: {  	_ =	shalt  }
0x53: {  	_ =	shalt  }
0x54: {  	_ =	shalt  }
0x55: {  	_ =	shalt  }
0x56: {  	_ =	shalt  }
0x57: {  	_ =	shalt  }
0x58: {  	_ =	shalt  }
0x59: {  	_ =	shalt  }
0x5a: {  	_ =	shalt  }
0x5b: {  	_ =	shalt  }
0x5c: {  	_ =	shalt  }
0x5d: {  	_ =	shalt  }
0x5e: {  	_ =	shalt  }
0x5f: {  	_ =	shalt  }
0x60: {  	_ =	shalt  }
0x61: {  	_ =	shalt  }
0x62: {  	_ =	shalt  }
0x63: {  	_ =	shalt  }
0x64: {  	_ =	shalt  }
0x65: {  	_ =	shalt  }
0x66: {  	_ =	shalt  }
0x67: {  	_ =	shalt  }
0x68: {  	_ =	shalt  }
0x69: {  	_ =	shalt  }
0x6a: {  	_ =	shalt  }
0x6b: {  	_ =	shalt  }
0x6c: {  	_ =	shalt  }
0x6d: {  	_ =	shalt  }
0x6e: {  	_ =	shalt  }
0x6f: {  	_ =	shalt  }
0x70: {  	_ =	shalt  }
0x71: {  	_ =	shalt  }
0x72: {  	_ =	shalt  }
0x73: {  	_ =	shalt  }
0x74: {  	_ =	shalt  }
0x75: {  	_ =	shalt  }
0x76: {  	_ =	shalt  }
0x77: {  	_ =	shalt  }
0x78: {  	_ =	shalt  }
0x79: {  	_ =	shalt  }
0x7a: {  	_ =	shalt  }
0x7b: {  	_ =	shalt  }
0x7c: {  	_ =	shalt  }
0x7d: {  	_ =	shalt  }
0x7e: {  	_ =	shalt  }
0x7f: {  	_ =	shalt  }
0x80: {  	_ =	shalt  }
0x81: {  	_ =	shalt  }
0x82: {  	_ =	shalt  }
0x83: {  	_ =	shalt  }
0x84: {  	_ =	shalt  }
0x85: {  	_ =	shalt  }
0x86: {  	_ =	shalt  }
0x87: {  	_ =	shalt  }
.Lfunc_end0:
.L_simem_size_0:
called_computation.2_lowered:
.L_overlay_start_0:
0x88: {  	s2 =	sld [smem:$0x3FD9]  }
0x89: {  	s3 =	sld [smem:$0x3FFE];
	_ =	sdelay $0x1  }
0x8a: {  	s1 =	srdreg.scid  }
0x8b: {  	s0 =	sand.u32 $0x1, s1  }
0x8c: {  	s17 =	sshll.u32 s0, $0xA;
	s2 =	sadd.s32 s3, s2  }
0x8d: {  	s2 =	sadd.s32 s2, s17  }
0x8e: {  	[smem:$0x3FC0] =	sst s2  }
0x8f: {  	_ = 	snop  }
0x90: {  	s2 =	sld [smem:$0x3FD0];
	(tm) =	ssettm $0x1  }
0x91: {  	s18 =	sld [smem:$0x3FFB];
	_ =	sdelay $0x3  }
0x92: {  	_ =	strace s18  }
0x93: {  	s3 =	sld [smem:$0x3FFC];
	_ =	sdelay $0x3  }
0x94: {  	_ =	strace s3  }
0x95: {  	s3 =	sld [smem:$0x3FFD];
	_ =	sdelay $0x3  }
0x96: {  	_ =	strace s3  }
0x97: {  	_ =	strace $0x8FFFFFFF  }
0x98: {  	s19 =	sld [smem:$0x3FDB];
	_ =	sdelay $0x1  }
0x99: {  	s4 =	simm.s32 $_scs_section_size  }
0x9a: {  	s5 =	simm.s32 $_size__tile_overlayer_lowered;
	s6 =	simm.s32 $_tile_overlayer_lowered  }
0x9b: {  	s22 =	simm.s32 $0x1BFF;
	s21 =	sshll.u32 s6, $0x1;
	s3 =	sadd.s32 s4, s19  }
0x9c: {  	s7 =	simm.s32 $0x0;
	s20 =	sshll.u32 s5, $0x1;
	s5 =	sadd.s32 s21, s3  }
0x9d: {  	[timem:s7], [sflag:s22] =	dma.local [hbm:s5], s20  }
0x9e: {  	_ =	swait.ge [sflag:s22], s20  }
0x9f: {  	s4 =	ssub.s32 $0x0, s20;
	[sflag:s22] =	ssyncset.done $0x0  }
0xa0: {  	[sflag:s22] =	ssyncadd.s32 s4;
	_ =	sdelay $0x1  }
0xa1: {  	s23 =	simm.s32 $0x1B8B  }
0xa2: {  	_ =	swait.ge [sflag:s23], $0x1  }
0xa3: {  	[sflag:s23] =	ssyncset.done $0x0  }
0xa4: {  	s25 =	simm.s32 $0x1B8E;
	s24 =	sld [smem:$0x3FFE];
	[sflag:s23] =	ssyncadd.s32 $0xFFFFFFFF  }
0xa5: {  	s26 =	simm.s32 $execute0_lowered;
	[smem:$0x3FD2] =	sst s25  }
0xa6: {  	s5 =	sshll.u32 s26, $0x1;
	_ =	strace $0x8000004C;
	[dreg:$0x1] =	wrdreg $0xFFFFFFFF  }
0xa7: {  	s28 =	simm.s32 $_size_execute0_lowered;
	s3 =	sadd.s32 s3, s5;
	[dreg:$0x0] =	wrdreg $0x0  }
0xa8: {  	s5 =	sshll.u32 s28, $0x1;
	[dreg:$0x2] =	wrdreg s3  }
0xa9: {  	[dreg:$0x3] =	wrdreg s5  }
0xaa: {  	[dreg:$0x4] =	wrdreg $0xC0  }
0xab: {  	_ =	task [dreg:s7], $0x5FFFF  }
0xac: {  	[dreg:$0x1] =	wrdreg $0xFFFFFFFF  }
0xad: {  	[dreg:$0x0] =	wrdreg $0x60  }
0xae: {  	[dreg:$0x2] =	wrdreg s24  }
0xaf: {  	[dreg:$0x3] =	wrdreg s2  }
0xb0: {  	[dreg:$0x4] =	wrdreg $0x7DF00  }
0xb1: {  	[dreg:$0x5] =	wrdreg $0x9  }
0xb2: {  	_ =	task.clear_ibuf [dreg:s7], $0x6FFFF;
	_ =	strace $0x9000004C  }
0xb3: {  	s29 =	simm.s32 $0x9;
	_ =	strace $0x8000004E  }
0xb4: {  	_ =	swait.ge [sflag:s29], $0x1  }
0xb5: {  	[sflag:s29] =	ssyncadd.s32 $0xFFFFFFFF  }
0xb6: {  	_ =	strace $0x9000004E  }
0xb7: {  	_ =	sfence  }
0xb8: {  	s30 =	sld [smem:$0x0];
	_ =	sdelay $0x2  }
0xb9: {  	s31 =	sshll.u32 s1, $0xD;
	s1 =	sshrl.u32 s1, $0x2  }
0xba: {  	s3 =	sand.u32 $0x4000, s31;
	s1 =	sadd.s32 s1, s30  }
0xbb: {  	s0 =	sor.u32 s3, s0;
	s1 =	sshll.u32 s1, $0x11  }
0xbc: {  	s0 =	sor.u32 s1, s0  }
0xbd: {  	s0 =	sadd.s32 $0x8F2B, s0  }
0xbe: {  	[sflag:s0] =	ssyncadd.remote.s32 $0x1  }
0xbf: {  	_ =	sfence.sel $0xFFFF  }
0xc0: {  	[dreg:$0x0] =	wrdreg $0xFFFFFFFF;
	(pc) =	sbr.abs _section_cstart, $3  }
0xc1: {  	[dreg:$0x1] =	wrdreg $0xFFFFFFFF  }
0xc2: {  	_ =	task.clear_ibuf [dreg:s7], $0x2FFFF;
	_ =	strace $0x9FFFFFFF  }
0xc3: {  	(tm) =	ssettm $0x7FFFFFFF  }
tec
execute0_lowered:
.L_overlay_start_1:
0x0: {  	(tag) =	ssettag $0x1  }
0x1: {  	s0 =	rddreg [dreg:$0x0]  }
0x2: {  	s1 =	rddreg [dreg:$0x1]  }
0x3: {  	s2 =	rddreg [dreg:$0x2];
	s4 =	simm.s32 $0x0;
	s13 =	stileid.u32  }
0x4: {  	s18 =	srdreg.scid;
	s28 =	simm.s32 $0x2;
	s29 =	simm.s32 $0x2800  }
0x5: {  	s30 =	simm.s32 $0x6EF0;
	s31 =	simm.s32 $0x5000;
	s6 =	smul.u32 $0x280, s13  }
0x6: {  	[smem:$0x7FF] =	sst s4;
	s5 =	sadd.s32 $0xAA00, s0;
	s19 =	smul.u32 $0x1E000, s13  }
0x7: {  	s3 =	sadd.s32 $0x1A000, s0;
	s7 =	sadd.s32 $0x19A00, s0;
	s16 =	smul.u32 $0x2710, s13  }
0x8: {  	_ =	strace $0x8000004D;
	[dreg:$0x4] =	wrdreg s3;
	s3 =	sand.u32 $0x1, s18  }
0x9: {  	s8 =	sadd.s32 $0xC00, s0;
	s0 =	sadd.s32 $0x1A600, s0;
	s11 =	smul.u32 $0x2800, s3  }
0xa: {  	[dreg:$0x5] =	wrdreg s7;
	s18 =	simm.s32 $0x5FF0;
	s10 =	ssub.s32 $0x2, s3  }
0xb: {  	s7 =	sshrl.u32 s19, $0x2;
	s3 =	smul.u32 $0x27100, s3;
	s6 =	sadd.s32 s6, s11  }
0xc: {  	s12 =	sshrl.u32 s10, $0x1;
	s9 =	sadd.s32 s7, s2;
	s14 =	smul.u32 $0x30, s6  }
0xd: {  	s7 =	simm.s32 $0x1;
	s20 =	ssub.s32 s10, s12;
	s6 =	smul.u32 $0x6, s6  }
0xe: {  	s10 =	sadd.s32 $0xF00, s9;
	s11 =	sadd.s32 $0x1E00, s9;
	s17 =	sshrl.u32 s14, $0x3  }
0xf: {  	s12 =	sadd.s32 $0x2D00, s9;
	s17 =	sadd.s32 s0, s17;
	s0 =	sadd.s32 s0, s6  }
0x10: {  	s13 =	sadd.s32 $0x3C00, s9;
	[dreg:$0x6] =	wrdreg s0;
	s21 =	sadd.s32 $0x1E0, s17  }
0x11: {  	s15 =	sadd.s32 $0x5A00, s9;
	s22 =	sadd.s32 $0x3C0, s17;
	[dreg:$0x7] =	wrdreg s21  }
0x12: {  	s16 =	sadd.s32 s16, s3;
	s23 =	sadd.s32 $0x5A0, s17;
	[dreg:$0x8] =	wrdreg s22  }
0x13: {  	s3 =	simm.s32 $0x50;
	s24 =	sadd.s32 $0x780, s17;
	[dreg:$0x9] =	wrdreg s23  }
0x14: {  	s14 =	sadd.s32 $0x4B00, s9;
	s25 =	sadd.s32 $0x960, s17;
	[dreg:$0xa] =	wrdreg s24  }
0x15: {  	s6 =	simm.s32 $0x50F0;
	s26 =	sadd.s32 $0xB40, s17;
	[dreg:$0xb] =	wrdreg s25  }
0x16: {  	s0 =	simm.s32 $0x5050;
	[dreg:$0xc] =	wrdreg s26;
	s24 =	sadd.s32 $0xD20, s17  }
0x17: {  	v0 =	vimm.f32 $0.0e+00;
	s25 =	smax.u32 s20, $0x1;
	s26 =	sadd.s32 $0x6900, s9;
	s17 =	simm.s32 $0x50A0  }
.LBB2_1:
0x18: {  	s19 =	simm.s32 $0x0  }
0x19: {  	[tilespmem:s19+$0x6010] =	vst v0  }
0x1a: {  	[tilespmem:s19+$0x6EF0] =	vst v0  }
0x1b: {  	[tilespmem:s19+$0x5FF0] =	vst v0  }
0x1c: {  	[tilespmem:s19+$0x6F00] =	vst v0  }
0x1d: {  	s20 =	simm.s32 $0xC0;
	[tilespmem:s19+$0x6000] =	vst v0  }
.LBB2_2:
0x1e: {  	p0 =	sne.s32 s20, $0x3B40;
	[tilespmem:s19+$0x6F10] =	vst v0;
	s19 =	sshra.s32 s20, $0x2;
	s20 =	sadd.s32 $0xC0, s20  }
.Ltmp0:
0x1f: {  	[tilespmem:s19+$0x6010] =	vst v0;
	(pc) =	sbr.rel @p0 .LBB2_2-.Ltmp0, $4  }
0x20: {  	[tilespmem:s19+$0x6EF0] =	vst v0  }
0x21: {  	[tilespmem:s19+$0x5FF0] =	vst v0  }
0x22: {  	[tilespmem:s19+$0x6F00] =	vst v0  }
0x23: {  	[tilespmem:s19+$0x6000] =	vst v0  }
0x24: {  	[tilespmem:s19+$0x6F10] =	vst v0;
	s19 =	simm.s32 $0x0;
	s20 =	rddreg [dreg:$0x4]  }
0x25: {  	[tilespmem:s19], [sflag:$0x2] =	stream.linear.gather [hbm4b:s20+s19], $0x2800, $0x38;
	[tilespmem:$0xF5F0] =	vst v63  }
0x26: {  	_ =	swait.ge [sflag:s28], $0x2800  }
0x27: {  	[sflag:s28] =	ssyncset.done $0x0  }
0x28: {  	s23 =	rddreg [dreg:$0x5];
	[sflag:s28] =	ssyncadd.s32 $0xFFFFD800  }
0x29: {  	[tilespmem:s29], [sflag:$0x2] =	stream.linear.gather [hbm4b:s23+s19], $0x2800, $0x38;
	[tilespmem:$0xF5F0] =	vst v63  }
0x2a: {  	_ =	swait.ge [sflag:s28], $0x2800  }
0x2b: {  	[sflag:s28] =	ssyncset.done $0x0  }
0x2c: {  	[sflag:s28] =	ssyncadd.s32 $0xFFFFD800  }
0x2d: {  	[spmem:s9] =	stream.linear.scatter [tilespmem:s30], [sflag:$0x2], $0xF00, $0x38;
	[tilespmem:$0xF5F0] =	vst v63  }
0x2e: {  	_ =	swait.ge [sflag:s28], $0xF00  }
0x2f: {  	[sflag:s28] =	ssyncset.done $0x0  }
0x30: {  	[sflag:s28] =	ssyncadd.s32 $0xFFFFF100  }
0x31: {  	[spmem:s10] =	stream.linear.scatter [tilespmem:s30], [sflag:$0x2], $0xF00, $0x38;
	[tilespmem:$0xF5F0] =	vst v63  }
0x32: {  	_ =	swait.ge [sflag:s28], $0xF00  }
0x33: {  	[sflag:s28] =	ssyncset.done $0x0  }
0x34: {  	[sflag:s28] =	ssyncadd.s32 $0xFFFFF100  }
0x35: {  	[spmem:s11] =	stream.linear.scatter [tilespmem:s30], [sflag:$0x2], $0xF00, $0x38;
	[tilespmem:$0xF5F0] =	vst v63  }
0x36: {  	_ =	swait.ge [sflag:s28], $0xF00  }
0x37: {  	[sflag:s28] =	ssyncset.done $0x0  }
0x38: {  	[sflag:s28] =	ssyncadd.s32 $0xFFFFF100  }
0x39: {  	[spmem:s12] =	stream.linear.scatter [tilespmem:s30], [sflag:$0x2], $0xF00, $0x38;
	[tilespmem:$0xF5F0] =	vst v63  }
0x3a: {  	_ =	swait.ge [sflag:s28], $0xF00  }
0x3b: {  	[sflag:s28] =	ssyncset.done $0x0  }
0x3c: {  	[sflag:s28] =	ssyncadd.s32 $0xFFFFF100  }
0x3d: {  	[spmem:s13] =	stream.linear.scatter [tilespmem:s30], [sflag:$0x2], $0xF00, $0x38;
	[tilespmem:$0xF5F0] =	vst v63  }
0x3e: {  	_ =	swait.ge [sflag:s28], $0xF00  }
0x3f: {  	[sflag:s28] =	ssyncset.done $0x0  }
0x40: {  	[sflag:s28] =	ssyncadd.s32 $0xFFFFF100  }
0x41: {  	[spmem:s14] =	stream.linear.scatter [tilespmem:s30], [sflag:$0x2], $0xF00, $0x38;
	[tilespmem:$0xF5F0] =	vst v63  }
0x42: {  	_ =	swait.ge [sflag:s28], $0xF00  }
0x43: {  	[sflag:s28] =	ssyncset.done $0x0  }
0x44: {  	[sflag:s28] =	ssyncadd.s32 $0xFFFFF100  }
0x45: {  	[spmem:s15] =	stream.linear.scatter [tilespmem:s30], [sflag:$0x2], $0xF00, $0x38;
	[tilespmem:$0xF5F0] =	vst v63  }
0x46: {  	_ =	swait.ge [sflag:s28], $0xF00  }
0x47: {  	[sflag:s28] =	ssyncset.done $0x0  }
0x48: {  	[sflag:s28] =	ssyncadd.s32 $0xFFFFF100  }
0x49: {  	[spmem:s26] =	stream.linear.scatter [tilespmem:s30], [sflag:$0x2], $0xF00, $0x38;
	[tilespmem:$0xF5F0] =	vst v63  }
0x4a: {  	_ =	swait.ge [sflag:s28], $0xF00  }
0x4b: {  	[sflag:s28] =	ssyncset.done $0x0  }
0x4c: {  	[sflag:s28] =	ssyncadd.s32 $0xFFFFF100  }
0x4d: {  	s20 =	simm.s32 $0x0;
	[bflag:$0x0] =	sbarrier.arrive $0xFFFF  }
.LBB2_4:
0x4e: {  	s21 =	smul.u32 $0x50, s20;
	_ =	sdelay $0x1  }
0x4f: {  	s21 =	sadd.s32 s21, s16  }
0x50: {  	s21 =	sshrl.u32 s21, $0x3  }
0x51: {  	s22 =	sadd.s32 s8, s21  }
0x52: {  	[tilespmem:s31], [sflag:$0x2] =	stream.linear.gather [hbm4b:s22+s19], $0x50, $0x38;
	[tilespmem:$0xF5F0] =	vst v63  }
0x53: {  	_ =	swait.ge [sflag:s28], $0x50  }
0x54: {  	[sflag:s28] =	ssyncset.done $0x0  }
0x55: {  	s21 =	sadd.s32 s1, s21;
	[sflag:s28] =	ssyncadd.s32 $0xFFFFFFB0  }
0x56: {  	[tilespmem:s0], [sflag:$0x2] =	stream.linear.gather [hbm4b:s21+s19], $0x50, $0x38;
	[tilespmem:$0xF5F0] =	vst v63  }
0x57: {  	_ =	swait.ge [sflag:s28], $0x50  }
0x58: {  	[sflag:s28] =	ssyncset.done $0x0  }
0x59: {  	[sflag:s28] =	ssyncadd.s32 $0xFFFFFFB0  }
0x5a: {  	[tilespmem:s6], [sflag:$0x1] =	stream.indirect.gather [hbm4b:s5+s3], $0x30, s31, s3, $0xb8;
	[tilespmem:$0xF5F0] =	vst v63  }
0x5b: {  	v1 =	vld [tilespmem:$0x5000]  }
0x5c: {  	v2 =	vld [tilespmem:$0x5050];
	_ =	sdelay $0x6  }
0x5d: {  	v1 =	vld.idx.msk [tilespmem:v1+s19+$0x0], $0xffff  }
0x5e: {  	v2 =	vld.idx.msk [tilespmem:v2+s29+$0x0], $0xffff;
	_ =	sdelay $0x4  }
0x5f: {  	v1 =	vadd.f32 v2, v1;
	_ =	sdelay $0x1  }
0x60: {  	v2 =	vmul.f32 $2.000000030e-01, v1  }
0x61: {  	vm0 =	vgt.f32 v1, $0.0e+00  }
0x62: {  	v1 =	vsel vm0, v1, v2  }
0x63: {  	v1 =	vmul.f32 $1.442695020e+00, v1;
	_ =	sdelay $0x1  }
0x64: {  	(erf) = vpow2.f32 v1;
	_ =	sdelay $0x2  }
0x65: {  	v1 =	vld [tilespmem:$0x5010]  }
0x66: {  	v2 =	vld [tilespmem:$0x5060];
	_ =	sdelay $0x4  }
0x67: {  	v3 =	vpop (erf)  }
0x68: {  	[tilespmem:$0x50A0] =	vst v3  }
0x69: {  	v1 =	vld.idx.msk [tilespmem:v1+s19+$0x0], $0xffff  }
0x6a: {  	v2 =	vld.idx.msk [tilespmem:v2+s29+$0x0], $0xffff;
	_ =	sdelay $0x4  }
0x6b: {  	v1 =	vadd.f32 v2, v1;
	_ =	sdelay $0x1  }
0x6c: {  	v2 =	vmul.f32 $2.000000030e-01, v1  }
0x6d: {  	vm12 =	vgt.f32 v1, $0.0e+00  }
0x6e: {  	v1 =	vsel vm12, v1, v2  }
0x6f: {  	v1 =	vmul.f32 $1.442695020e+00, v1;
	_ =	sdelay $0x1  }
0x70: {  	(erf) = vpow2.f32 v1;
	_ =	sdelay $0x2  }
0x71: {  	v1 =	vld [tilespmem:$0x5020]  }
0x72: {  	v2 =	vld [tilespmem:$0x5070];
	_ =	sdelay $0x4  }
0x73: {  	v3 =	vpop (erf)  }
0x74: {  	[tilespmem:$0x50B0] =	vst v3  }
0x75: {  	v1 =	vld.idx.msk [tilespmem:v1+s19+$0x0], $0xffff  }
0x76: {  	v2 =	vld.idx.msk [tilespmem:v2+s29+$0x0], $0xffff;
	_ =	sdelay $0x4  }
0x77: {  	v1 =	vadd.f32 v2, v1;
	_ =	sdelay $0x1  }
0x78: {  	v2 =	vmul.f32 $2.000000030e-01, v1  }
0x79: {  	vm13 =	vgt.f32 v1, $0.0e+00  }
0x7a: {  	v1 =	vsel vm13, v1, v2  }
0x7b: {  	v1 =	vmul.f32 $1.442695020e+00, v1;
	_ =	sdelay $0x1  }
0x7c: {  	(erf) = vpow2.f32 v1;
	_ =	sdelay $0x2  }
0x7d: {  	v1 =	vld [tilespmem:$0x5030]  }
0x7e: {  	v2 =	vld [tilespmem:$0x5080];
	_ =	sdelay $0x4  }
0x7f: {  	v3 =	vpop (erf)  }
0x80: {  	[tilespmem:$0x50C0] =	vst v3  }
0x81: {  	v1 =	vld.idx.msk [tilespmem:v1+s19+$0x0], $0xffff  }
0x82: {  	v2 =	vld.idx.msk [tilespmem:v2+s29+$0x0], $0xffff;
	_ =	sdelay $0x4  }
0x83: {  	v1 =	vadd.f32 v2, v1;
	_ =	sdelay $0x1  }
0x84: {  	v2 =	vmul.f32 $2.000000030e-01, v1  }
0x85: {  	vm14 =	vgt.f32 v1, $0.0e+00  }
0x86: {  	v1 =	vsel vm14, v1, v2  }
0x87: {  	v1 =	vmul.f32 $1.442695020e+00, v1;
	_ =	sdelay $0x1  }
0x88: {  	(erf) = vpow2.f32 v1;
	_ =	sdelay $0x2  }
0x89: {  	v1 =	vld [tilespmem:$0x5040]  }
0x8a: {  	v2 =	vld [tilespmem:$0x5090];
	_ =	sdelay $0x4  }
0x8b: {  	v3 =	vpop (erf)  }
0x8c: {  	[tilespmem:$0x50D0] =	vst v3  }
0x8d: {  	v1 =	vld.idx.msk [tilespmem:v1+s19+$0x0], $0xffff  }
0x8e: {  	v2 =	vld.idx.msk [tilespmem:v2+s29+$0x0], $0xffff;
	_ =	sdelay $0x4  }
0x8f: {  	v1 =	vadd.f32 v2, v1;
	_ =	sdelay $0x1  }
0x90: {  	v2 =	vmul.f32 $2.000000030e-01, v1  }
0x91: {  	vm15 =	vgt.f32 v1, $0.0e+00  }
0x92: {  	v1 =	vsel vm15, v1, v2  }
0x93: {  	v1 =	vmul.f32 $1.442695020e+00, v1;
	_ =	sdelay $0x1  }
0x94: {  	(erf) = vpow2.f32 v1;
	_ =	sdelay $0x8  }
0x95: {  	v2 =	vmov s19;
	v1 =	vpop (erf)  }
0x96: {  	[tilespmem:$0x50E0] =	vst v1  }
0x97: {  	_ =	swait.ge [sflag:s7], $0xF00  }
0x98: {  	[sflag:s7] =	ssyncset.done $0x0  }
0x99: {  	[sflag:s7] =	ssyncadd.s32 $0xFFFFF100  }
0x9a: {  	s21 =	simm.s32 $0x5100;
	v1 =	vld.idx.msk [tilespmem:v2+s17+$0x0], $0xffff  }
0x9b: {  	v2 =	vld [tilespmem:s21+$0xFFFFFFF0];
	_ =	sdelay $0x4  }
0x9c: {  	v2 =	vmul.f32 v2, v1  }
0x9d: {  	s22 =	simm.s32 $0x6000  }
0x9e: {  	[tilespmem:s22+$0xFFFFFFF0] =	vst v2  }
0x9f: {  	v2 =	vld [tilespmem:s21+$0x0];
	_ =	sdelay $0x4  }
0xa0: {  	v2 =	vmul.f32 v2, v1;
	_ =	sdelay $0x1  }
0xa1: {  	[tilespmem:s22+$0x0] =	vst v2  }
0xa2: {  	v3 =	vld [tilespmem:s21+$0x10];
	_ =	sdelay $0x1  }
0xa3: {  	s23 =	simm.s32 $0x1  }
0xa4: {  	v2 =	vmov s23;
	s23 =	simm.s32 $0x2  }
.LBB2_5:
0xa5: {  	p0 =	sne.s32 s23, $0x4F  }
0xa6: {  	v1 =	vmul.f32 v3, v1;
	_ =	sdelay $0x1  }
0xa7: {  	[tilespmem:s22+$0x10] =	vst v1  }
0xa8: {  	s21 =	sadd.s32 $0x30, s21;
	v1 =	vld.idx.msk [tilespmem:v2+s17+$0x0], $0xffff  }
0xa9: {  	v2 =	vld [tilespmem:s21+$0xFFFFFFF0];
	_ =	sdelay $0x4  }
0xaa: {  	v2 =	vmul.f32 v2, v1  }
0xab: {  	s22 =	sadd.s32 $0x30, s22  }
0xac: {  	[tilespmem:s22+$0xFFFFFFF0] =	vst v2  }
0xad: {  	v2 =	vld [tilespmem:s21+$0x0];
	_ =	sdelay $0x4  }
0xae: {  	v2 =	vmul.f32 v2, v1;
	_ =	sdelay $0x1  }
.Ltmp1:
0xaf: {  	[tilespmem:s22+$0x0] =	vst v2;
	(pc) =	sbr.rel @p0 .LBB2_5-.Ltmp1, $2  }
0xb0: {  	v3 =	vld [tilespmem:s21+$0x10];
	_ =	sdelay $0x2  }
0xb1: {  	v2 =	vmov s23;
	s23 =	sadd.s32 $0x1, s23  }
0xb2: {  	_ = 	snop  }
0xb3: {  	v1 =	vmul.f32 v3, v1;
	_ =	sdelay $0x1  }
0xb4: {  	[tilespmem:s22+$0x10] =	vst v1  }
0xb5: {  	s21 =	sadd.s32 $0x30, s21;
	v1 =	vld.idx.msk [tilespmem:v2+s17+$0x0], $0xffff  }
0xb6: {  	v2 =	vld [tilespmem:s21+$0xFFFFFFF0];
	_ =	sdelay $0x4  }
0xb7: {  	v2 =	vmul.f32 v2, v1  }
0xb8: {  	s23 =	sadd.s32 $0x30, s22  }
0xb9: {  	[tilespmem:s23+$0xFFFFFFF0] =	vst v2  }
0xba: {  	v2 =	vld [tilespmem:s21+$0x0];
	_ =	sdelay $0x4  }
0xbb: {  	v2 =	vmul.f32 v2, v1;
	_ =	sdelay $0x1  }
0xbc: {  	[tilespmem:s23+$0x0] =	vst v2  }
0xbd: {  	v2 =	vld [tilespmem:s21+$0x10];
	_ =	sdelay $0x4  }
0xbe: {  	s20 =	sadd.s32 $0x1, s20;
	v1 =	vmul.f32 v2, v1  }
0xbf: {  	p0 =	sne.s32 s20, $0x7D  }
.Ltmp2:
0xc0: {  	[tilespmem:s23+$0x10] =	vst v1;
	(pc) =	sbr.rel @p0 .LBB2_4-.Ltmp2, $4  }
0xc1: {  	[spmem:s2] =	stream.indirect.scatter.add.f32 [tilespmem:s18], [sflag:$0x2], $0x30, s0, s3, $0xb8;
	[tilespmem:$0xF5F0] =	vst v63  }
0xc2: {  	_ =	swait.ge [sflag:s28], $0xF00  }
0xc3: {  	[sflag:s28] =	ssyncset.done $0x0  }
0xc4: {  	[sflag:s28] =	ssyncadd.s32 $0xFFFFF100  }
0xc5: {  	s19 =	stileid.u32  }
0xc6: {  	[bflag:$0x0] =	sbarrier.arrive $0xFFFF;
	s19 =	sshll.u32 s19, $0x6  }
0xc7: {  	s20 =	sshrl.u32 s9, $0x3;
	s21 =	rddreg [dreg:$0x6];
	s19 =	sor.u32 $0x1C02, s19  }
0xc8: {  	[hbm:s21], [sflag:s19] =	dma.local [spmem:s20], $0x1E0  }
0xc9: {  	_ =	swait.ge [sflag:s28], $0x1E0  }
0xca: {  	[sflag:s28] =	ssyncset.done $0x0  }
0xcb: {  	s22 =	sshrl.u32 s10, $0x3;
	s23 =	rddreg [dreg:$0x7];
	[sflag:s28] =	ssyncadd.s32 $0xFFFFFE20  }
0xcc: {  	[hbm:s23], [sflag:s19] =	dma.local [spmem:s22], $0x1E0  }
0xcd: {  	_ =	swait.ge [sflag:s28], $0x1E0  }
0xce: {  	[sflag:s28] =	ssyncset.done $0x0  }
0xcf: {  	s22 =	sshrl.u32 s11, $0x3;
	s23 =	rddreg [dreg:$0x8];
	[sflag:s28] =	ssyncadd.s32 $0xFFFFFE20  }
0xd0: {  	[hbm:s23], [sflag:s19] =	dma.local [spmem:s22], $0x1E0  }
0xd1: {  	_ =	swait.ge [sflag:s28], $0x1E0  }
0xd2: {  	[sflag:s28] =	ssyncset.done $0x0  }
0xd3: {  	s22 =	sshrl.u32 s12, $0x3;
	s23 =	rddreg [dreg:$0x9];
	[sflag:s28] =	ssyncadd.s32 $0xFFFFFE20  }
0xd4: {  	[hbm:s23], [sflag:s19] =	dma.local [spmem:s22], $0x1E0  }
0xd5: {  	_ =	swait.ge [sflag:s28], $0x1E0  }
0xd6: {  	[sflag:s28] =	ssyncset.done $0x0  }
0xd7: {  	s22 =	sshrl.u32 s13, $0x3;
	s23 =	rddreg [dreg:$0xa];
	[sflag:s28] =	ssyncadd.s32 $0xFFFFFE20  }
0xd8: {  	[hbm:s23], [sflag:s19] =	dma.local [spmem:s22], $0x1E0  }
0xd9: {  	_ =	swait.ge [sflag:s28], $0x1E0  }
0xda: {  	[sflag:s28] =	ssyncset.done $0x0  }
0xdb: {  	s22 =	sshrl.u32 s14, $0x3;
	s23 =	rddreg [dreg:$0xb];
	[sflag:s28] =	ssyncadd.s32 $0xFFFFFE20  }
0xdc: {  	[hbm:s23], [sflag:s19] =	dma.local [spmem:s22], $0x1E0  }
0xdd: {  	_ =	swait.ge [sflag:s28], $0x1E0  }
0xde: {  	[sflag:s28] =	ssyncset.done $0x0  }
0xdf: {  	s21 =	sshrl.u32 s15, $0x3;
	s22 =	rddreg [dreg:$0xc];
	[sflag:s28] =	ssyncadd.s32 $0xFFFFFE20  }
0xe0: {  	[hbm:s22], [sflag:s19] =	dma.local [spmem:s21], $0x1E0  }
0xe1: {  	s4 =	sadd.s32 $0x1, s4;
	_ =	swait.ge [sflag:s28], $0x1E0  }
0xe2: {  	p0 =	sne.s32 s4, s25;
	[sflag:s28] =	ssyncset.done $0x0  }
.Ltmp3:
0xe3: {  	s23 =	sshrl.u32 s26, $0x3;
	[sflag:s28] =	ssyncadd.s32 $0xFFFFFE20;
	(pc) =	sbr.rel @p0 .LBB2_1-.Ltmp3, $4  }
0xe4: {  	[hbm:s24], [sflag:s19] =	dma.local [spmem:s23], $0x1E0  }
0xe5: {  	_ =	swait.ge [sflag:s28], $0x1E0  }
0xe6: {  	[sflag:s28] =	ssyncset.done $0x0  }
0xe7: {  	[sflag:s28] =	ssyncadd.s32 $0xFFFFFE20  }
0xe8: {  	_ =	sfence.sel $0x180000  }
0xe9: {  	[bflag:$0x0] =	sbarrier.arrive $0xFFFF  }
0xea: {  	_ =	strace $0x9000004D  }
0xeb: {  	s0 =	stileid.u32;
	[bflag:$0x2] =	sbarrier.arrive $0xFFFF  }
0xec: {  	p0 =	sne.s32 s0, $0x0;
	s0 =	rddreg [dreg:$0x3]  }
0xed: {  	s0 =	sadd.s32 @!p0 $0x100000, s0  }
0xee: {  	[sflag:s0] =	ssyncadd.tile.s32 @!p0 $0x1;
	_ =	shalt  }
.Lfunc_end2:
_tile_overlayer_lowered:
.L_overlay_start_2:
0xef: {  	(tag) =	ssettag $0x2  }
0xf0: {  	s0 =	rddreg [dreg:$0x0];
	s2 =	stileid.u32  }
0xf1: {  	s1 =	rddreg [dreg:$0x1];
	p0 =	sne.s32 s2, $0x0  }
0xf2: {  	s3 =	rddreg [dreg:$0x2];
	[bflag:$0x3] =	sbarrier.arrive $0xFFFF;
	s2 =	simm.s32 @!p0 $0x1C02  }
0xf3: {  	[timem:s3], [sflag:s2] =	dma.local @!p0 [hbm:s0], s1  }
0xf4: {  	s0 =	simm.s32 @!p0 $0x2  }
0xf5: {  	_ =	swait.ge @!p0 [sflag:s0], s1  }
0xf6: {  	s1 =	ssub.s32 @!p0 $0x0, s1;
	[sflag:s0] =	ssyncset.done @!p0 $0x0  }
0xf7: {  	[sflag:s0] =	ssyncadd.s32 @!p0 s1  }
0xf8: {  	[bflag:$0x3] =	sbarrier.arrive $0xFFFF  }
0xf9: {  	_ =	shalt  }

// kernel: kernel.8.cloned.1.call-start
scs
__scs_entry_jumppad:
0x0: {  	(pc) =	sbr.rel $0x88, $3  }
0x1: {  	(tag) =	ssettag $0x0;
	lr =	simm.s32 $0x1  }
0x2: {  	[smem:$0x3F99] =	sst lr;
	_ =	strace $0xD0000000  }
0x3: {  	_ = 	snop  }
0x4: {  	_ = 	snop  }
0x5: {  	_ = 	snop  }
0x6: {  	_ = 	snop  }
0x7: {  	_ = 	snop  }
__scs_overlays_trampoline_lowered:
0x8: {  	[smem:$0x3FA8] =	sst s0  }
0x9: {  	[smem:$0x3FA9] =	sst s1  }
0xa: {  	[smem:$0x3FAA] =	sst s2  }
0xb: {  	[smem:$0x3FAB] =	sst s3  }
0xc: {  	[smem:$0x3FAC] =	sst s4  }
0xd: {  	[smem:$0x3FAD] =	sst s5  }
0xe: {  	[smem:$0x3FAE] =	sst s6  }
0xf: {  	[smem:$0x3FAF] =	sst s7  }
0x10: {  	[smem:$0x3FB0] =	sst s8  }
0x11: {  	[smem:$0x3FB1] =	sst s9;
	s0 =	simm.s32 @!p0 $0x0  }
0x12: {  	s1 =	sld [smem:$0x3F97];
	s0 =	simm.s32 @p0 $0x1  }
0x13: {  	[smem:$0x3FB2] =	sst s0;
	s0 =	simm.s32 @!p1 $0x0  }
0x14: {  	s2 =	sld [smem:$0x3F96];
	s0 =	simm.s32 @p1 $0x1  }
0x15: {  	[smem:$0x3FB3] =	sst s0;
	s0 =	simm.s32 @!p2 $0x0  }
0x16: {  	s3 =	sld [smem:$0x3FDB];
	s0 =	simm.s32 @p2 $0x1  }
0x17: {  	s4 =	simm.s32 $0x1BF5;
	[smem:$0x3FB5] =	sst s0  }
0x18: {  	s0 =	sld [smem:$0x3F98];
	_ =	swait.ge [sflag:s4], $0x0  }
0x19: {  	s7 =	sld [smem:$0x3F99]  }
0x1a: {  	s8 =	sadd.s32 $0xFFFFE003, lr  }
0x1b: {  	s9 =	sadd.s32 $0xFFFFFEF7, lr;
	s5 =	simm.s32 $0xFFFFFFFF;
	p2 =	slt.u32 s8, $0xFFFFF086  }
0x1c: {  	p1 =	slt.u32 s9, $0xF7A;
	s5 =	simm.s32 @!p2 $0x0  }
0x1d: {  	s5 =	simm.s32 @p1 $0x1;
	p0 =	seq.s32 s7, s2  }
0x1e: {  	s7 =	smul.u32 @!p0 $0xF7A, s2;
	p2 =	seq.s32 @!p0 s5, $0x0  }
0x1f: {  	s9 =	smul.u32 $0xF7A, s1;
	s8 =	simm.s32 @!p0 $0x1BF5;
	p2 =	por !p2, p0  }
0x20: {  	[sflag:s8] =	ssyncset.s32 @!p0 $0xFFFFF086;
	s6 =	sadd.s32 @!p0 s3, s7;
	s7 =	simm.s32 @!p0 $0x108  }
0x21: {  	s3 =	sadd.s32 s3, s9;
	s6 =	sadd.s32 @!p0 $0x88, s6;
	s7 =	simm.s32 @p2 $0x1082  }
0x22: {  	[simem:s7], [sflag:s8] =	dma.local @!p0 [hbm:s6], $0xF7A  }
0x23: {  	s9 =	sor.u32 $0xD0000000, s2;
	s6 =	simm.s32 $0x108;
	_ =	swait.ge @!p0 [sflag:s8], $0x0  }
0x24: {  	s3 =	sadd.s32 $0x88, s3;
	s6 =	simm.s32 @!p1 $0x1082;
	[sflag:s4] =	ssyncset.s32 $0xFFFFF086  }
0x25: {  	[simem:s6], [sflag:s4] =	dma.local [hbm:s3], $0xF7A  }
0x26: {  	[smem:$0x3F99] =	sst s1;
	(tag) =	ssettag s2;
	_ =	strace s9  }
0x27: {  	s1 =	sld [smem:$0x3FA9]  }
0x28: {  	s2 =	sld [smem:$0x3FAA]  }
0x29: {  	s4 =	sld [smem:$0x3FAC]  }
0x2a: {  	p0 =	seq.s32 s5, $0x0;
	s5 =	sld [smem:$0x3FAD]  }
0x2b: {  	s6 =	sld [smem:$0x3FAE]  }
0x2c: {  	s7 =	sld [smem:$0x3FAF]  }
0x2d: {  	s3 =	simm.s32 $0x108;
	s8 =	sld [smem:$0x3FB0]  }
0x2e: {  	s3 =	simm.s32 @!p0 $0x1082;
	s9 =	sld [smem:$0x3FB1]  }
0x2f: {  	lr =	sadd.s32 s0, s3;
	s0 =	sld [smem:$0x3FA8]  }
0x30: {  	s3 =	sld [smem:$0x3FAB]  }
0x31: {  	[smem:$0x3FB4] =	sst s10  }
0x32: {  	s10 =	sld [smem:$0x3FB2];
	_ =	sdelay $0x3  }
0x33: {  	p0 =	seq.s32 s10, $0x1;
	s10 =	sld [smem:$0x3FB4];
	_ =	sdelay $0x3  }
0x34: {  	[smem:$0x3FB4] =	sst s10  }
0x35: {  	s10 =	sld [smem:$0x3FB3];
	_ =	sdelay $0x3  }
0x36: {  	p1 =	seq.s32 s10, $0x1;
	s10 =	sld [smem:$0x3FB4];
	_ =	sdelay $0x3  }
0x37: {  	[smem:$0x3FB4] =	sst s10  }
0x38: {  	s10 =	sld [smem:$0x3FB5]  }
0x39: {  	_ = 	snop;
	(pc) =	sbr.ind lr, $3  }
0x3a: {  	_ = 	snop  }
0x3b: {  	_ = 	snop  }
0x3c: {  	p2 =	seq.s32 s10, $0x1;
	s10 =	sld [smem:$0x3FB4]  }
0x3d: {  	_ =	shalt  }
0x3e: {  	_ =	shalt  }
0x3f: {  	_ =	shalt  }
0x40: {  	_ =	shalt  }
0x41: {  	_ =	shalt  }
0x42: {  	_ =	shalt  }
0x43: {  	_ =	shalt  }
0x44: {  	_ =	shalt  }
0x45: {  	_ =	shalt  }
0x46: {  	_ =	shalt  }
0x47: {  	_ =	shalt  }
0x48: {  	_ =	shalt  }
0x49: {  	_ =	shalt  }
0x4a: {  	_ =	shalt  }
0x4b: {  	_ =	shalt  }
0x4c: {  	_ =	shalt  }
0x4d: {  	_ =	shalt  }
0x4e: {  	_ =	shalt  }
0x4f: {  	_ =	shalt  }
0x50: {  	_ =	shalt  }
0x51: {  	_ =	shalt  }
0x52: {  	_ =	shalt  }
0x53: {  	_ =	shalt  }
0x54: {  	_ =	shalt  }
0x55: {  	_ =	shalt  }
0x56: {  	_ =	shalt  }
0x57: {  	_ =	shalt  }
0x58: {  	_ =	shalt  }
0x59: {  	_ =	shalt  }
0x5a: {  	_ =	shalt  }
0x5b: {  	_ =	shalt  }
0x5c: {  	_ =	shalt  }
0x5d: {  	_ =	shalt  }
0x5e: {  	_ =	shalt  }
0x5f: {  	_ =	shalt  }
0x60: {  	_ =	shalt  }
0x61: {  	_ =	shalt  }
0x62: {  	_ =	shalt  }
0x63: {  	_ =	shalt  }
0x64: {  	_ =	shalt  }
0x65: {  	_ =	shalt  }
0x66: {  	_ =	shalt  }
0x67: {  	_ =	shalt  }
0x68: {  	_ =	shalt  }
0x69: {  	_ =	shalt  }
0x6a: {  	_ =	shalt  }
0x6b: {  	_ =	shalt  }
0x6c: {  	_ =	shalt  }
0x6d: {  	_ =	shalt  }
0x6e: {  	_ =	shalt  }
0x6f: {  	_ =	shalt  }
0x70: {  	_ =	shalt  }
0x71: {  	_ =	shalt  }
0x72: {  	_ =	shalt  }
0x73: {  	_ =	shalt  }
0x74: {  	_ =	shalt  }
0x75: {  	_ =	shalt  }
0x76: {  	_ =	shalt  }
0x77: {  	_ =	shalt  }
0x78: {  	_ =	shalt  }
0x79: {  	_ =	shalt  }
0x7a: {  	_ =	shalt  }
0x7b: {  	_ =	shalt  }
0x7c: {  	_ =	shalt  }
0x7d: {  	_ =	shalt  }
0x7e: {  	_ =	shalt  }
0x7f: {  	_ =	shalt  }
0x80: {  	_ =	shalt  }
0x81: {  	_ =	shalt  }
0x82: {  	_ =	shalt  }
0x83: {  	_ =	shalt  }
0x84: {  	_ =	shalt  }
0x85: {  	_ =	shalt  }
0x86: {  	_ =	shalt  }
0x87: {  	_ =	shalt  }
.Lfunc_end0:
.L_simem_size_0:
called_computation_lowered:
.L_overlay_start_0:
0x88: {  	s2 =	sld [smem:$0x3FD9]  }
0x89: {  	s3 =	sld [smem:$0x3FFE];
	_ =	sdelay $0x1  }
0x8a: {  	s1 =	srdreg.scid  }
0x8b: {  	s0 =	sand.u32 $0x1, s1  }
0x8c: {  	s17 =	sshll.u32 s0, $0xA;
	s2 =	sadd.s32 s3, s2  }
0x8d: {  	s2 =	sadd.s32 s2, s17  }
0x8e: {  	[smem:$0x3FC0] =	sst s2  }
0x8f: {  	_ = 	snop  }
0x90: {  	s2 =	sld [smem:$0x3FD0];
	(tm) =	ssettm $0x1  }
0x91: {  	s18 =	sld [smem:$0x3FFB];
	_ =	sdelay $0x3  }
0x92: {  	_ =	strace s18  }
0x93: {  	s3 =	sld [smem:$0x3FFC];
	_ =	sdelay $0x3  }
0x94: {  	_ =	strace s3  }
0x95: {  	s3 =	sld [smem:$0x3FFD];
	_ =	sdelay $0x3  }
0x96: {  	_ =	strace s3  }
0x97: {  	_ =	strace $0x8FFFFFFF  }
0x98: {  	s19 =	sld [smem:$0x3FDB];
	_ =	sdelay $0x1  }
0x99: {  	s4 =	simm.s32 $_scs_section_size  }
0x9a: {  	s5 =	simm.s32 $_size__tile_overlayer_lowered;
	s6 =	simm.s32 $_tile_overlayer_lowered  }
0x9b: {  	s22 =	simm.s32 $0x1BFF;
	s21 =	sshll.u32 s6, $0x1;
	s3 =	sadd.s32 s4, s19  }
0x9c: {  	s7 =	simm.s32 $0x0;
	s20 =	sshll.u32 s5, $0x1;
	s5 =	sadd.s32 s21, s3  }
0x9d: {  	[timem:s7], [sflag:s22] =	dma.local [hbm:s5], s20  }
0x9e: {  	_ =	swait.ge [sflag:s22], s20  }
0x9f: {  	s4 =	ssub.s32 $0x0, s20;
	[sflag:s22] =	ssyncset.done $0x0  }
0xa0: {  	[sflag:s22] =	ssyncadd.s32 s4;
	_ =	sdelay $0x1  }
0xa1: {  	s23 =	simm.s32 $0x1B8B  }
0xa2: {  	_ =	swait.ge [sflag:s23], $0x1  }
0xa3: {  	[sflag:s23] =	ssyncset.done $0x0  }
0xa4: {  	s25 =	simm.s32 $0x1B8E;
	s24 =	sld [smem:$0x3FFE];
	[sflag:s23] =	ssyncadd.s32 $0xFFFFFFFF  }
0xa5: {  	s26 =	simm.s32 $execute0_lowered;
	[smem:$0x3FD2] =	sst s25  }
0xa6: {  	s5 =	sshll.u32 s26, $0x1;
	_ =	strace $0x80000046;
	[dreg:$0x1] =	wrdreg $0xFFFFFFFF  }
0xa7: {  	s28 =	simm.s32 $_size_execute0_lowered;
	s3 =	sadd.s32 s3, s5;
	[dreg:$0x0] =	wrdreg $0x0  }
0xa8: {  	s5 =	sshll.u32 s28, $0x1;
	[dreg:$0x2] =	wrdreg s3  }
0xa9: {  	[dreg:$0x3] =	wrdreg s5  }
0xaa: {  	[dreg:$0x4] =	wrdreg $0xC0  }
0xab: {  	_ =	task [dreg:s7], $0x5FFFF  }
0xac: {  	[dreg:$0x1] =	wrdreg $0xFFFFFFFF  }
0xad: {  	[dreg:$0x0] =	wrdreg $0x60  }
0xae: {  	[dreg:$0x2] =	wrdreg s24  }
0xaf: {  	[dreg:$0x3] =	wrdreg s2  }
0xb0: {  	[dreg:$0x4] =	wrdreg $0x9  }
0xb1: {  	_ =	task.clear_ibuf [dreg:s7], $0x5FFFF;
	_ =	strace $0x90000046  }
0xb2: {  	s29 =	simm.s32 $0x9;
	_ =	strace $0x80000048  }
0xb3: {  	_ =	swait.ge [sflag:s29], $0x1  }
0xb4: {  	[sflag:s29] =	ssyncadd.s32 $0xFFFFFFFF  }
0xb5: {  	_ =	strace $0x90000048  }
0xb6: {  	_ =	sfence  }
0xb7: {  	s30 =	sld [smem:$0x0];
	_ =	sdelay $0x2  }
0xb8: {  	s31 =	sshll.u32 s1, $0xD;
	s1 =	sshrl.u32 s1, $0x2  }
0xb9: {  	s3 =	sand.u32 $0x4000, s31;
	s1 =	sadd.s32 s1, s30  }
0xba: {  	s0 =	sor.u32 s3, s0;
	s1 =	sshll.u32 s1, $0x11  }
0xbb: {  	s0 =	sor.u32 s1, s0  }
0xbc: {  	s0 =	sadd.s32 $0x8F2B, s0  }
0xbd: {  	[sflag:s0] =	ssyncadd.remote.s32 $0x1  }
0xbe: {  	_ =	sfence.sel $0xFFFF  }
0xbf: {  	[dreg:$0x0] =	wrdreg $0xFFFFFFFF;
	(pc) =	sbr.abs _section_cstart, $3  }
0xc0: {  	[dreg:$0x1] =	wrdreg $0xFFFFFFFF  }
0xc1: {  	_ =	task.clear_ibuf [dreg:s7], $0x2FFFF;
	_ =	strace $0x9FFFFFFF  }
0xc2: {  	(tm) =	ssettm $0x7FFFFFFF  }
0xc3: {  	_ =	shalt  }
tec
execute0_lowered:
.L_overlay_start_1:
0x0: {  	(tag) =	ssettag $0x1  }
0x1: {  	s4 =	rddreg [dreg:$0x0]  }
0x2: {  	s1 =	rddreg [dreg:$0x1]  }
0x3: {  	s0 =	rddreg [dreg:$0x2];
	s2 =	simm.s32 $0x0  }
0x4: {  	s3 =	srdreg.scid;
	s5 =	stileid.u32;
	s15 =	simm.s32 $0x4E20  }
0x5: {  	s16 =	simm.s32 $0x9F60;
	s17 =	simm.s32 $0x0;
	[smem:$0x7FF] =	sst s2  }
0x6: {  	s10 =	sadd.s32 $0xAA00, s4;
	s11 =	sadd.s32 $0x1DF600, s4;
	s9 =	sand.u32 $0x1, s3  }
0x7: {  	s3 =	sadd.s32 $0xC00, s4;
	s4 =	sadd.s32 $0xD200, s4;
	s8 =	smul.u32 $0x9C4, s9  }
0x8: {  	s6 =	ssub.s32 $0x2, s9;
	s12 =	sor.u32 $0x2, s9;
	s9 =	smul.u32 $0x9C400, s9  }
0x9: {  	_ =	strace $0x80000047;
	s7 =	sshrl.u32 s6, $0x1;
	s14 =	smul.u32 $0x9C4, s12  }
0xa: {  	s12 =	smul.u32 $0x9C400, s12;
	s13 =	ssub.s32 s6, s7;
	s6 =	sadd.s32 s10, s8  }
0xb: {  	v0 =	vlaneseq.u32;
	s7 =	sadd.s32 s11, s8;
	s8 =	smul.u32 $0x4E20, s5;
	s10 =	sadd.s32 s10, s14  }
0xc: {  	v0 =	vmul.u32 $0x2, v0;
	s11 =	sadd.s32 s11, s14;
	s13 =	smax.u32 s13, $0x1;
	s14 =	simm.s32 $0x1  }
.LBB2_1:
0xd: {  	[tilespmem:s2], [sflag:$0x1] =	stream.linear.gather [hbm4b:s6+s2], $0x4E20, $0x38;
	[tilespmem:$0xA280] =	vst v63  }
0xe: {  	_ =	swait.ge [sflag:s14], $0x4E20  }
0xf: {  	[sflag:s14] =	ssyncset.done $0x0  }
0x10: {  	[sflag:s14] =	ssyncadd.s32 $0xFFFFB1E0  }
0x11: {  	[tilespmem:s15], [sflag:$0x1] =	stream.linear.gather [hbm4b:s7+s2], $0x4E20, $0x38;
	[tilespmem:$0xA280] =	vst v63  }
0x12: {  	_ =	swait.ge [sflag:s14], $0x4E20  }
0x13: {  	[sflag:s14] =	ssyncset.done $0x0  }
0x14: {  	s18 =	simm.s32 $0x0;
	[sflag:s14] =	ssyncadd.s32 $0xFFFFB1E0  }
.LBB2_2:
0x15: {  	s19 =	smul.u32 $0x190, s18;
	_ =	sdelay $0x1  }
0x16: {  	s19 =	sadd.s32 s8, s19  }
0x17: {  	s21 =	sshrl.u32 s19, $0x3  }
0x18: {  	s23 =	simm.s32 $0x0;
	s20 =	simm.s32 $0x9C40;
	s22 =	sadd.s32 s3, s21  }
0x19: {  	[tilespmem:s20], [sflag:$0x1] =	stream.linear.gather [hbm4b:s22+s23], $0x190, $0x38;
	[tilespmem:$0xA280] =	vst v63  }
0x1a: {  	_ =	swait.ge [sflag:s14], $0x190  }
0x1b: {  	[sflag:s14] =	ssyncset.done $0x0  }
0x1c: {  	s31 =	sadd.s32 s1, s21;
	s21 =	simm.s32 $0x9DD0;
	[sflag:s14] =	ssyncadd.s32 $0xFFFFFE70  }
0x1d: {  	[tilespmem:s21], [sflag:$0x1] =	stream.linear.gather [hbm4b:s31+s23], $0x190, $0x38;
	[tilespmem:$0xA280] =	vst v63  }
0x1e: {  	_ =	swait.ge [sflag:s14], $0x190  }
0x1f: {  	[sflag:s14] =	ssyncset.done $0x0  }
0x20: {  	[sflag:s14] =	ssyncadd.s32 $0xFFFFFE70  }
0x21: {  	v1 =	vld [tilespmem:s20+$0x0]  }
0x22: {  	v2 =	vld [tilespmem:s21+$0x0];
	_ =	sdelay $0x3  }
0x23: {  	v1 =	vshll.u32 v1, $0x1  }
0x24: {  	v2 =	vshll.u32 v2, $0x1;
	_ =	sdelay $0x3  }
0x25: {  	v3 =	vld.idx.msk [tilespmem:v1+s2+$0x0], $0xffff  }
0x26: {  	v4 =	vld.idx.msk [tilespmem:v2+s15+$0x0], $0xffff;
	_ =	sdelay $0x4  }
0x27: {  	v3 =	vadd.f32 v4, v3;
	_ =	sdelay $0x1  }
0x28: {  	v4 =	vmul.f32 $2.000000030e-01, v3  }
0x29: {  	vm0 =	vgt.f32 v3, $0.0e+00  }
0x2a: {  	v3 =	vsel vm0, v3, v4  }
0x2b: {  	v3 =	vmul.f32 $1.442695020e+00, v3;
	_ =	sdelay $0x1  }
0x2c: {  	(erf) = vpow2.f32 v3;
	_ =	sdelay $0x2  }
0x2d: {  	v3 =	vmov s23  }
0x2e: {  	v3 =	vshll.u32 v3, $0x1  }
0x2f: {  	v3 =	vor.u32 v0, v3  }
0x30: {  	v1 =	vor.u32 $0x1, v1  }
0x31: {  	v2 =	vor.u32 $0x1, v2;
	_ =	sdelay $0x1  }
0x32: {  	v63 =	vpop (erf)  }
0x33: {  	[tilespmem:v3+s16+$0x0] =	vst.idx.msk $0xffff, v63  }
0x34: {  	v1 =	vld.idx.msk [tilespmem:v1+s2+$0x0], $0xffff  }
0x35: {  	v2 =	vld.idx.msk [tilespmem:v2+s15+$0x0], $0xffff;
	_ =	sdelay $0x4  }
0x36: {  	v1 =	vadd.f32 v2, v1;
	_ =	sdelay $0x1  }
0x37: {  	v2 =	vmul.f32 $2.000000030e-01, v1  }
0x38: {  	vm15 =	vgt.f32 v1, $0.0e+00  }
0x39: {  	v1 =	vsel vm15, v1, v2  }
0x3a: {  	v1 =	vmul.f32 $1.442695020e+00, v1;
	_ =	sdelay $0x1  }
0x3b: {  	(erf) = vpow2.f32 v1;
	_ =	sdelay $0x3  }
0x3c: {  	s22 =	simm.s32 $0x10;
	v1 =	vor.u32 $0x1, v3  }
.LBB2_3:
0x3d: {  	_ =	sdelay $0x3  }
0x3e: {  	p0 =	sne.s32 s22, $0x180;
	s20 =	sadd.s32 $0x10, s20;
	s21 =	sadd.s32 $0x10, s21;
	v2 =	vpop (erf)  }
0x3f: {  	s23 =	smov.u32 s22;
	s22 =	sadd.s32 $0x10, s22;
	[tilespmem:v1+s16+$0x0] =	vst.idx.msk $0xffff, v2  }
0x40: {  	v1 =	vld [tilespmem:s20+$0x0]  }
0x41: {  	v2 =	vld [tilespmem:s21+$0x0];
	_ =	sdelay $0x3  }
0x42: {  	v1 =	vshll.u32 v1, $0x1  }
0x43: {  	v2 =	vshll.u32 v2, $0x1;
	_ =	sdelay $0x3  }
0x44: {  	v3 =	vld.idx.msk [tilespmem:v1+s2+$0x0], $0xffff  }
0x45: {  	v4 =	vld.idx.msk [tilespmem:v2+s15+$0x0], $0xffff;
	_ =	sdelay $0x5  }
0x46: {  	v3 =	vadd.f32 v4, v3;
	_ =	sdelay $0x1  }
0x47: {  	v4 =	vmul.f32 $2.000000030e-01, v3  }
0x48: {  	vm0 =	vgt.f32 v3, $0.0e+00  }
0x49: {  	v3 =	vsel vm0, v3, v4  }
0x4a: {  	v3 =	vmul.f32 $1.442695020e+00, v3;
	_ =	sdelay $0x1  }
0x4b: {  	(erf) = vpow2.f32 v3;
	_ =	sdelay $0x2  }
0x4c: {  	v3 =	vmov s23  }
0x4d: {  	v3 =	vshll.u32 v3, $0x1  }
0x4e: {  	v3 =	vor.u32 v0, v3  }
0x4f: {  	v1 =	vor.u32 $0x1, v1;
	v2 =	vor.u32 $0x1, v2;
	_ =	sdelay $0x2  }
0x50: {  	v4 =	vpop (erf)  }
0x51: {  	[tilespmem:v3+s16+$0x0] =	vst.idx.msk $0xffff, v4  }
0x52: {  	v1 =	vld.idx.msk [tilespmem:v1+s2+$0x0], $0xffff  }
0x53: {  	v2 =	vld.idx.msk [tilespmem:v2+s15+$0x0], $0xffff;
	_ =	sdelay $0x5  }
0x54: {  	v1 =	vadd.f32 v2, v1;
	_ =	sdelay $0x1  }
0x55: {  	vm0 =	vgt.f32 v1, $0.0e+00;
	v2 =	vmul.f32 $2.000000030e-01, v1;
	_ =	sdelay $0x1  }
0x56: {  	v1 =	vsel vm0, v1, v2  }
0x57: {  	v1 =	vmul.f32 $1.442695020e+00, v1;
	_ =	sdelay $0x1  }
.Ltmp0:
0x58: {  	(erf) = vpow2.f32 v1;
	(pc) =	sbr.rel @p0 .LBB2_3-.Ltmp0, $2  }
0x59: {  	_ =	sdelay $0x2  }
0x5a: {  	v1 =	vor.u32 $0x1, v3  }
0x5b: {  	_ =	sdelay $0x1  }
0x5c: {  	s19 =	sshll.u32 s19, $0x1  }
0x5d: {  	s18 =	sadd.s32 $0x1, s18;
	s19 =	sadd.s32 s9, s19  }
0x5e: {  	p0 =	sne.s32 s18, $0x32;
	s19 =	sshrl.u32 s19, $0x3;
	v2 =	vpop (erf)  }
.Ltmp1:
0x5f: {  	s19 =	sadd.s32 s4, s19;
	[tilespmem:v1+s16+$0x0] =	vst.idx.msk $0xffff, v2;
	(pc) =	sbr.rel @p0 .LBB2_2-.Ltmp1, $4  }
0x60: {  	[hbm4b:s19+s2] =	stream.linear.scatter [tilespmem:s16], [sflag:$0x1], $0x320, $0x38;
	[tilespmem:$0xA280] =	vst v63  }
0x61: {  	_ =	swait.ge [sflag:s14], $0x320  }
0x62: {  	[sflag:s14] =	ssyncset.done $0x0  }
0x63: {  	[sflag:s14] =	ssyncadd.s32 $0xFFFFFCE0  }
0x64: {  	s18 =	simm.s32 $0x0  }
0x65: {  	[tilespmem:s18], [sflag:$0x1] =	stream.linear.gather [hbm4b:s10+s18], $0x4E20, $0x38;
	[tilespmem:$0xA280] =	vst v63  }
0x66: {  	_ =	swait.ge [sflag:s14], $0x4E20  }
0x67: {  	[sflag:s14] =	ssyncset.done $0x0  }
0x68: {  	[sflag:s14] =	ssyncadd.s32 $0xFFFFB1E0  }
0x69: {  	[tilespmem:s15], [sflag:$0x1] =	stream.linear.gather [hbm4b:s11+s18], $0x4E20, $0x38;
	[tilespmem:$0xA280] =	vst v63  }
0x6a: {  	_ =	swait.ge [sflag:s14], $0x4E20  }
0x6b: {  	[sflag:s14] =	ssyncset.done $0x0  }
0x6c: {  	s19 =	simm.s32 $0x0;
	[sflag:s14] =	ssyncadd.s32 $0xFFFFB1E0  }
.LBB2_6:
0x6d: {  	s20 =	smul.u32 $0x190, s19;
	_ =	sdelay $0x1  }
0x6e: {  	s20 =	sadd.s32 s8, s20  }
0x6f: {  	s22 =	sshrl.u32 s20, $0x3  }
0x70: {  	s21 =	simm.s32 $0x9C40;
	s23 =	sadd.s32 s3, s22  }
0x71: {  	[tilespmem:s21], [sflag:$0x1] =	stream.linear.gather [hbm4b:s23+s18], $0x190, $0x38;
	[tilespmem:$0xA280] =	vst v63  }
0x72: {  	_ =	swait.ge [sflag:s14], $0x190  }
0x73: {  	[sflag:s14] =	ssyncset.done $0x0  }
0x74: {  	s31 =	sadd.s32 s1, s22;
	s22 =	simm.s32 $0x9DD0;
	[sflag:s14] =	ssyncadd.s32 $0xFFFFFE70  }
0x75: {  	[tilespmem:s22], [sflag:$0x1] =	stream.linear.gather [hbm4b:s31+s18], $0x190, $0x38;
	[tilespmem:$0xA280] =	vst v63  }
0x76: {  	_ =	swait.ge [sflag:s14], $0x190  }
0x77: {  	[sflag:s14] =	ssyncset.done $0x0  }
0x78: {  	[sflag:s14] =	ssyncadd.s32 $0xFFFFFE70  }
0x79: {  	v1 =	vld [tilespmem:s21+$0x0]  }
0x7a: {  	v2 =	vld [tilespmem:s22+$0x0];
	_ =	sdelay $0x3  }
0x7b: {  	v1 =	vshll.u32 v1, $0x1  }
0x7c: {  	v2 =	vshll.u32 v2, $0x1;
	_ =	sdelay $0x3  }
0x7d: {  	v3 =	vld.idx.msk [tilespmem:v1+s2+$0x0], $0xffff  }
0x7e: {  	v4 =	vld.idx.msk [tilespmem:v2+s15+$0x0], $0xffff;
	_ =	sdelay $0x4  }
0x7f: {  	v3 =	vadd.f32 v4, v3;
	_ =	sdelay $0x1  }
0x80: {  	v4 =	vmul.f32 $2.000000030e-01, v3  }
0x81: {  	vm0 =	vgt.f32 v3, $0.0e+00  }
0x82: {  	v3 =	vsel vm0, v3, v4  }
0x83: {  	v3 =	vmul.f32 $1.442695020e+00, v3;
	_ =	sdelay $0x1  }
0x84: {  	(erf) = vpow2.f32 v3;
	_ =	sdelay $0x2  }
0x85: {  	v3 =	vmov s18  }
0x86: {  	v3 =	vshll.u32 v3, $0x1  }
0x87: {  	v3 =	vor.u32 v0, v3  }
0x88: {  	v1 =	vor.u32 $0x1, v1  }
0x89: {  	v2 =	vor.u32 $0x1, v2;
	_ =	sdelay $0x1  }
0x8a: {  	v63 =	vpop (erf)  }
0x8b: {  	[tilespmem:v3+s16+$0x0] =	vst.idx.msk $0xffff, v63  }
0x8c: {  	v1 =	vld.idx.msk [tilespmem:v1+s2+$0x0], $0xffff  }
0x8d: {  	v2 =	vld.idx.msk [tilespmem:v2+s15+$0x0], $0xffff;
	_ =	sdelay $0x4  }
0x8e: {  	v1 =	vadd.f32 v2, v1;
	_ =	sdelay $0x1  }
0x8f: {  	v2 =	vmul.f32 $2.000000030e-01, v1  }
0x90: {  	vm15 =	vgt.f32 v1, $0.0e+00  }
0x91: {  	v1 =	vsel vm15, v1, v2  }
0x92: {  	v1 =	vmul.f32 $1.442695020e+00, v1;
	_ =	sdelay $0x1  }
0x93: {  	(erf) = vpow2.f32 v1;
	_ =	sdelay $0x3  }
0x94: {  	s23 =	simm.s32 $0x10;
	v1 =	vor.u32 $0x1, v3  }
.LBB2_7:
0x95: {  	_ =	sdelay $0x3  }
0x96: {  	p0 =	sne.s32 s23, $0x180;
	s21 =	sadd.s32 $0x10, s21;
	s22 =	sadd.s32 $0x10, s22;
	v2 =	vpop (erf)  }
0x97: {  	s24 =	smov.u32 s23;
	s23 =	sadd.s32 $0x10, s23;
	[tilespmem:v1+s16+$0x0] =	vst.idx.msk $0xffff, v2  }
0x98: {  	v1 =	vld [tilespmem:s21+$0x0]  }
0x99: {  	v2 =	vld [tilespmem:s22+$0x0];
	_ =	sdelay $0x3  }
0x9a: {  	v1 =	vshll.u32 v1, $0x1  }
0x9b: {  	v2 =	vshll.u32 v2, $0x1;
	_ =	sdelay $0x3  }
0x9c: {  	v3 =	vld.idx.msk [tilespmem:v1+s2+$0x0], $0xffff  }
0x9d: {  	v4 =	vld.idx.msk [tilespmem:v2+s15+$0x0], $0xffff;
	_ =	sdelay $0x5  }
0x9e: {  	v3 =	vadd.f32 v4, v3;
	_ =	sdelay $0x1  }
0x9f: {  	v4 =	vmul.f32 $2.000000030e-01, v3  }
0xa0: {  	vm0 =	vgt.f32 v3, $0.0e+00  }
0xa1: {  	v3 =	vsel vm0, v3, v4  }
0xa2: {  	v3 =	vmul.f32 $1.442695020e+00, v3;
	_ =	sdelay $0x1  }
0xa3: {  	(erf) = vpow2.f32 v3;
	_ =	sdelay $0x2  }
0xa4: {  	v3 =	vmov s24  }
0xa5: {  	v3 =	vshll.u32 v3, $0x1  }
0xa6: {  	v3 =	vor.u32 v0, v3  }
0xa7: {  	v1 =	vor.u32 $0x1, v1;
	v2 =	vor.u32 $0x1, v2;
	_ =	sdelay $0x2  }
0xa8: {  	v4 =	vpop (erf)  }
0xa9: {  	[tilespmem:v3+s16+$0x0] =	vst.idx.msk $0xffff, v4  }
0xaa: {  	v1 =	vld.idx.msk [tilespmem:v1+s2+$0x0], $0xffff  }
0xab: {  	v2 =	vld.idx.msk [tilespmem:v2+s15+$0x0], $0xffff;
	_ =	sdelay $0x5  }
0xac: {  	v1 =	vadd.f32 v2, v1;
	_ =	sdelay $0x1  }
0xad: {  	vm0 =	vgt.f32 v1, $0.0e+00;
	v2 =	vmul.f32 $2.000000030e-01, v1;
	_ =	sdelay $0x1  }
0xae: {  	v1 =	vsel vm0, v1, v2  }
0xaf: {  	v1 =	vmul.f32 $1.442695020e+00, v1;
	_ =	sdelay $0x1  }
.Ltmp2:
0xb0: {  	(erf) = vpow2.f32 v1;
	(pc) =	sbr.rel @p0 .LBB2_7-.Ltmp2, $2  }
0xb1: {  	_ =	sdelay $0x2  }
0xb2: {  	v1 =	vor.u32 $0x1, v3  }
0xb3: {  	_ =	sdelay $0x1  }
0xb4: {  	s20 =	sshll.u32 s20, $0x1  }
0xb5: {  	s19 =	sadd.s32 $0x1, s19;
	s20 =	sadd.s32 s12, s20  }
0xb6: {  	p0 =	sne.s32 s19, $0x32;
	s20 =	sshrl.u32 s20, $0x3;
	v2 =	vpop (erf)  }
.Ltmp3:
0xb7: {  	s20 =	sadd.s32 s4, s20;
	[tilespmem:v1+s16+$0x0] =	vst.idx.msk $0xffff, v2;
	(pc) =	sbr.rel @p0 .LBB2_6-.Ltmp3, $4  }
0xb8: {  	[hbm4b:s20+s2] =	stream.linear.scatter [tilespmem:s16], [sflag:$0x1], $0x320, $0x38;
	[tilespmem:$0xA280] =	vst v63  }
0xb9: {  	_ =	swait.ge [sflag:s14], $0x320  }
0xba: {  	[sflag:s14] =	ssyncset.done $0x0  }
0xbb: {  	[sflag:s14] =	ssyncadd.s32 $0xFFFFFCE0  }
0xbc: {  	s17 =	sadd.s32 $0x1, s17  }
0xbd: {  	p0 =	sne.s32 s17, s13  }
.Ltmp4:
0xbe: {  	_ = 	snop;
	(pc) =	sbr.rel @p0 .LBB2_1-.Ltmp4, $1  }
0xbf: {  	_ =	sdelay $0x3  }
0xc0: {  	_ =	sfence.sel $0x180000  }
0xc1: {  	[bflag:$0x0] =	sbarrier.arrive $0xFFFF  }
0xc2: {  	p0 =	sne.s32 s5, $0x0;
	_ =	strace $0x90000047  }
0xc3: {  	s0 =	sadd.s32 @!p0 $0x100000, s0;
	[bflag:$0x2] =	sbarrier.arrive $0xFFFF  }
0xc4: {  	[sflag:s0] =	ssyncadd.tile.s32 @!p0 $0x1;
	_ =	shalt  }
.Lfunc_end2:
_tile_overlayer_lowered:
.L_overlay_start_2:
0xc5: {  	(tag) =	ssettag $0x2  }
0xc6: {  	s0 =	rddreg [dreg:$0x0];
	s2 =	stileid.u32  }
0xc7: {  	s1 =	rddreg [dreg:$0x1];
	p0 =	sne.s32 s2, $0x0  }
0xc8: {  	s3 =	rddreg [dreg:$0x2];
	[bflag:$0x3] =	sbarrier.arrive $0xFFFF;
	s2 =	simm.s32 @!p0 $0x1C01  }
0xc9: {  	[timem:s3], [sflag:s2] =	dma.local @!p0 [hbm:s0], s1  }
0xca: {  	s0 =	simm.s32 @!p0 $0x1  }
0xcb: {  	_ =	swait.ge @!p0 [sflag:s0], s1  }
0xcc: {  	s1 =	ssub.s32 @!p0 $0x0, s1;
	[sflag:s0] =	ssyncset.done @!p0 $0x0  }
0xcd: {  	[sflag:s0] =	ssyncadd.s32 @!p0 s1  }
0xce: {  	[bflag:$0x3] =	sbarrier.arrive $0xFFFF  }
0xcf: {  	_ =	shalt  }

</sc_bundles>
